<compile_context>
chip_gen: v7x
topology: tpu7x:2x2x1
jax: 0.10.2.dev20260603
libtpu: 0.0.44.dev20260713+nightly
codegen_flags: <defaults>
</compile_context>

<pallas_src>
import functools

import jax
import jax.numpy as jnp
from jax import lax
from jax.experimental import pallas as pl
from jax.experimental.pallas import tpu as pltpu
from jax.experimental.pallas import tpu_sc as plsc

_B, _L = 4096, 200
_N = _B * _L
_NC, _NS = 2, 16
_NW = _NC * _NS
_PER_W = _N // _NW
_RPC = 2
_CHUNK = _RPC * _L
_NCHUNK = _PER_W // _CHUNK

_LABEL_VOCAB, _POS_VOCAB, _DEP_VOCAB = 42, 48, 42
_LABEL_DIM, _POS_DIM, _DEP_DIM = 64, 32, 32


def _build():
    mesh = plsc.VectorSubcoreMesh(core_axis_name="c", subcore_axis_name="s")

    @functools.partial(
        pl.kernel,
        out_type=(
            jax.ShapeDtypeStruct((_B, _L, _POS_DIM), jnp.float32),
            jax.ShapeDtypeStruct((_B, _L, _DEP_DIM), jnp.float32),
            jax.ShapeDtypeStruct((_B, _L, _LABEL_DIM), jnp.float32),
        ),
        mesh=mesh,
        compiler_params=pltpu.CompilerParams(use_tc_tiling_on_sc=False,
                                             needs_layout_passes=False),
        scratch_types=(
            pltpu.VMEM_SHARED((_POS_VOCAB, _POS_DIM), jnp.float32),
            pltpu.VMEM_SHARED((_DEP_VOCAB, _DEP_DIM), jnp.float32),
            pltpu.VMEM_SHARED((_LABEL_VOCAB, _LABEL_DIM), jnp.float32),
            [pltpu.VMEM((_CHUNK,), jnp.int32) for _ in range(2)],
            [pltpu.VMEM((_CHUNK, _POS_DIM), jnp.float32) for _ in range(2)],
            [pltpu.VMEM((_CHUNK,), jnp.int32) for _ in range(2)],
            [pltpu.VMEM((_CHUNK, _DEP_DIM), jnp.float32) for _ in range(2)],
            [pltpu.VMEM((_CHUNK,), jnp.int32) for _ in range(2)],
            [pltpu.VMEM((_CHUNK, _LABEL_DIM), jnp.float32) for _ in range(2)],
            [pltpu.SemaphoreType.DMA for _ in range(3)],
            [pltpu.SemaphoreType.DMA for _ in range(3)],
            [pltpu.SemaphoreType.DMA for _ in range(3)],
            pltpu.SemaphoreType.DMA,
        ),
    )
    def emb_kernel(label_ids, pos_ids, dep_ids, label_tab, pos_tab, dep_tab,
                   pos_out, dep_out, label_out,
                   pos_tv, dep_tv, lab_tv,
                   pos_idx, pos_rows, dep_idx, dep_rows, lab_idx, lab_rows,
                   sl, sg, ss, st):
        wid = lax.axis_index("s") * _NC + lax.axis_index("c")
        w_base = wid * _PER_W
        w_row = wid * _NCHUNK * _RPC

        @pl.when(lax.axis_index("s") == 0)
        def _():
            pltpu.make_async_copy(pos_tab, pos_tv, st).start()
            pltpu.make_async_copy(dep_tab, dep_tv, st).start()
            pltpu.make_async_copy(label_tab, lab_tv, st).start()
            pltpu.make_async_copy(pos_tab, pos_tv, st).wait()
            pltpu.make_async_copy(dep_tab, dep_tv, st).wait()
            pltpu.make_async_copy(label_tab, lab_tv, st).wait()

        plsc.subcore_barrier()

        tables = (
            (pos_ids, pos_tv, pos_out, pos_idx, pos_rows, 0),
            (dep_ids, dep_tv, dep_out, dep_idx, dep_rows, 1),
            (label_ids, lab_tv, label_out, lab_idx, lab_rows, 2),
        )

        def chunk_slice(i):
            return pl.ds(w_base + i * _CHUNK, _CHUNK)

        def store_chunk(rows_buf, out, i, t):
            for k in range(_RPC):
                yield pltpu.make_async_copy(rows_buf.at[pl.ds(k * _L, _L)],
                                            out.at[w_row + i * _RPC + k], ss[t])

        def step(i, b, first, second):
            nb = 1 - b
            for ids, tab, out, idx, rows, t in tables:
                if not (first or second):
                    for cp in store_chunk(rows[b], out, i, t):
                        cp.wait()
                if not first:
                    pltpu.make_async_copy(tab.at[idx[nb]], rows[nb], sg[t]).wait()
                    for cp in store_chunk(rows[nb], out, i - 1, t):
                        cp.start()
                pltpu.make_async_copy(ids.at[chunk_slice(i)], idx[b], sl[t]).wait()
                pltpu.make_async_copy(tab.at[idx[b]], rows[b], sg[t]).start()
                if isinstance(i, int):
                    if i < _NCHUNK - 1:
                        pltpu.make_async_copy(ids.at[chunk_slice(i + 1)], idx[nb],
                                              sl[t]).start()
                else:
                    @pl.when(i < _NCHUNK - 1)
                    def _():
                        pltpu.make_async_copy(ids.at[chunk_slice(i + 1)], idx[nb],
                                              sl[t]).start()

        for ids, tab, out, idx, rows, t in tables:
            pltpu.make_async_copy(ids.at[chunk_slice(0)], idx[0], sl[t]).start()

        step(0, 0, True, False)
        step(1, 1, False, True)

        def body(i2, carry):
            step(2 * i2, 0, False, False)
            step(2 * i2 + 1, 1, False, False)
            return carry

        lax.fori_loop(1, _NCHUNK // 2, body, 0)

        last = _NCHUNK - 1
        for ids, tab, out, idx, rows, t in tables:
            pltpu.make_async_copy(tab.at[idx[1]], rows[1], sg[t]).wait()
            for cp in store_chunk(rows[1], out, last, t):
                cp.start()
            for cp in store_chunk(rows[0], out, last - 1, t):
                cp.wait()
            for cp in store_chunk(rows[1], out, last, t):
                cp.wait()

    return emb_kernel


_EMB = _build()


def kernel(label_ids, pos_ids, dep_ids, label_table, pos_table, dep_table):
    lab = label_ids.reshape(_N).astype(jnp.int32)
    pos = pos_ids.reshape(_N).astype(jnp.int32)
    dep = dep_ids.reshape(_N).astype(jnp.int32)
    return _EMB(lab, pos, dep, label_table, pos_table, dep_table)

# --- scband reference (transcript-rebuilt; emitter-appended) ---
"""Pipeline reference for scband-embedding-layer-42880953483404 (READ-ONLY COPY).

The authoritative reference and input builder live on the scoring server;
editing this copy changes nothing except your own understanding.
"""

import jax, jax.numpy as jnp
import numpy as np

LABEL_VOCAB = 42
POS_VOCAB = 48
DEP_VOCAB = 42
LABEL_DIM = 64
POS_DIM = 32
DEP_DIM = 32
B, L = 4096, 200
PAD_ID = 0


def setup_inputs(seed: int = 0) -> dict:
    key = jax.random.key(seed)
    k1, k2, k3, k4, k5, k6 = jax.random.split(key, 6)
    label_ids = jax.random.randint(k1, (B, L), 0, LABEL_VOCAB, dtype=jnp.int64 if jax.config.jax_enable_x64 else jnp.int32)
    pos_ids = jax.random.randint(k2, (B, L), 0, POS_VOCAB, dtype=jnp.int64 if jax.config.jax_enable_x64 else jnp.int32)
    dep_ids = jax.random.randint(k3, (B, L), 0, DEP_VOCAB, dtype=jnp.int64 if jax.config.jax_enable_x64 else jnp.int32)
    label_table = jax.random.normal(k4, (LABEL_VOCAB, LABEL_DIM), dtype=jnp.float32)
    pos_table = jax.random.normal(k5, (POS_VOCAB, POS_DIM), dtype=jnp.float32)
    dep_table = jax.random.normal(k6, (DEP_VOCAB, DEP_DIM), dtype=jnp.float32)
    # padding_idx rows are zero in nn.Embedding(padding_idx=PAD_ID)
    pos_table = pos_table.at[PAD_ID].set(0.0)
    dep_table = dep_table.at[PAD_ID].set(0.0)
    return {
        "label_ids": label_ids,
        "pos_ids": pos_ids,
        "dep_ids": dep_ids,
        "label_table": label_table,
        "pos_table": pos_table,
        "dep_table": dep_table,
    }


def reference(label_ids, pos_ids, dep_ids, label_table, pos_table, dep_table):
    pos_embs = jnp.take(pos_table, pos_ids, axis=0)
    dep_embs = jnp.take(dep_table, dep_ids, axis=0)
    label_embs = jnp.take(label_table, label_ids, axis=0)
    return (pos_embs, dep_embs, label_embs)

if __name__ == "__main__":
    import jax
    _d = setup_inputs()
    print(jax.jit(kernel)(*tuple(_d.values())))

</pallas_src>

<mosaic_0001>
#map = affine_map<(d0, d1) -> (0)>
#map1 = affine_map<(d0, d1) -> (0, 0)>
#map2 = affine_map<(d0, d1) -> (0, 0, 0)>
module attributes {stable_mosaic.version = 14 : i64} {
  func.func @emb_kernel(%arg0: i32, %arg1: i32, %arg2: memref<819200xi32, #tpu.memory_space<hbm>>, %arg3: memref<819200xi32, #tpu.memory_space<hbm>>, %arg4: memref<819200xi32, #tpu.memory_space<hbm>>, %arg5: memref<42x64xf32, #tpu.memory_space<hbm>>, %arg6: memref<48x32xf32, #tpu.memory_space<hbm>>, %arg7: memref<42x32xf32, #tpu.memory_space<hbm>>, %arg8: memref<4096x200x32xf32, #tpu.memory_space<hbm>>, %arg9: memref<4096x200x32xf32, #tpu.memory_space<hbm>>, %arg10: memref<4096x200x64xf32, #tpu.memory_space<hbm>>, %arg11: memref<48x32xf32, #tpu.memory_space<vmem_shared>>, %arg12: memref<42x32xf32, #tpu.memory_space<vmem_shared>>, %arg13: memref<42x64xf32, #tpu.memory_space<vmem_shared>>, %arg14: memref<400xi32, #tpu.memory_space<vmem>>, %arg15: memref<400xi32, #tpu.memory_space<vmem>>, %arg16: memref<400x32xf32, #tpu.memory_space<vmem>>, %arg17: memref<400x32xf32, #tpu.memory_space<vmem>>, %arg18: memref<400xi32, #tpu.memory_space<vmem>>, %arg19: memref<400xi32, #tpu.memory_space<vmem>>, %arg20: memref<400x32xf32, #tpu.memory_space<vmem>>, %arg21: memref<400x32xf32, #tpu.memory_space<vmem>>, %arg22: memref<400xi32, #tpu.memory_space<vmem>>, %arg23: memref<400xi32, #tpu.memory_space<vmem>>, %arg24: memref<400x64xf32, #tpu.memory_space<vmem>>, %arg25: memref<400x64xf32, #tpu.memory_space<vmem>>, %arg26: memref<!tpu.dma_semaphore, #tpu.memory_space<semaphore_mem>>, %arg27: memref<!tpu.dma_semaphore, #tpu.memory_space<semaphore_mem>>, %arg28: memref<!tpu.dma_semaphore, #tpu.memory_space<semaphore_mem>>, %arg29: memref<!tpu.dma_semaphore, #tpu.memory_space<semaphore_mem>>, %arg30: memref<!tpu.dma_semaphore, #tpu.memory_space<semaphore_mem>>, %arg31: memref<!tpu.dma_semaphore, #tpu.memory_space<semaphore_mem>>, %arg32: memref<!tpu.dma_semaphore, #tpu.memory_space<semaphore_mem>>, %arg33: memref<!tpu.dma_semaphore, #tpu.memory_space<semaphore_mem>>, %arg34: memref<!tpu.dma_semaphore, #tpu.memory_space<semaphore_mem>>, %arg35: memref<!tpu.dma_semaphore, #tpu.memory_space<semaphore_mem>>) attributes {dimension_semantics = [#tpu.dimension_semantics<core_parallel>, #tpu.dimension_semantics<subcore_parallel>], iteration_bounds = array<i64: 2, 16>, scalar_prefetch = 0 : i64, scratch_operands = 25 : i64, tpu.core_type = #tpu.core_type<sc_vector_subcore>, window_params = [{transform_indices = #map}, {transform_indices = #map}, {transform_indices = #map}, {transform_indices = #map1}, {transform_indices = #map1}, {transform_indices = #map1}, {transform_indices = #map2}, {transform_indices = #map2}, {transform_indices = #map2}]} {
    %mul3A = arith.constant 2 : i32
    %mul3A_0 = arith.muli %arg1, %mul3A : i32
    %add3A = arith.addi %mul3A_0, %arg0 : i32
    %mul3A_1 = arith.constant 25600 : i32
    %mul3A_2 = arith.muli %add3A, %mul3A_1 : i32
    %mul3A_3 = arith.constant 64 : i32
    %mul3A_4 = arith.muli %add3A, %mul3A_3 : i32
    %mul3A_5 = arith.constant 2 : i32
    %mul3A_6 = arith.muli %mul3A_4, %mul3A_5 : i32
    %eq3A = arith.constant 0 : i32
    %eq3A_7 = arith.cmpi eq, %arg1, %eq3A : i32
    %convert_element_type3A = arith.extui %eq3A_7 : i1 to i32
    %cond3A = arith.constant 0 : i32
    %cond3A_8 = arith.cmpi ne, %convert_element_type3A, %cond3A : i32
    scf.if %cond3A_8 {
      tpu.enqueue_dma source(%arg6 : memref<48x32xf32, #tpu.memory_space<hbm>>) target(%arg11 : memref<48x32xf32, #tpu.memory_space<vmem_shared>>) target_semaphore(%arg35 : memref<!tpu.dma_semaphore, #tpu.memory_space<semaphore_mem>>)
      tpu.enqueue_dma source(%arg7 : memref<42x32xf32, #tpu.memory_space<hbm>>) target(%arg12 : memref<42x32xf32, #tpu.memory_space<vmem_shared>>) target_semaphore(%arg35 : memref<!tpu.dma_semaphore, #tpu.memory_space<semaphore_mem>>)
      tpu.enqueue_dma source(%arg5 : memref<42x64xf32, #tpu.memory_space<hbm>>) target(%arg13 : memref<42x64xf32, #tpu.memory_space<vmem_shared>>) target_semaphore(%arg35 : memref<!tpu.dma_semaphore, #tpu.memory_space<semaphore_mem>>)
      tpu.wait_dma2 semaphore(%arg35 : memref<!tpu.dma_semaphore, #tpu.memory_space<semaphore_mem>>) src(%arg6 : memref<48x32xf32, #tpu.memory_space<hbm>>) dst(%arg11 : memref<48x32xf32, #tpu.memory_space<vmem_shared>>)
      tpu.wait_dma2 semaphore(%arg35 : memref<!tpu.dma_semaphore, #tpu.memory_space<semaphore_mem>>) src(%arg7 : memref<42x32xf32, #tpu.memory_space<hbm>>) dst(%arg12 : memref<42x32xf32, #tpu.memory_space<vmem_shared>>)
      tpu.wait_dma2 semaphore(%arg35 : memref<!tpu.dma_semaphore, #tpu.memory_space<semaphore_mem>>) src(%arg5 : memref<42x64xf32, #tpu.memory_space<hbm>>) dst(%arg13 : memref<42x64xf32, #tpu.memory_space<vmem_shared>>)
    } else {
    }
    %barrier3A = arith.constant 0 : index
    tpu.barrier barrier_id(%barrier3A)
    %add3A_9 = arith.constant 0 : i32
    %add3A_10 = arith.addi %mul3A_2, %add3A_9 : i32
    %dma_start3A = tpu.memref_slice %arg3[%add3A_10] : memref<819200xi32, #tpu.memory_space<hbm>> -> memref<400xi32, #tpu.memory_space<hbm>>
    %dma_start3A_11 = tpu.memref_slice %arg3[%add3A_10] : memref<819200xi32, #tpu.memory_space<hbm>> -> memref<400xi32, #tpu.memory_space<hbm>>
    tpu.enqueue_dma source(%dma_start3A_11 : memref<400xi32, #tpu.memory_space<hbm>>) target(%arg14 : memref<400xi32, #tpu.memory_space<vmem>>) target_semaphore(%arg26 : memref<!tpu.dma_semaphore, #tpu.memory_space<semaphore_mem>>)
    %add3A_12 = arith.constant 0 : i32
    %add3A_13 = arith.addi %mul3A_2, %add3A_12 : i32
    %dma_start3A_14 = tpu.memref_slice %arg4[%add3A_13] : memref<819200xi32, #tpu.memory_space<hbm>> -> memref<400xi32, #tpu.memory_space<hbm>>
    %dma_start3A_15 = tpu.memref_slice %arg4[%add3A_13] : memref<819200xi32, #tpu.memory_space<hbm>> -> memref<400xi32, #tpu.memory_space<hbm>>
    tpu.enqueue_dma source(%dma_start3A_15 : memref<400xi32, #tpu.memory_space<hbm>>) target(%arg18 : memref<400xi32, #tpu.memory_space<vmem>>) target_semaphore(%arg27 : memref<!tpu.dma_semaphore, #tpu.memory_space<semaphore_mem>>)
    %add3A_16 = arith.constant 0 : i32
    %add3A_17 = arith.addi %mul3A_2, %add3A_16 : i32
    %dma_start3A_18 = tpu.memref_slice %arg2[%add3A_17] : memref<819200xi32, #tpu.memory_space<hbm>> -> memref<400xi32, #tpu.memory_space<hbm>>
    %dma_start3A_19 = tpu.memref_slice %arg2[%add3A_17] : memref<819200xi32, #tpu.memory_space<hbm>> -> memref<400xi32, #tpu.memory_space<hbm>>
    tpu.enqueue_dma source(%dma_start3A_19 : memref<400xi32, #tpu.memory_space<hbm>>) target(%arg22 : memref<400xi32, #tpu.memory_space<vmem>>) target_semaphore(%arg28 : memref<!tpu.dma_semaphore, #tpu.memory_space<semaphore_mem>>)
    %add3A_20 = arith.constant 0 : i32
    %add3A_21 = arith.addi %mul3A_2, %add3A_20 : i32
    %dma_wait3A = tpu.memref_slice %arg3[%add3A_21] : memref<819200xi32, #tpu.memory_space<hbm>> -> memref<400xi32, #tpu.memory_space<hbm>>
    %dma_wait3A_22 = tpu.memref_slice %arg3[%add3A_21] : memref<819200xi32, #tpu.memory_space<hbm>> -> memref<400xi32, #tpu.memory_space<hbm>>
    tpu.wait_dma2 semaphore(%arg26 : memref<!tpu.dma_semaphore, #tpu.memory_space<semaphore_mem>>) src(%dma_wait3A_22 : memref<400xi32, #tpu.memory_space<hbm>>) dst(%arg14 : memref<400xi32, #tpu.memory_space<vmem>>)
    %dma_start3A_23 = arith.constant 0 : i32
    %dma_start3A_24 = arith.constant 0 : i32
    %dma_start3A_25 = tpu.memref_slice %arg11[%dma_start3A_23, %dma_start3A_24] : memref<48x32xf32, #tpu.memory_space<vmem_shared>> -> memref<48x32xf32, #tpu.memory_space<vmem_shared>>
    tpu.enqueue_indirect_dma source(%dma_start3A_25 : memref<48x32xf32, #tpu.memory_space<vmem_shared>>) target(%arg16 : memref<400x32xf32, #tpu.memory_space<vmem>>) offsets(%arg14 : memref<400xi32, #tpu.memory_space<vmem>>) semaphore(%arg29 : memref<!tpu.dma_semaphore, #tpu.memory_space<semaphore_mem>>)
    %add3A_26 = arith.constant 400 : i32
    %add3A_27 = arith.addi %mul3A_2, %add3A_26 : i32
    %dma_start3A_28 = tpu.memref_slice %arg3[%add3A_27] : memref<819200xi32, #tpu.memory_space<hbm>> -> memref<400xi32, #tpu.memory_space<hbm>>
    %dma_start3A_29 = tpu.memref_slice %arg3[%add3A_27] : memref<819200xi32, #tpu.memory_space<hbm>> -> memref<400xi32, #tpu.memory_space<hbm>>
    tpu.enqueue_dma source(%dma_start3A_29 : memref<400xi32, #tpu.memory_space<hbm>>) target(%arg15 : memref<400xi32, #tpu.memory_space<vmem>>) target_semaphore(%arg26 : memref<!tpu.dma_semaphore, #tpu.memory_space<semaphore_mem>>)
    %add3A_30 = arith.constant 0 : i32
    %add3A_31 = arith.addi %mul3A_2, %add3A_30 : i32
    %dma_wait3A_32 = tpu.memref_slice %arg4[%add3A_31] : memref<819200xi32, #tpu.memory_space<hbm>> -> memref<400xi32, #tpu.memory_space<hbm>>
    %dma_wait3A_33 = tpu.memref_slice %arg4[%add3A_31] : memref<819200xi32, #tpu.memory_space<hbm>> -> memref<400xi32, #tpu.memory_space<hbm>>
    tpu.wait_dma2 semaphore(%arg27 : memref<!tpu.dma_semaphore, #tpu.memory_space<semaphore_mem>>) src(%dma_wait3A_33 : memref<400xi32, #tpu.memory_space<hbm>>) dst(%arg18 : memref<400xi32, #tpu.memory_space<vmem>>)
    %dma_start3A_34 = arith.constant 0 : i32
    %dma_start3A_35 = arith.constant 0 : i32
    %dma_start3A_36 = tpu.memref_slice %arg12[%dma_start3A_34, %dma_start3A_35] : memref<42x32xf32, #tpu.memory_space<vmem_shared>> -> memref<42x32xf32, #tpu.memory_space<vmem_shared>>
    tpu.enqueue_indirect_dma source(%dma_start3A_36 : memref<42x32xf32, #tpu.memory_space<vmem_shared>>) target(%arg20 : memref<400x32xf32, #tpu.memory_space<vmem>>) offsets(%arg18 : memref<400xi32, #tpu.memory_space<vmem>>) semaphore(%arg30 : memref<!tpu.dma_semaphore, #tpu.memory_space<semaphore_mem>>)
    %add3A_37 = arith.constant 400 : i32
    %add3A_38 = arith.addi %mul3A_2, %add3A_37 : i32
    %dma_start3A_39 = tpu.memref_slice %arg4[%add3A_38] : memref<819200xi32, #tpu.memory_space<hbm>> -> memref<400xi32, #tpu.memory_space<hbm>>
    %dma_start3A_40 = tpu.memref_slice %arg4[%add3A_38] : memref<819200xi32, #tpu.memory_space<hbm>> -> memref<400xi32, #tpu.memory_space<hbm>>
    tpu.enqueue_dma source(%dma_start3A_40 : memref<400xi32, #tpu.memory_space<hbm>>) target(%arg19 : memref<400xi32, #tpu.memory_space<vmem>>) target_semaphore(%arg27 : memref<!tpu.dma_semaphore, #tpu.memory_space<semaphore_mem>>)
    %add3A_41 = arith.constant 0 : i32
    %add3A_42 = arith.addi %mul3A_2, %add3A_41 : i32
    %dma_wait3A_43 = tpu.memref_slice %arg2[%add3A_42] : memref<819200xi32, #tpu.memory_space<hbm>> -> memref<400xi32, #tpu.memory_space<hbm>>
    %dma_wait3A_44 = tpu.memref_slice %arg2[%add3A_42] : memref<819200xi32, #tpu.memory_space<hbm>> -> memref<400xi32, #tpu.memory_space<hbm>>
    tpu.wait_dma2 semaphore(%arg28 : memref<!tpu.dma_semaphore, #tpu.memory_space<semaphore_mem>>) src(%dma_wait3A_44 : memref<400xi32, #tpu.memory_space<hbm>>) dst(%arg22 : memref<400xi32, #tpu.memory_space<vmem>>)
    %dma_start3A_45 = arith.constant 0 : i32
    %dma_start3A_46 = arith.constant 0 : i32
    %dma_start3A_47 = tpu.memref_slice %arg13[%dma_start3A_45, %dma_start3A_46] : memref<42x64xf32, #tpu.memory_space<vmem_shared>> -> memref<42x64xf32, #tpu.memory_space<vmem_shared>>
    tpu.enqueue_indirect_dma source(%dma_start3A_47 : memref<42x64xf32, #tpu.memory_space<vmem_shared>>) target(%arg24 : memref<400x64xf32, #tpu.memory_space<vmem>>) offsets(%arg22 : memref<400xi32, #tpu.memory_space<vmem>>) semaphore(%arg31 : memref<!tpu.dma_semaphore, #tpu.memory_space<semaphore_mem>>)
    %add3A_48 = arith.constant 400 : i32
    %add3A_49 = arith.addi %mul3A_2, %add3A_48 : i32
    %dma_start3A_50 = tpu.memref_slice %arg2[%add3A_49] : memref<819200xi32, #tpu.memory_space<hbm>> -> memref<400xi32, #tpu.memory_space<hbm>>
    %dma_start3A_51 = tpu.memref_slice %arg2[%add3A_49] : memref<819200xi32, #tpu.memory_space<hbm>> -> memref<400xi32, #tpu.memory_space<hbm>>
    tpu.enqueue_dma source(%dma_start3A_51 : memref<400xi32, #tpu.memory_space<hbm>>) target(%arg23 : memref<400xi32, #tpu.memory_space<vmem>>) target_semaphore(%arg28 : memref<!tpu.dma_semaphore, #tpu.memory_space<semaphore_mem>>)
    %dma_wait3A_52 = arith.constant 0 : i32
    %dma_wait3A_53 = arith.constant 0 : i32
    %dma_wait3A_54 = tpu.memref_slice %arg11[%dma_wait3A_52, %dma_wait3A_53] : memref<48x32xf32, #tpu.memory_space<vmem_shared>> -> memref<48x32xf32, #tpu.memory_space<vmem_shared>>
    tpu.wait_indirect_dma semaphore(%arg29 : memref<!tpu.dma_semaphore, #tpu.memory_space<semaphore_mem>>) src(%dma_wait3A_54 : memref<48x32xf32, #tpu.memory_space<vmem_shared>>) dst(%arg16 : memref<400x32xf32, #tpu.memory_space<vmem>>)
    %add3A_55 = arith.constant 0 : i32
    %add3A_56 = arith.addi %mul3A_6, %add3A_55 : i32
    %add3A_57 = arith.constant 0 : i32
    %add3A_58 = arith.addi %add3A_56, %add3A_57 : i32
    %dma_start3A_59 = arith.constant 0 : i32
    %dma_start3A_60 = arith.constant 0 : i32
    %dma_start3A_61 = tpu.memref_slice %arg16[%dma_start3A_59, %dma_start3A_60] : memref<400x32xf32, #tpu.memory_space<vmem>> -> memref<200x32xf32, #tpu.memory_space<vmem>>
    %dma_start3A_62 = arith.constant 0 : i32
    %dma_start3A_63 = arith.constant 0 : i32
    %dma_start3A_64 = tpu.memref_slice %arg8[%add3A_58, %dma_start3A_62, %dma_start3A_63] : memref<4096x200x32xf32, #tpu.memory_space<hbm>> -> memref<1x200x32xf32, #tpu.memory_space<hbm>>
    %dma_start3A_65 = tpu.memref_squeeze %dma_start3A_64 : memref<1x200x32xf32, #tpu.memory_space<hbm>> -> memref<200x32xf32, #tpu.memory_space<hbm>>
    %dma_start3A_66 = arith.constant 0 : i32
    %dma_start3A_67 = arith.constant 0 : i32
    %dma_start3A_68 = tpu.memref_slice %arg8[%add3A_58, %dma_start3A_66, %dma_start3A_67] : memref<4096x200x32xf32, #tpu.memory_space<hbm>> -> memref<1x200x32xf32, #tpu.memory_space<hbm>>
    %dma_start3A_69 = tpu.memref_squeeze %dma_start3A_68 : memref<1x200x32xf32, #tpu.memory_space<hbm>> -> memref<200x32xf32, #tpu.memory_space<hbm>>
    %dma_start3A_70 = arith.constant 0 : i32
    %dma_start3A_71 = arith.constant 0 : i32
    %dma_start3A_72 = tpu.memref_slice %arg16[%dma_start3A_70, %dma_start3A_71] : memref<400x32xf32, #tpu.memory_space<vmem>> -> memref<200x32xf32, #tpu.memory_space<vmem>>
    tpu.enqueue_dma source(%dma_start3A_72 : memref<200x32xf32, #tpu.memory_space<vmem>>) target(%dma_start3A_69 : memref<200x32xf32, #tpu.memory_space<hbm>>) target_semaphore(%arg32 : memref<!tpu.dma_semaphore, #tpu.memory_space<semaphore_mem>>)
    %add3A_73 = arith.constant 0 : i32
    %add3A_74 = arith.addi %mul3A_6, %add3A_73 : i32
    %add3A_75 = arith.constant 1 : i32
    %add3A_76 = arith.addi %add3A_74, %add3A_75 : i32
    %dma_start3A_77 = arith.constant 200 : i32
    %dma_start3A_78 = arith.constant 0 : i32
    %dma_start3A_79 = tpu.memref_slice %arg16[%dma_start3A_77, %dma_start3A_78] : memref<400x32xf32, #tpu.memory_space<vmem>> -> memref<200x32xf32, #tpu.memory_space<vmem>>
    %dma_start3A_80 = arith.constant 0 : i32
    %dma_start3A_81 = arith.constant 0 : i32
    %dma_start3A_82 = tpu.memref_slice %arg8[%add3A_76, %dma_start3A_80, %dma_start3A_81] : memref<4096x200x32xf32, #tpu.memory_space<hbm>> -> memref<1x200x32xf32, #tpu.memory_space<hbm>>
    %dma_start3A_83 = tpu.memref_squeeze %dma_start3A_82 : memref<1x200x32xf32, #tpu.memory_space<hbm>> -> memref<200x32xf32, #tpu.memory_space<hbm>>
    %dma_start3A_84 = arith.constant 0 : i32
    %dma_start3A_85 = arith.constant 0 : i32
    %dma_start3A_86 = tpu.memref_slice %arg8[%add3A_76, %dma_start3A_84, %dma_start3A_85] : memref<4096x200x32xf32, #tpu.memory_space<hbm>> -> memref<1x200x32xf32, #tpu.memory_space<hbm>>
    %dma_start3A_87 = tpu.memref_squeeze %dma_start3A_86 : memref<1x200x32xf32, #tpu.memory_space<hbm>> -> memref<200x32xf32, #tpu.memory_space<hbm>>
    %dma_start3A_88 = arith.constant 200 : i32
    %dma_start3A_89 = arith.constant 0 : i32
    %dma_start3A_90 = tpu.memref_slice %arg16[%dma_start3A_88, %dma_start3A_89] : memref<400x32xf32, #tpu.memory_space<vmem>> -> memref<200x32xf32, #tpu.memory_space<vmem>>
    tpu.enqueue_dma source(%dma_start3A_90 : memref<200x32xf32, #tpu.memory_space<vmem>>) target(%dma_start3A_87 : memref<200x32xf32, #tpu.memory_space<hbm>>) target_semaphore(%arg32 : memref<!tpu.dma_semaphore, #tpu.memory_space<semaphore_mem>>)
    %add3A_91 = arith.constant 400 : i32
    %add3A_92 = arith.addi %mul3A_2, %add3A_91 : i32
    %dma_wait3A_93 = tpu.memref_slice %arg3[%add3A_92] : memref<819200xi32, #tpu.memory_space<hbm>> -> memref<400xi32, #tpu.memory_space<hbm>>
    %dma_wait3A_94 = tpu.memref_slice %arg3[%add3A_92] : memref<819200xi32, #tpu.memory_space<hbm>> -> memref<400xi32, #tpu.memory_space<hbm>>
    tpu.wait_dma2 semaphore(%arg26 : memref<!tpu.dma_semaphore, #tpu.memory_space<semaphore_mem>>) src(%dma_wait3A_94 : memref<400xi32, #tpu.memory_space<hbm>>) dst(%arg15 : memref<400xi32, #tpu.memory_space<vmem>>)
    %dma_start3A_95 = arith.constant 0 : i32
    %dma_start3A_96 = arith.constant 0 : i32
    %dma_start3A_97 = tpu.memref_slice %arg11[%dma_start3A_95, %dma_start3A_96] : memref<48x32xf32, #tpu.memory_space<vmem_shared>> -> memref<48x32xf32, #tpu.memory_space<vmem_shared>>
    tpu.enqueue_indirect_dma source(%dma_start3A_97 : memref<48x32xf32, #tpu.memory_space<vmem_shared>>) target(%arg17 : memref<400x32xf32, #tpu.memory_space<vmem>>) offsets(%arg15 : memref<400xi32, #tpu.memory_space<vmem>>) semaphore(%arg29 : memref<!tpu.dma_semaphore, #tpu.memory_space<semaphore_mem>>)
    %add3A_98 = arith.constant 800 : i32
    %add3A_99 = arith.addi %mul3A_2, %add3A_98 : i32
    %dma_start3A_100 = tpu.memref_slice %arg3[%add3A_99] : memref<819200xi32, #tpu.memory_space<hbm>> -> memref<400xi32, #tpu.memory_space<hbm>>
    %dma_start3A_101 = tpu.memref_slice %arg3[%add3A_99] : memref<819200xi32, #tpu.memory_space<hbm>> -> memref<400xi32, #tpu.memory_space<hbm>>
    tpu.enqueue_dma source(%dma_start3A_101 : memref<400xi32, #tpu.memory_space<hbm>>) target(%arg14 : memref<400xi32, #tpu.memory_space<vmem>>) target_semaphore(%arg26 : memref<!tpu.dma_semaphore, #tpu.memory_space<semaphore_mem>>)
    %dma_wait3A_102 = arith.constant 0 : i32
    %dma_wait3A_103 = arith.constant 0 : i32
    %dma_wait3A_104 = tpu.memref_slice %arg12[%dma_wait3A_102, %dma_wait3A_103] : memref<42x32xf32, #tpu.memory_space<vmem_shared>> -> memref<42x32xf32, #tpu.memory_space<vmem_shared>>
    tpu.wait_indirect_dma semaphore(%arg30 : memref<!tpu.dma_semaphore, #tpu.memory_space<semaphore_mem>>) src(%dma_wait3A_104 : memref<42x32xf32, #tpu.memory_space<vmem_shared>>) dst(%arg20 : memref<400x32xf32, #tpu.memory_space<vmem>>)
    %add3A_105 = arith.constant 0 : i32
    %add3A_106 = arith.addi %mul3A_6, %add3A_105 : i32
    %add3A_107 = arith.constant 0 : i32
    %add3A_108 = arith.addi %add3A_106, %add3A_107 : i32
    %dma_start3A_109 = arith.constant 0 : i32
    %dma_start3A_110 = arith.constant 0 : i32
    %dma_start3A_111 = tpu.memref_slice %arg20[%dma_start3A_109, %dma_start3A_110] : memref<400x32xf32, #tpu.memory_space<vmem>> -> memref<200x32xf32, #tpu.memory_space<vmem>>
    %dma_start3A_112 = arith.constant 0 : i32
    %dma_start3A_113 = arith.constant 0 : i32
    %dma_start3A_114 = tpu.memref_slice %arg9[%add3A_108, %dma_start3A_112, %dma_start3A_113] : memref<4096x200x32xf32, #tpu.memory_space<hbm>> -> memref<1x200x32xf32, #tpu.memory_space<hbm>>
    %dma_start3A_115 = tpu.memref_squeeze %dma_start3A_114 : memref<1x200x32xf32, #tpu.memory_space<hbm>> -> memref<200x32xf32, #tpu.memory_space<hbm>>
    %dma_start3A_116 = arith.constant 0 : i32
    %dma_start3A_117 = arith.constant 0 : i32
    %dma_start3A_118 = tpu.memref_slice %arg9[%add3A_108, %dma_start3A_116, %dma_start3A_117] : memref<4096x200x32xf32, #tpu.memory_space<hbm>> -> memref<1x200x32xf32, #tpu.memory_space<hbm>>
    %dma_start3A_119 = tpu.memref_squeeze %dma_start3A_118 : memref<1x200x32xf32, #tpu.memory_space<hbm>> -> memref<200x32xf32, #tpu.memory_space<hbm>>
    %dma_start3A_120 = arith.constant 0 : i32
    %dma_start3A_121 = arith.constant 0 : i32
    %dma_start3A_122 = tpu.memref_slice %arg20[%dma_start3A_120, %dma_start3A_121] : memref<400x32xf32, #tpu.memory_space<vmem>> -> memref<200x32xf32, #tpu.memory_space<vmem>>
    tpu.enqueue_dma source(%dma_start3A_122 : memref<200x32xf32, #tpu.memory_space<vmem>>) target(%dma_start3A_119 : memref<200x32xf32, #tpu.memory_space<hbm>>) target_semaphore(%arg33 : memref<!tpu.dma_semaphore, #tpu.memory_space<semaphore_mem>>)
    %add3A_123 = arith.constant 0 : i32
    %add3A_124 = arith.addi %mul3A_6, %add3A_123 : i32
    %add3A_125 = arith.constant 1 : i32
    %add3A_126 = arith.addi %add3A_124, %add3A_125 : i32
    %dma_start3A_127 = arith.constant 200 : i32
    %dma_start3A_128 = arith.constant 0 : i32
    %dma_start3A_129 = tpu.memref_slice %arg20[%dma_start3A_127, %dma_start3A_128] : memref<400x32xf32, #tpu.memory_space<vmem>> -> memref<200x32xf32, #tpu.memory_space<vmem>>
    %dma_start3A_130 = arith.constant 0 : i32
    %dma_start3A_131 = arith.constant 0 : i32
    %dma_start3A_132 = tpu.memref_slice %arg9[%add3A_126, %dma_start3A_130, %dma_start3A_131] : memref<4096x200x32xf32, #tpu.memory_space<hbm>> -> memref<1x200x32xf32, #tpu.memory_space<hbm>>
    %dma_start3A_133 = tpu.memref_squeeze %dma_start3A_132 : memref<1x200x32xf32, #tpu.memory_space<hbm>> -> memref<200x32xf32, #tpu.memory_space<hbm>>
    %dma_start3A_134 = arith.constant 0 : i32
    %dma_start3A_135 = arith.constant 0 : i32
    %dma_start3A_136 = tpu.memref_slice %arg9[%add3A_126, %dma_start3A_134, %dma_start3A_135] : memref<4096x200x32xf32, #tpu.memory_space<hbm>> -> memref<1x200x32xf32, #tpu.memory_space<hbm>>
    %dma_start3A_137 = tpu.memref_squeeze %dma_start3A_136 : memref<1x200x32xf32, #tpu.memory_space<hbm>> -> memref<200x32xf32, #tpu.memory_space<hbm>>
    %dma_start3A_138 = arith.constant 200 : i32
    %dma_start3A_139 = arith.constant 0 : i32
    %dma_start3A_140 = tpu.memref_slice %arg20[%dma_start3A_138, %dma_start3A_139] : memref<400x32xf32, #tpu.memory_space<vmem>> -> memref<200x32xf32, #tpu.memory_space<vmem>>
    tpu.enqueue_dma source(%dma_start3A_140 : memref<200x32xf32, #tpu.memory_space<vmem>>) target(%dma_start3A_137 : memref<200x32xf32, #tpu.memory_space<hbm>>) target_semaphore(%arg33 : memref<!tpu.dma_semaphore, #tpu.memory_space<semaphore_mem>>)
    %add3A_141 = arith.constant 400 : i32
    %add3A_142 = arith.addi %mul3A_2, %add3A_141 : i32
    %dma_wait3A_143 = tpu.memref_slice %arg4[%add3A_142] : memref<819200xi32, #tpu.memory_space<hbm>> -> memref<400xi32, #tpu.memory_space<hbm>>
    %dma_wait3A_144 = tpu.memref_slice %arg4[%add3A_142] : memref<819200xi32, #tpu.memory_space<hbm>> -> memref<400xi32, #tpu.memory_space<hbm>>
    tpu.wait_dma2 semaphore(%arg27 : memref<!tpu.dma_semaphore, #tpu.memory_space<semaphore_mem>>) src(%dma_wait3A_144 : memref<400xi32, #tpu.memory_space<hbm>>) dst(%arg19 : memref<400xi32, #tpu.memory_space<vmem>>)
    %dma_start3A_145 = arith.constant 0 : i32
    %dma_start3A_146 = arith.constant 0 : i32
    %dma_start3A_147 = tpu.memref_slice %arg12[%dma_start3A_145, %dma_start3A_146] : memref<42x32xf32, #tpu.memory_space<vmem_shared>> -> memref<42x32xf32, #tpu.memory_space<vmem_shared>>
    tpu.enqueue_indirect_dma source(%dma_start3A_147 : memref<42x32xf32, #tpu.memory_space<vmem_shared>>) target(%arg21 : memref<400x32xf32, #tpu.memory_space<vmem>>) offsets(%arg19 : memref<400xi32, #tpu.memory_space<vmem>>) semaphore(%arg30 : memref<!tpu.dma_semaphore, #tpu.memory_space<semaphore_mem>>)
    %add3A_148 = arith.constant 800 : i32
    %add3A_149 = arith.addi %mul3A_2, %add3A_148 : i32
    %dma_start3A_150 = tpu.memref_slice %arg4[%add3A_149] : memref<819200xi32, #tpu.memory_space<hbm>> -> memref<400xi32, #tpu.memory_space<hbm>>
    %dma_start3A_151 = tpu.memref_slice %arg4[%add3A_149] : memref<819200xi32, #tpu.memory_space<hbm>> -> memref<400xi32, #tpu.memory_space<hbm>>
    tpu.enqueue_dma source(%dma_start3A_151 : memref<400xi32, #tpu.memory_space<hbm>>) target(%arg18 : memref<400xi32, #tpu.memory_space<vmem>>) target_semaphore(%arg27 : memref<!tpu.dma_semaphore, #tpu.memory_space<semaphore_mem>>)
    %dma_wait3A_152 = arith.constant 0 : i32
    %dma_wait3A_153 = arith.constant 0 : i32
    %dma_wait3A_154 = tpu.memref_slice %arg13[%dma_wait3A_152, %dma_wait3A_153] : memref<42x64xf32, #tpu.memory_space<vmem_shared>> -> memref<42x64xf32, #tpu.memory_space<vmem_shared>>
    tpu.wait_indirect_dma semaphore(%arg31 : memref<!tpu.dma_semaphore, #tpu.memory_space<semaphore_mem>>) src(%dma_wait3A_154 : memref<42x64xf32, #tpu.memory_space<vmem_shared>>) dst(%arg24 : memref<400x64xf32, #tpu.memory_space<vmem>>)
    %add3A_155 = arith.constant 0 : i32
    %add3A_156 = arith.addi %mul3A_6, %add3A_155 : i32
    %add3A_157 = arith.constant 0 : i32
    %add3A_158 = arith.addi %add3A_156, %add3A_157 : i32
    %dma_start3A_159 = arith.constant 0 : i32
    %dma_start3A_160 = arith.constant 0 : i32
    %dma_start3A_161 = tpu.memref_slice %arg24[%dma_start3A_159, %dma_start3A_160] : memref<400x64xf32, #tpu.memory_space<vmem>> -> memref<200x64xf32, #tpu.memory_space<vmem>>
    %dma_start3A_162 = arith.constant 0 : i32
    %dma_start3A_163 = arith.constant 0 : i32
    %dma_start3A_164 = tpu.memref_slice %arg10[%add3A_158, %dma_start3A_162, %dma_start3A_163] : memref<4096x200x64xf32, #tpu.memory_space<hbm>> -> memref<1x200x64xf32, #tpu.memory_space<hbm>>
    %dma_start3A_165 = tpu.memref_squeeze %dma_start3A_164 : memref<1x200x64xf32, #tpu.memory_space<hbm>> -> memref<200x64xf32, #tpu.memory_space<hbm>>
    %dma_start3A_166 = arith.constant 0 : i32
    %dma_start3A_167 = arith.constant 0 : i32
    %dma_start3A_168 = tpu.memref_slice %arg10[%add3A_158, %dma_start3A_166, %dma_start3A_167] : memref<4096x200x64xf32, #tpu.memory_space<hbm>> -> memref<1x200x64xf32, #tpu.memory_space<hbm>>
    %dma_start3A_169 = tpu.memref_squeeze %dma_start3A_168 : memref<1x200x64xf32, #tpu.memory_space<hbm>> -> memref<200x64xf32, #tpu.memory_space<hbm>>
    %dma_start3A_170 = arith.constant 0 : i32
    %dma_start3A_171 = arith.constant 0 : i32
    %dma_start3A_172 = tpu.memref_slice %arg24[%dma_start3A_170, %dma_start3A_171] : memref<400x64xf32, #tpu.memory_space<vmem>> -> memref<200x64xf32, #tpu.memory_space<vmem>>
    tpu.enqueue_dma source(%dma_start3A_172 : memref<200x64xf32, #tpu.memory_space<vmem>>) target(%dma_start3A_169 : memref<200x64xf32, #tpu.memory_space<hbm>>) target_semaphore(%arg34 : memref<!tpu.dma_semaphore, #tpu.memory_space<semaphore_mem>>)
    %add3A_173 = arith.constant 0 : i32
    %add3A_174 = arith.addi %mul3A_6, %add3A_173 : i32
    %add3A_175 = arith.constant 1 : i32
    %add3A_176 = arith.addi %add3A_174, %add3A_175 : i32
    %dma_start3A_177 = arith.constant 200 : i32
    %dma_start3A_178 = arith.constant 0 : i32
    %dma_start3A_179 = tpu.memref_slice %arg24[%dma_start3A_177, %dma_start3A_178] : memref<400x64xf32, #tpu.memory_space<vmem>> -> memref<200x64xf32, #tpu.memory_space<vmem>>
    %dma_start3A_180 = arith.constant 0 : i32
    %dma_start3A_181 = arith.constant 0 : i32
    %dma_start3A_182 = tpu.memref_slice %arg10[%add3A_176, %dma_start3A_180, %dma_start3A_181] : memref<4096x200x64xf32, #tpu.memory_space<hbm>> -> memref<1x200x64xf32, #tpu.memory_space<hbm>>
    %dma_start3A_183 = tpu.memref_squeeze %dma_start3A_182 : memref<1x200x64xf32, #tpu.memory_space<hbm>> -> memref<200x64xf32, #tpu.memory_space<hbm>>
    %dma_start3A_184 = arith.constant 0 : i32
    %dma_start3A_185 = arith.constant 0 : i32
    %dma_start3A_186 = tpu.memref_slice %arg10[%add3A_176, %dma_start3A_184, %dma_start3A_185] : memref<4096x200x64xf32, #tpu.memory_space<hbm>> -> memref<1x200x64xf32, #tpu.memory_space<hbm>>
    %dma_start3A_187 = tpu.memref_squeeze %dma_start3A_186 : memref<1x200x64xf32, #tpu.memory_space<hbm>> -> memref<200x64xf32, #tpu.memory_space<hbm>>
    %dma_start3A_188 = arith.constant 200 : i32
    %dma_start3A_189 = arith.constant 0 : i32
    %dma_start3A_190 = tpu.memref_slice %arg24[%dma_start3A_188, %dma_start3A_189] : memref<400x64xf32, #tpu.memory_space<vmem>> -> memref<200x64xf32, #tpu.memory_space<vmem>>
    tpu.enqueue_dma source(%dma_start3A_190 : memref<200x64xf32, #tpu.memory_space<vmem>>) target(%dma_start3A_187 : memref<200x64xf32, #tpu.memory_space<hbm>>) target_semaphore(%arg34 : memref<!tpu.dma_semaphore, #tpu.memory_space<semaphore_mem>>)
    %add3A_191 = arith.constant 400 : i32
    %add3A_192 = arith.addi %mul3A_2, %add3A_191 : i32
    %dma_wait3A_193 = tpu.memref_slice %arg2[%add3A_192] : memref<819200xi32, #tpu.memory_space<hbm>> -> memref<400xi32, #tpu.memory_space<hbm>>
    %dma_wait3A_194 = tpu.memref_slice %arg2[%add3A_192] : memref<819200xi32, #tpu.memory_space<hbm>> -> memref<400xi32, #tpu.memory_space<hbm>>
    tpu.wait_dma2 semaphore(%arg28 : memref<!tpu.dma_semaphore, #tpu.memory_space<semaphore_mem>>) src(%dma_wait3A_194 : memref<400xi32, #tpu.memory_space<hbm>>) dst(%arg23 : memref<400xi32, #tpu.memory_space<vmem>>)
    %dma_start3A_195 = arith.constant 0 : i32
    %dma_start3A_196 = arith.constant 0 : i32
    %dma_start3A_197 = tpu.memref_slice %arg13[%dma_start3A_195, %dma_start3A_196] : memref<42x64xf32, #tpu.memory_space<vmem_shared>> -> memref<42x64xf32, #tpu.memory_space<vmem_shared>>
    tpu.enqueue_indirect_dma source(%dma_start3A_197 : memref<42x64xf32, #tpu.memory_space<vmem_shared>>) target(%arg25 : memref<400x64xf32, #tpu.memory_space<vmem>>) offsets(%arg23 : memref<400xi32, #tpu.memory_space<vmem>>) semaphore(%arg31 : memref<!tpu.dma_semaphore, #tpu.memory_space<semaphore_mem>>)
    %add3A_198 = arith.constant 800 : i32
    %add3A_199 = arith.addi %mul3A_2, %add3A_198 : i32
    %dma_start3A_200 = tpu.memref_slice %arg2[%add3A_199] : memref<819200xi32, #tpu.memory_space<hbm>> -> memref<400xi32, #tpu.memory_space<hbm>>
    %dma_start3A_201 = tpu.memref_slice %arg2[%add3A_199] : memref<819200xi32, #tpu.memory_space<hbm>> -> memref<400xi32, #tpu.memory_space<hbm>>
    tpu.enqueue_dma source(%dma_start3A_201 : memref<400xi32, #tpu.memory_space<hbm>>) target(%arg22 : memref<400xi32, #tpu.memory_space<vmem>>) target_semaphore(%arg28 : memref<!tpu.dma_semaphore, #tpu.memory_space<semaphore_mem>>)
    %scan3A = arith.constant 0 : i32
    %scan3A_202 = arith.constant 1 : i32
    %scan3A_203 = arith.constant 31 : i32
    %scan3A_204 = arith.addi %scan3A_202, %scan3A_203 : i32
    %scan3A_205 = arith.constant 1 : i32
    scf.for %scan3A_540 = %scan3A_202 to %scan3A_204 step %scan3A_205  : i32 {
      %mul3A_541 = arith.constant 2 : i32
      %mul3A_542 = arith.muli %mul3A_541, %scan3A_540 : i32
      %mul3A_543 = arith.constant 2 : i32
      %mul3A_544 = arith.muli %mul3A_542, %mul3A_543 : i32
      %add3A_545 = arith.addi %mul3A_6, %mul3A_544 : i32
      %add3A_546 = arith.constant 0 : i32
      %add3A_547 = arith.addi %add3A_545, %add3A_546 : i32
      %dma_wait3A_548 = arith.constant 0 : i32
      %dma_wait3A_549 = arith.constant 0 : i32
      %dma_wait3A_550 = tpu.memref_slice %arg16[%dma_wait3A_548, %dma_wait3A_549] : memref<400x32xf32, #tpu.memory_space<vmem>> -> memref<200x32xf32, #tpu.memory_space<vmem>>
      %dma_wait3A_551 = arith.constant 0 : i32
      %dma_wait3A_552 = arith.constant 0 : i32
      %dma_wait3A_553 = tpu.memref_slice %arg8[%add3A_547, %dma_wait3A_551, %dma_wait3A_552] : memref<4096x200x32xf32, #tpu.memory_space<hbm>> -> memref<1x200x32xf32, #tpu.memory_space<hbm>>
      %dma_wait3A_554 = tpu.memref_squeeze %dma_wait3A_553 : memref<1x200x32xf32, #tpu.memory_space<hbm>> -> memref<200x32xf32, #tpu.memory_space<hbm>>
      %dma_wait3A_555 = arith.constant 0 : i32
      %dma_wait3A_556 = arith.constant 0 : i32
      %dma_wait3A_557 = tpu.memref_slice %arg8[%add3A_547, %dma_wait3A_555, %dma_wait3A_556] : memref<4096x200x32xf32, #tpu.memory_space<hbm>> -> memref<1x200x32xf32, #tpu.memory_space<hbm>>
      %dma_wait3A_558 = tpu.memref_squeeze %dma_wait3A_557 : memref<1x200x32xf32, #tpu.memory_space<hbm>> -> memref<200x32xf32, #tpu.memory_space<hbm>>
      %dma_wait3A_559 = arith.constant 0 : i32
      %dma_wait3A_560 = arith.constant 0 : i32
      %dma_wait3A_561 = tpu.memref_slice %arg16[%dma_wait3A_559, %dma_wait3A_560] : memref<400x32xf32, #tpu.memory_space<vmem>> -> memref<200x32xf32, #tpu.memory_space<vmem>>
      tpu.wait_dma2 semaphore(%arg32 : memref<!tpu.dma_semaphore, #tpu.memory_space<semaphore_mem>>) src(%dma_wait3A_561 : memref<200x32xf32, #tpu.memory_space<vmem>>) dst(%dma_wait3A_558 : memref<200x32xf32, #tpu.memory_space<hbm>>)
      %mul3A_562 = arith.constant 2 : i32
      %mul3A_563 = arith.muli %mul3A_542, %mul3A_562 : i32
      %add3A_564 = arith.addi %mul3A_6, %mul3A_563 : i32
      %add3A_565 = arith.constant 1 : i32
      %add3A_566 = arith.addi %add3A_564, %add3A_565 : i32
      %dma_wait3A_567 = arith.constant 200 : i32
      %dma_wait3A_568 = arith.constant 0 : i32
      %dma_wait3A_569 = tpu.memref_slice %arg16[%dma_wait3A_567, %dma_wait3A_568] : memref<400x32xf32, #tpu.memory_space<vmem>> -> memref<200x32xf32, #tpu.memory_space<vmem>>
      %dma_wait3A_570 = arith.constant 0 : i32
      %dma_wait3A_571 = arith.constant 0 : i32
      %dma_wait3A_572 = tpu.memref_slice %arg8[%add3A_566, %dma_wait3A_570, %dma_wait3A_571] : memref<4096x200x32xf32, #tpu.memory_space<hbm>> -> memref<1x200x32xf32, #tpu.memory_space<hbm>>
      %dma_wait3A_573 = tpu.memref_squeeze %dma_wait3A_572 : memref<1x200x32xf32, #tpu.memory_space<hbm>> -> memref<200x32xf32, #tpu.memory_space<hbm>>
      %dma_wait3A_574 = arith.constant 0 : i32
      %dma_wait3A_575 = arith.constant 0 : i32
      %dma_wait3A_576 = tpu.memref_slice %arg8[%add3A_566, %dma_wait3A_574, %dma_wait3A_575] : memref<4096x200x32xf32, #tpu.memory_space<hbm>> -> memref<1x200x32xf32, #tpu.memory_space<hbm>>
      %dma_wait3A_577 = tpu.memref_squeeze %dma_wait3A_576 : memref<1x200x32xf32, #tpu.memory_space<hbm>> -> memref<200x32xf32, #tpu.memory_space<hbm>>
      %dma_wait3A_578 = arith.constant 200 : i32
      %dma_wait3A_579 = arith.constant 0 : i32
      %dma_wait3A_580 = tpu.memref_slice %arg16[%dma_wait3A_578, %dma_wait3A_579] : memref<400x32xf32, #tpu.memory_space<vmem>> -> memref<200x32xf32, #tpu.memory_space<vmem>>
      tpu.wait_dma2 semaphore(%arg32 : memref<!tpu.dma_semaphore, #tpu.memory_space<semaphore_mem>>) src(%dma_wait3A_580 : memref<200x32xf32, #tpu.memory_space<vmem>>) dst(%dma_wait3A_577 : memref<200x32xf32, #tpu.memory_space<hbm>>)
      %dma_wait3A_581 = arith.constant 0 : i32
      %dma_wait3A_582 = arith.constant 0 : i32
      %dma_wait3A_583 = tpu.memref_slice %arg11[%dma_wait3A_581, %dma_wait3A_582] : memref<48x32xf32, #tpu.memory_space<vmem_shared>> -> memref<48x32xf32, #tpu.memory_space<vmem_shared>>
      tpu.wait_indirect_dma semaphore(%arg29 : memref<!tpu.dma_semaphore, #tpu.memory_space<semaphore_mem>>) src(%dma_wait3A_583 : memref<48x32xf32, #tpu.memory_space<vmem_shared>>) dst(%arg17 : memref<400x32xf32, #tpu.memory_space<vmem>>)
      %sub3A = arith.constant 1 : i32
      %sub3A_584 = arith.subi %mul3A_542, %sub3A : i32
      %mul3A_585 = arith.constant 2 : i32
      %mul3A_586 = arith.muli %sub3A_584, %mul3A_585 : i32
      %add3A_587 = arith.addi %mul3A_6, %mul3A_586 : i32
      %add3A_588 = arith.constant 0 : i32
      %add3A_589 = arith.addi %add3A_587, %add3A_588 : i32
      %dma_start3A_590 = arith.constant 0 : i32
      %dma_start3A_591 = arith.constant 0 : i32
      %dma_start3A_592 = tpu.memref_slice %arg17[%dma_start3A_590, %dma_start3A_591] : memref<400x32xf32, #tpu.memory_space<vmem>> -> memref<200x32xf32, #tpu.memory_space<vmem>>
      %dma_start3A_593 = arith.constant 0 : i32
      %dma_start3A_594 = arith.constant 0 : i32
      %dma_start3A_595 = tpu.memref_slice %arg8[%add3A_589, %dma_start3A_593, %dma_start3A_594] : memref<4096x200x32xf32, #tpu.memory_space<hbm>> -> memref<1x200x32xf32, #tpu.memory_space<hbm>>
      %dma_start3A_596 = tpu.memref_squeeze %dma_start3A_595 : memref<1x200x32xf32, #tpu.memory_space<hbm>> -> memref<200x32xf32, #tpu.memory_space<hbm>>
      %dma_start3A_597 = arith.constant 0 : i32
      %dma_start3A_598 = arith.constant 0 : i32
      %dma_start3A_599 = tpu.memref_slice %arg8[%add3A_589, %dma_start3A_597, %dma_start3A_598] : memref<4096x200x32xf32, #tpu.memory_space<hbm>> -> memref<1x200x32xf32, #tpu.memory_space<hbm>>
      %dma_start3A_600 = tpu.memref_squeeze %dma_start3A_599 : memref<1x200x32xf32, #tpu.memory_space<hbm>> -> memref<200x32xf32, #tpu.memory_space<hbm>>
      %dma_start3A_601 = arith.constant 0 : i32
      %dma_start3A_602 = arith.constant 0 : i32
      %dma_start3A_603 = tpu.memref_slice %arg17[%dma_start3A_601, %dma_start3A_602] : memref<400x32xf32, #tpu.memory_space<vmem>> -> memref<200x32xf32, #tpu.memory_space<vmem>>
      tpu.enqueue_dma source(%dma_start3A_603 : memref<200x32xf32, #tpu.memory_space<vmem>>) target(%dma_start3A_600 : memref<200x32xf32, #tpu.memory_space<hbm>>) target_semaphore(%arg32 : memref<!tpu.dma_semaphore, #tpu.memory_space<semaphore_mem>>)
      %mul3A_604 = arith.constant 2 : i32
      %mul3A_605 = arith.muli %sub3A_584, %mul3A_604 : i32
      %add3A_606 = arith.addi %mul3A_6, %mul3A_605 : i32
      %add3A_607 = arith.constant 1 : i32
      %add3A_608 = arith.addi %add3A_606, %add3A_607 : i32
      %dma_start3A_609 = arith.constant 200 : i32
      %dma_start3A_610 = arith.constant 0 : i32
      %dma_start3A_611 = tpu.memref_slice %arg17[%dma_start3A_609, %dma_start3A_610] : memref<400x32xf32, #tpu.memory_space<vmem>> -> memref<200x32xf32, #tpu.memory_space<vmem>>
      %dma_start3A_612 = arith.constant 0 : i32
      %dma_start3A_613 = arith.constant 0 : i32
      %dma_start3A_614 = tpu.memref_slice %arg8[%add3A_608, %dma_start3A_612, %dma_start3A_613] : memref<4096x200x32xf32, #tpu.memory_space<hbm>> -> memref<1x200x32xf32, #tpu.memory_space<hbm>>
      %dma_start3A_615 = tpu.memref_squeeze %dma_start3A_614 : memref<1x200x32xf32, #tpu.memory_space<hbm>> -> memref<200x32xf32, #tpu.memory_space<hbm>>
      %dma_start3A_616 = arith.constant 0 : i32
      %dma_start3A_617 = arith.constant 0 : i32
      %dma_start3A_618 = tpu.memref_slice %arg8[%add3A_608, %dma_start3A_616, %dma_start3A_617] : memref<4096x200x32xf32, #tpu.memory_space<hbm>> -> memref<1x200x32xf32, #tpu.memory_space<hbm>>
      %dma_start3A_619 = tpu.memref_squeeze %dma_start3A_618 : memref<1x200x32xf32, #tpu.memory_space<hbm>> -> memref<200x32xf32, #tpu.memory_space<hbm>>
      %dma_start3A_620 = arith.constant 200 : i32
      %dma_start3A_621 = arith.constant 0 : i32
      %dma_start3A_622 = tpu.memref_slice %arg17[%dma_start3A_620, %dma_start3A_621] : memref<400x32xf32, #tpu.memory_space<vmem>> -> memref<200x32xf32, #tpu.memory_space<vmem>>
      tpu.enqueue_dma source(%dma_start3A_622 : memref<200x32xf32, #tpu.memory_space<vmem>>) target(%dma_start3A_619 : memref<200x32xf32, #tpu.memory_space<hbm>>) target_semaphore(%arg32 : memref<!tpu.dma_semaphore, #tpu.memory_space<semaphore_mem>>)
      %mul3A_623 = arith.constant 400 : i32
      %mul3A_624 = arith.muli %mul3A_542, %mul3A_623 : i32
      %add3A_625 = arith.addi %mul3A_2, %mul3A_624 : i32
      %dma_wait3A_626 = tpu.memref_slice %arg3[%add3A_625] : memref<819200xi32, #tpu.memory_space<hbm>> -> memref<400xi32, #tpu.memory_space<hbm>>
      %dma_wait3A_627 = tpu.memref_slice %arg3[%add3A_625] : memref<819200xi32, #tpu.memory_space<hbm>> -> memref<400xi32, #tpu.memory_space<hbm>>
      tpu.wait_dma2 semaphore(%arg26 : memref<!tpu.dma_semaphore, #tpu.memory_space<semaphore_mem>>) src(%dma_wait3A_627 : memref<400xi32, #tpu.memory_space<hbm>>) dst(%arg14 : memref<400xi32, #tpu.memory_space<vmem>>)
      %dma_start3A_628 = arith.constant 0 : i32
      %dma_start3A_629 = arith.constant 0 : i32
      %dma_start3A_630 = tpu.memref_slice %arg11[%dma_start3A_628, %dma_start3A_629] : memref<48x32xf32, #tpu.memory_space<vmem_shared>> -> memref<48x32xf32, #tpu.memory_space<vmem_shared>>
      tpu.enqueue_indirect_dma source(%dma_start3A_630 : memref<48x32xf32, #tpu.memory_space<vmem_shared>>) target(%arg16 : memref<400x32xf32, #tpu.memory_space<vmem>>) offsets(%arg14 : memref<400xi32, #tpu.memory_space<vmem>>) semaphore(%arg29 : memref<!tpu.dma_semaphore, #tpu.memory_space<semaphore_mem>>)
      %lt3A = arith.constant 63 : i32
      %lt3A_631 = arith.cmpi slt, %mul3A_542, %lt3A : i32
      %convert_element_type3A_632 = arith.extui %lt3A_631 : i1 to i32
      %cond3A_633 = arith.constant 0 : i32
      %cond3A_634 = arith.cmpi ne, %convert_element_type3A_632, %cond3A_633 : i32
      scf.if %cond3A_634 {
        %add3A_1109 = arith.constant 1 : i32
        %add3A_1110 = arith.addi %mul3A_542, %add3A_1109 : i32
        %mul3A_1111 = arith.constant 400 : i32
        %mul3A_1112 = arith.muli %add3A_1110, %mul3A_1111 : i32
        %add3A_1113 = arith.addi %mul3A_2, %mul3A_1112 : i32
        %dma_start3A_1114 = tpu.memref_slice %arg3[%add3A_1113] : memref<819200xi32, #tpu.memory_space<hbm>> -> memref<400xi32, #tpu.memory_space<hbm>>
        %dma_start3A_1115 = tpu.memref_slice %arg3[%add3A_1113] : memref<819200xi32, #tpu.memory_space<hbm>> -> memref<400xi32, #tpu.memory_space<hbm>>
        tpu.enqueue_dma source(%dma_start3A_1115 : memref<400xi32, #tpu.memory_space<hbm>>) target(%arg15 : memref<400xi32, #tpu.memory_space<vmem>>) target_semaphore(%arg26 : memref<!tpu.dma_semaphore, #tpu.memory_space<semaphore_mem>>)
      } else {
      }
      %mul3A_635 = arith.constant 2 : i32
      %mul3A_636 = arith.muli %mul3A_542, %mul3A_635 : i32
      %add3A_637 = arith.addi %mul3A_6, %mul3A_636 : i32
      %add3A_638 = arith.constant 0 : i32
      %add3A_639 = arith.addi %add3A_637, %add3A_638 : i32
      %dma_wait3A_640 = arith.constant 0 : i32
      %dma_wait3A_641 = arith.constant 0 : i32
      %dma_wait3A_642 = tpu.memref_slice %arg20[%dma_wait3A_640, %dma_wait3A_641] : memref<400x32xf32, #tpu.memory_space<vmem>> -> memref<200x32xf32, #tpu.memory_space<vmem>>
      %dma_wait3A_643 = arith.constant 0 : i32
      %dma_wait3A_644 = arith.constant 0 : i32
      %dma_wait3A_645 = tpu.memref_slice %arg9[%add3A_639, %dma_wait3A_643, %dma_wait3A_644] : memref<4096x200x32xf32, #tpu.memory_space<hbm>> -> memref<1x200x32xf32, #tpu.memory_space<hbm>>
      %dma_wait3A_646 = tpu.memref_squeeze %dma_wait3A_645 : memref<1x200x32xf32, #tpu.memory_space<hbm>> -> memref<200x32xf32, #tpu.memory_space<hbm>>
      %dma_wait3A_647 = arith.constant 0 : i32
      %dma_wait3A_648 = arith.constant 0 : i32
      %dma_wait3A_649 = tpu.memref_slice %arg9[%add3A_639, %dma_wait3A_647, %dma_wait3A_648] : memref<4096x200x32xf32, #tpu.memory_space<hbm>> -> memref<1x200x32xf32, #tpu.memory_space<hbm>>
      %dma_wait3A_650 = tpu.memref_squeeze %dma_wait3A_649 : memref<1x200x32xf32, #tpu.memory_space<hbm>> -> memref<200x32xf32, #tpu.memory_space<hbm>>
      %dma_wait3A_651 = arith.constant 0 : i32
      %dma_wait3A_652 = arith.constant 0 : i32
      %dma_wait3A_653 = tpu.memref_slice %arg20[%dma_wait3A_651, %dma_wait3A_652] : memref<400x32xf32, #tpu.memory_space<vmem>> -> memref<200x32xf32, #tpu.memory_space<vmem>>
      tpu.wait_dma2 semaphore(%arg33 : memref<!tpu.dma_semaphore, #tpu.memory_space<semaphore_mem>>) src(%dma_wait3A_653 : memref<200x32xf32, #tpu.memory_space<vmem>>) dst(%dma_wait3A_650 : memref<200x32xf32, #tpu.memory_space<hbm>>)
      %mul3A_654 = arith.constant 2 : i32
      %mul3A_655 = arith.muli %mul3A_542, %mul3A_654 : i32
      %add3A_656 = arith.addi %mul3A_6, %mul3A_655 : i32
      %add3A_657 = arith.constant 1 : i32
      %add3A_658 = arith.addi %add3A_656, %add3A_657 : i32
      %dma_wait3A_659 = arith.constant 200 : i32
      %dma_wait3A_660 = arith.constant 0 : i32
      %dma_wait3A_661 = tpu.memref_slice %arg20[%dma_wait3A_659, %dma_wait3A_660] : memref<400x32xf32, #tpu.memory_space<vmem>> -> memref<200x32xf32, #tpu.memory_space<vmem>>
      %dma_wait3A_662 = arith.constant 0 : i32
      %dma_wait3A_663 = arith.constant 0 : i32
      %dma_wait3A_664 = tpu.memref_slice %arg9[%add3A_658, %dma_wait3A_662, %dma_wait3A_663] : memref<4096x200x32xf32, #tpu.memory_space<hbm>> -> memref<1x200x32xf32, #tpu.memory_space<hbm>>
      %dma_wait3A_665 = tpu.memref_squeeze %dma_wait3A_664 : memref<1x200x32xf32, #tpu.memory_space<hbm>> -> memref<200x32xf32, #tpu.memory_space<hbm>>
      %dma_wait3A_666 = arith.constant 0 : i32
      %dma_wait3A_667 = arith.constant 0 : i32
      %dma_wait3A_668 = tpu.memref_slice %arg9[%add3A_658, %dma_wait3A_666, %dma_wait3A_667] : memref<4096x200x32xf32, #tpu.memory_space<hbm>> -> memref<1x200x32xf32, #tpu.memory_space<hbm>>
      %dma_wait3A_669 = tpu.memref_squeeze %dma_wait3A_668 : memref<1x200x32xf32, #tpu.memory_space<hbm>> -> memref<200x32xf32, #tpu.memory_space<hbm>>
      %dma_wait3A_670 = arith.constant 200 : i32
      %dma_wait3A_671 = arith.constant 0 : i32
      %dma_wait3A_672 = tpu.memref_slice %arg20[%dma_wait3A_670, %dma_wait3A_671] : memref<400x32xf32, #tpu.memory_space<vmem>> -> memref<200x32xf32, #tpu.memory_space<vmem>>
      tpu.wait_dma2 semaphore(%arg33 : memref<!tpu.dma_semaphore, #tpu.memory_space<semaphore_mem>>) src(%dma_wait3A_672 : memref<200x32xf32, #tpu.memory_space<vmem>>) dst(%dma_wait3A_669 : memref<200x32xf32, #tpu.memory_space<hbm>>)
      %dma_wait3A_673 = arith.constant 0 : i32
      %dma_wait3A_674 = arith.constant 0 : i32
      %dma_wait3A_675 = tpu.memref_slice %arg12[%dma_wait3A_673, %dma_wait3A_674] : memref<42x32xf32, #tpu.memory_space<vmem_shared>> -> memref<42x32xf32, #tpu.memory_space<vmem_shared>>
      tpu.wait_indirect_dma semaphore(%arg30 : memref<!tpu.dma_semaphore, #tpu.memory_space<semaphore_mem>>) src(%dma_wait3A_675 : memref<42x32xf32, #tpu.memory_space<vmem_shared>>) dst(%arg21 : memref<400x32xf32, #tpu.memory_space<vmem>>)
      %sub3A_676 = arith.constant 1 : i32
      %sub3A_677 = arith.subi %mul3A_542, %sub3A_676 : i32
      %mul3A_678 = arith.constant 2 : i32
      %mul3A_679 = arith.muli %sub3A_677, %mul3A_678 : i32
      %add3A_680 = arith.addi %mul3A_6, %mul3A_679 : i32
      %add3A_681 = arith.constant 0 : i32
      %add3A_682 = arith.addi %add3A_680, %add3A_681 : i32
      %dma_start3A_683 = arith.constant 0 : i32
      %dma_start3A_684 = arith.constant 0 : i32
      %dma_start3A_685 = tpu.memref_slice %arg21[%dma_start3A_683, %dma_start3A_684] : memref<400x32xf32, #tpu.memory_space<vmem>> -> memref<200x32xf32, #tpu.memory_space<vmem>>
      %dma_start3A_686 = arith.constant 0 : i32
      %dma_start3A_687 = arith.constant 0 : i32
      %dma_start3A_688 = tpu.memref_slice %arg9[%add3A_682, %dma_start3A_686, %dma_start3A_687] : memref<4096x200x32xf32, #tpu.memory_space<hbm>> -> memref<1x200x32xf32, #tpu.memory_space<hbm>>
      %dma_start3A_689 = tpu.memref_squeeze %dma_start3A_688 : memref<1x200x32xf32, #tpu.memory_space<hbm>> -> memref<200x32xf32, #tpu.memory_space<hbm>>
      %dma_start3A_690 = arith.constant 0 : i32
      %dma_start3A_691 = arith.constant 0 : i32
      %dma_start3A_692 = tpu.memref_slice %arg9[%add3A_682, %dma_start3A_690, %dma_start3A_691] : memref<4096x200x32xf32, #tpu.memory_space<hbm>> -> memref<1x200x32xf32, #tpu.memory_space<hbm>>
      %dma_start3A_693 = tpu.memref_squeeze %dma_start3A_692 : memref<1x200x32xf32, #tpu.memory_space<hbm>> -> memref<200x32xf32, #tpu.memory_space<hbm>>
      %dma_start3A_694 = arith.constant 0 : i32
      %dma_start3A_695 = arith.constant 0 : i32
      %dma_start3A_696 = tpu.memref_slice %arg21[%dma_start3A_694, %dma_start3A_695] : memref<400x32xf32, #tpu.memory_space<vmem>> -> memref<200x32xf32, #tpu.memory_space<vmem>>
      tpu.enqueue_dma source(%dma_start3A_696 : memref<200x32xf32, #tpu.memory_space<vmem>>) target(%dma_start3A_693 : memref<200x32xf32, #tpu.memory_space<hbm>>) target_semaphore(%arg33 : memref<!tpu.dma_semaphore, #tpu.memory_space<semaphore_mem>>)
      %mul3A_697 = arith.constant 2 : i32
      %mul3A_698 = arith.muli %sub3A_677, %mul3A_697 : i32
      %add3A_699 = arith.addi %mul3A_6, %mul3A_698 : i32
      %add3A_700 = arith.constant 1 : i32
      %add3A_701 = arith.addi %add3A_699, %add3A_700 : i32
      %dma_start3A_702 = arith.constant 200 : i32
      %dma_start3A_703 = arith.constant 0 : i32
      %dma_start3A_704 = tpu.memref_slice %arg21[%dma_start3A_702, %dma_start3A_703] : memref<400x32xf32, #tpu.memory_space<vmem>> -> memref<200x32xf32, #tpu.memory_space<vmem>>
      %dma_start3A_705 = arith.constant 0 : i32
      %dma_start3A_706 = arith.constant 0 : i32
      %dma_start3A_707 = tpu.memref_slice %arg9[%add3A_701, %dma_start3A_705, %dma_start3A_706] : memref<4096x200x32xf32, #tpu.memory_space<hbm>> -> memref<1x200x32xf32, #tpu.memory_space<hbm>>
      %dma_start3A_708 = tpu.memref_squeeze %dma_start3A_707 : memref<1x200x32xf32, #tpu.memory_space<hbm>> -> memref<200x32xf32, #tpu.memory_space<hbm>>
      %dma_start3A_709 = arith.constant 0 : i32
      %dma_start3A_710 = arith.constant 0 : i32
      %dma_start3A_711 = tpu.memref_slice %arg9[%add3A_701, %dma_start3A_709, %dma_start3A_710] : memref<4096x200x32xf32, #tpu.memory_space<hbm>> -> memref<1x200x32xf32, #tpu.memory_space<hbm>>
      %dma_start3A_712 = tpu.memref_squeeze %dma_start3A_711 : memref<1x200x32xf32, #tpu.memory_space<hbm>> -> memref<200x32xf32, #tpu.memory_space<hbm>>
      %dma_start3A_713 = arith.constant 200 : i32
      %dma_start3A_714 = arith.constant 0 : i32
      %dma_start3A_715 = tpu.memref_slice %arg21[%dma_start3A_713, %dma_start3A_714] : memref<400x32xf32, #tpu.memory_space<vmem>> -> memref<200x32xf32, #tpu.memory_space<vmem>>
      tpu.enqueue_dma source(%dma_start3A_715 : memref<200x32xf32, #tpu.memory_space<vmem>>) target(%dma_start3A_712 : memref<200x32xf32, #tpu.memory_space<hbm>>) target_semaphore(%arg33 : memref<!tpu.dma_semaphore, #tpu.memory_space<semaphore_mem>>)
      %mul3A_716 = arith.constant 400 : i32
      %mul3A_717 = arith.muli %mul3A_542, %mul3A_716 : i32
      %add3A_718 = arith.addi %mul3A_2, %mul3A_717 : i32
      %dma_wait3A_719 = tpu.memref_slice %arg4[%add3A_718] : memref<819200xi32, #tpu.memory_space<hbm>> -> memref<400xi32, #tpu.memory_space<hbm>>
      %dma_wait3A_720 = tpu.memref_slice %arg4[%add3A_718] : memref<819200xi32, #tpu.memory_space<hbm>> -> memref<400xi32, #tpu.memory_space<hbm>>
      tpu.wait_dma2 semaphore(%arg27 : memref<!tpu.dma_semaphore, #tpu.memory_space<semaphore_mem>>) src(%dma_wait3A_720 : memref<400xi32, #tpu.memory_space<hbm>>) dst(%arg18 : memref<400xi32, #tpu.memory_space<vmem>>)
      %dma_start3A_721 = arith.constant 0 : i32
      %dma_start3A_722 = arith.constant 0 : i32
      %dma_start3A_723 = tpu.memref_slice %arg12[%dma_start3A_721, %dma_start3A_722] : memref<42x32xf32, #tpu.memory_space<vmem_shared>> -> memref<42x32xf32, #tpu.memory_space<vmem_shared>>
      tpu.enqueue_indirect_dma source(%dma_start3A_723 : memref<42x32xf32, #tpu.memory_space<vmem_shared>>) target(%arg20 : memref<400x32xf32, #tpu.memory_space<vmem>>) offsets(%arg18 : memref<400xi32, #tpu.memory_space<vmem>>) semaphore(%arg30 : memref<!tpu.dma_semaphore, #tpu.memory_space<semaphore_mem>>)
      %lt3A_724 = arith.constant 63 : i32
      %lt3A_725 = arith.cmpi slt, %mul3A_542, %lt3A_724 : i32
      %convert_element_type3A_726 = arith.extui %lt3A_725 : i1 to i32
      %cond3A_727 = arith.constant 0 : i32
      %cond3A_728 = arith.cmpi ne, %convert_element_type3A_726, %cond3A_727 : i32
      scf.if %cond3A_728 {
        %add3A_1109 = arith.constant 1 : i32
        %add3A_1110 = arith.addi %mul3A_542, %add3A_1109 : i32
        %mul3A_1111 = arith.constant 400 : i32
        %mul3A_1112 = arith.muli %add3A_1110, %mul3A_1111 : i32
        %add3A_1113 = arith.addi %mul3A_2, %mul3A_1112 : i32
        %dma_start3A_1114 = tpu.memref_slice %arg4[%add3A_1113] : memref<819200xi32, #tpu.memory_space<hbm>> -> memref<400xi32, #tpu.memory_space<hbm>>
        %dma_start3A_1115 = tpu.memref_slice %arg4[%add3A_1113] : memref<819200xi32, #tpu.memory_space<hbm>> -> memref<400xi32, #tpu.memory_space<hbm>>
        tpu.enqueue_dma source(%dma_start3A_1115 : memref<400xi32, #tpu.memory_space<hbm>>) target(%arg19 : memref<400xi32, #tpu.memory_space<vmem>>) target_semaphore(%arg27 : memref<!tpu.dma_semaphore, #tpu.memory_space<semaphore_mem>>)
      } else {
      }
      %mul3A_729 = arith.constant 2 : i32
      %mul3A_730 = arith.muli %mul3A_542, %mul3A_729 : i32
      %add3A_731 = arith.addi %mul3A_6, %mul3A_730 : i32
      %add3A_732 = arith.constant 0 : i32
      %add3A_733 = arith.addi %add3A_731, %add3A_732 : i32
      %dma_wait3A_734 = arith.constant 0 : i32
      %dma_wait3A_735 = arith.constant 0 : i32
      %dma_wait3A_736 = tpu.memref_slice %arg24[%dma_wait3A_734, %dma_wait3A_735] : memref<400x64xf32, #tpu.memory_space<vmem>> -> memref<200x64xf32, #tpu.memory_space<vmem>>
      %dma_wait3A_737 = arith.constant 0 : i32
      %dma_wait3A_738 = arith.constant 0 : i32
      %dma_wait3A_739 = tpu.memref_slice %arg10[%add3A_733, %dma_wait3A_737, %dma_wait3A_738] : memref<4096x200x64xf32, #tpu.memory_space<hbm>> -> memref<1x200x64xf32, #tpu.memory_space<hbm>>
      %dma_wait3A_740 = tpu.memref_squeeze %dma_wait3A_739 : memref<1x200x64xf32, #tpu.memory_space<hbm>> -> memref<200x64xf32, #tpu.memory_space<hbm>>
      %dma_wait3A_741 = arith.constant 0 : i32
      %dma_wait3A_742 = arith.constant 0 : i32
      %dma_wait3A_743 = tpu.memref_slice %arg10[%add3A_733, %dma_wait3A_741, %dma_wait3A_742] : memref<4096x200x64xf32, #tpu.memory_space<hbm>> -> memref<1x200x64xf32, #tpu.memory_space<hbm>>
      %dma_wait3A_744 = tpu.memref_squeeze %dma_wait3A_743 : memref<1x200x64xf32, #tpu.memory_space<hbm>> -> memref<200x64xf32, #tpu.memory_space<hbm>>
      %dma_wait3A_745 = arith.constant 0 : i32
      %dma_wait3A_746 = arith.constant 0 : i32
      %dma_wait3A_747 = tpu.memref_slice %arg24[%dma_wait3A_745, %dma_wait3A_746] : memref<400x64xf32, #tpu.memory_space<vmem>> -> memref<200x64xf32, #tpu.memory_space<vmem>>
      tpu.wait_dma2 semaphore(%arg34 : memref<!tpu.dma_semaphore, #tpu.memory_space<semaphore_mem>>) src(%dma_wait3A_747 : memref<200x64xf32, #tpu.memory_space<vmem>>) dst(%dma_wait3A_744 : memref<200x64xf32, #tpu.memory_space<hbm>>)
      %mul3A_748 = arith.constant 2 : i32
      %mul3A_749 = arith.muli %mul3A_542, %mul3A_748 : i32
      %add3A_750 = arith.addi %mul3A_6, %mul3A_749 : i32
      %add3A_751 = arith.constant 1 : i32
      %add3A_752 = arith.addi %add3A_750, %add3A_751 : i32
      %dma_wait3A_753 = arith.constant 200 : i32
      %dma_wait3A_754 = arith.constant 0 : i32
      %dma_wait3A_755 = tpu.memref_slice %arg24[%dma_wait3A_753, %dma_wait3A_754] : memref<400x64xf32, #tpu.memory_space<vmem>> -> memref<200x64xf32, #tpu.memory_space<vmem>>
      %dma_wait3A_756 = arith.constant 0 : i32
      %dma_wait3A_757 = arith.constant 0 : i32
      %dma_wait3A_758 = tpu.memref_slice %arg10[%add3A_752, %dma_wait3A_756, %dma_wait3A_757] : memref<4096x200x64xf32, #tpu.memory_space<hbm>> -> memref<1x200x64xf32, #tpu.memory_space<hbm>>
      %dma_wait3A_759 = tpu.memref_squeeze %dma_wait3A_758 : memref<1x200x64xf32, #tpu.memory_space<hbm>> -> memref<200x64xf32, #tpu.memory_space<hbm>>
      %dma_wait3A_760 = arith.constant 0 : i32
      %dma_wait3A_761 = arith.constant 0 : i32
      %dma_wait3A_762 = tpu.memref_slice %arg10[%add3A_752, %dma_wait3A_760, %dma_wait3A_761] : memref<4096x200x64xf32, #tpu.memory_space<hbm>> -> memref<1x200x64xf32, #tpu.memory_space<hbm>>
      %dma_wait3A_763 = tpu.memref_squeeze %dma_wait3A_762 : memref<1x200x64xf32, #tpu.memory_space<hbm>> -> memref<200x64xf32, #tpu.memory_space<hbm>>
      %dma_wait3A_764 = arith.constant 200 : i32
      %dma_wait3A_765 = arith.constant 0 : i32
      %dma_wait3A_766 = tpu.memref_slice %arg24[%dma_wait3A_764, %dma_wait3A_765] : memref<400x64xf32, #tpu.memory_space<vmem>> -> memref<200x64xf32, #tpu.memory_space<vmem>>
      tpu.wait_dma2 semaphore(%arg34 : memref<!tpu.dma_semaphore, #tpu.memory_space<semaphore_mem>>) src(%dma_wait3A_766 : memref<200x64xf32, #tpu.memory_space<vmem>>) dst(%dma_wait3A_763 : memref<200x64xf32, #tpu.memory_space<hbm>>)
      %dma_wait3A_767 = arith.constant 0 : i32
      %dma_wait3A_768 = arith.constant 0 : i32
      %dma_wait3A_769 = tpu.memref_slice %arg13[%dma_wait3A_767, %dma_wait3A_768] : memref<42x64xf32, #tpu.memory_space<vmem_shared>> -> memref<42x64xf32, #tpu.memory_space<vmem_shared>>
      tpu.wait_indirect_dma semaphore(%arg31 : memref<!tpu.dma_semaphore, #tpu.memory_space<semaphore_mem>>) src(%dma_wait3A_769 : memref<42x64xf32, #tpu.memory_space<vmem_shared>>) dst(%arg25 : memref<400x64xf32, #tpu.memory_space<vmem>>)
      %sub3A_770 = arith.constant 1 : i32
      %sub3A_771 = arith.subi %mul3A_542, %sub3A_770 : i32
      %mul3A_772 = arith.constant 2 : i32
      %mul3A_773 = arith.muli %sub3A_771, %mul3A_772 : i32
      %add3A_774 = arith.addi %mul3A_6, %mul3A_773 : i32
      %add3A_775 = arith.constant 0 : i32
      %add3A_776 = arith.addi %add3A_774, %add3A_775 : i32
      %dma_start3A_777 = arith.constant 0 : i32
      %dma_start3A_778 = arith.constant 0 : i32
      %dma_start3A_779 = tpu.memref_slice %arg25[%dma_start3A_777, %dma_start3A_778] : memref<400x64xf32, #tpu.memory_space<vmem>> -> memref<200x64xf32, #tpu.memory_space<vmem>>
      %dma_start3A_780 = arith.constant 0 : i32
      %dma_start3A_781 = arith.constant 0 : i32
      %dma_start3A_782 = tpu.memref_slice %arg10[%add3A_776, %dma_start3A_780, %dma_start3A_781] : memref<4096x200x64xf32, #tpu.memory_space<hbm>> -> memref<1x200x64xf32, #tpu.memory_space<hbm>>
      %dma_start3A_783 = tpu.memref_squeeze %dma_start3A_782 : memref<1x200x64xf32, #tpu.memory_space<hbm>> -> memref<200x64xf32, #tpu.memory_space<hbm>>
      %dma_start3A_784 = arith.constant 0 : i32
      %dma_start3A_785 = arith.constant 0 : i32
      %dma_start3A_786 = tpu.memref_slice %arg10[%add3A_776, %dma_start3A_784, %dma_start3A_785] : memref<4096x200x64xf32, #tpu.memory_space<hbm>> -> memref<1x200x64xf32, #tpu.memory_space<hbm>>
      %dma_start3A_787 = tpu.memref_squeeze %dma_start3A_786 : memref<1x200x64xf32, #tpu.memory_space<hbm>> -> memref<200x64xf32, #tpu.memory_space<hbm>>
      %dma_start3A_788 = arith.constant 0 : i32
      %dma_start3A_789 = arith.constant 0 : i32
      %dma_start3A_790 = tpu.memref_slice %arg25[%dma_start3A_788, %dma_start3A_789] : memref<400x64xf32, #tpu.memory_space<vmem>> -> memref<200x64xf32, #tpu.memory_space<vmem>>
      tpu.enqueue_dma source(%dma_start3A_790 : memref<200x64xf32, #tpu.memory_space<vmem>>) target(%dma_start3A_787 : memref<200x64xf32, #tpu.memory_space<hbm>>) target_semaphore(%arg34 : memref<!tpu.dma_semaphore, #tpu.memory_space<semaphore_mem>>)
      %mul3A_791 = arith.constant 2 : i32
      %mul3A_792 = arith.muli %sub3A_771, %mul3A_791 : i32
      %add3A_793 = arith.addi %mul3A_6, %mul3A_792 : i32
      %add3A_794 = arith.constant 1 : i32
      %add3A_795 = arith.addi %add3A_793, %add3A_794 : i32
      %dma_start3A_796 = arith.constant 200 : i32
      %dma_start3A_797 = arith.constant 0 : i32
      %dma_start3A_798 = tpu.memref_slice %arg25[%dma_start3A_796, %dma_start3A_797] : memref<400x64xf32, #tpu.memory_space<vmem>> -> memref<200x64xf32, #tpu.memory_space<vmem>>
      %dma_start3A_799 = arith.constant 0 : i32
      %dma_start3A_800 = arith.constant 0 : i32
      %dma_start3A_801 = tpu.memref_slice %arg10[%add3A_795, %dma_start3A_799, %dma_start3A_800] : memref<4096x200x64xf32, #tpu.memory_space<hbm>> -> memref<1x200x64xf32, #tpu.memory_space<hbm>>
      %dma_start3A_802 = tpu.memref_squeeze %dma_start3A_801 : memref<1x200x64xf32, #tpu.memory_space<hbm>> -> memref<200x64xf32, #tpu.memory_space<hbm>>
      %dma_start3A_803 = arith.constant 0 : i32
      %dma_start3A_804 = arith.constant 0 : i32
      %dma_start3A_805 = tpu.memref_slice %arg10[%add3A_795, %dma_start3A_803, %dma_start3A_804] : memref<4096x200x64xf32, #tpu.memory_space<hbm>> -> memref<1x200x64xf32, #tpu.memory_space<hbm>>
      %dma_start3A_806 = tpu.memref_squeeze %dma_start3A_805 : memref<1x200x64xf32, #tpu.memory_space<hbm>> -> memref<200x64xf32, #tpu.memory_space<hbm>>
      %dma_start3A_807 = arith.constant 200 : i32
      %dma_start3A_808 = arith.constant 0 : i32
      %dma_start3A_809 = tpu.memref_slice %arg25[%dma_start3A_807, %dma_start3A_808] : memref<400x64xf32, #tpu.memory_space<vmem>> -> memref<200x64xf32, #tpu.memory_space<vmem>>
      tpu.enqueue_dma source(%dma_start3A_809 : memref<200x64xf32, #tpu.memory_space<vmem>>) target(%dma_start3A_806 : memref<200x64xf32, #tpu.memory_space<hbm>>) target_semaphore(%arg34 : memref<!tpu.dma_semaphore, #tpu.memory_space<semaphore_mem>>)
      %mul3A_810 = arith.constant 400 : i32
      %mul3A_811 = arith.muli %mul3A_542, %mul3A_810 : i32
      %add3A_812 = arith.addi %mul3A_2, %mul3A_811 : i32
      %dma_wait3A_813 = tpu.memref_slice %arg2[%add3A_812] : memref<819200xi32, #tpu.memory_space<hbm>> -> memref<400xi32, #tpu.memory_space<hbm>>
      %dma_wait3A_814 = tpu.memref_slice %arg2[%add3A_812] : memref<819200xi32, #tpu.memory_space<hbm>> -> memref<400xi32, #tpu.memory_space<hbm>>
      tpu.wait_dma2 semaphore(%arg28 : memref<!tpu.dma_semaphore, #tpu.memory_space<semaphore_mem>>) src(%dma_wait3A_814 : memref<400xi32, #tpu.memory_space<hbm>>) dst(%arg22 : memref<400xi32, #tpu.memory_space<vmem>>)
      %dma_start3A_815 = arith.constant 0 : i32
      %dma_start3A_816 = arith.constant 0 : i32
      %dma_start3A_817 = tpu.memref_slice %arg13[%dma_start3A_815, %dma_start3A_816] : memref<42x64xf32, #tpu.memory_space<vmem_shared>> -> memref<42x64xf32, #tpu.memory_space<vmem_shared>>
      tpu.enqueue_indirect_dma source(%dma_start3A_817 : memref<42x64xf32, #tpu.memory_space<vmem_shared>>) target(%arg24 : memref<400x64xf32, #tpu.memory_space<vmem>>) offsets(%arg22 : memref<400xi32, #tpu.memory_space<vmem>>) semaphore(%arg31 : memref<!tpu.dma_semaphore, #tpu.memory_space<semaphore_mem>>)
      %lt3A_818 = arith.constant 63 : i32
      %lt3A_819 = arith.cmpi slt, %mul3A_542, %lt3A_818 : i32
      %convert_element_type3A_820 = arith.extui %lt3A_819 : i1 to i32
      %cond3A_821 = arith.constant 0 : i32
      %cond3A_822 = arith.cmpi ne, %convert_element_type3A_820, %cond3A_821 : i32
      scf.if %cond3A_822 {
        %add3A_1109 = arith.constant 1 : i32
        %add3A_1110 = arith.addi %mul3A_542, %add3A_1109 : i32
        %mul3A_1111 = arith.constant 400 : i32
        %mul3A_1112 = arith.muli %add3A_1110, %mul3A_1111 : i32
        %add3A_1113 = arith.addi %mul3A_2, %mul3A_1112 : i32
        %dma_start3A_1114 = tpu.memref_slice %arg2[%add3A_1113] : memref<819200xi32, #tpu.memory_space<hbm>> -> memref<400xi32, #tpu.memory_space<hbm>>
        %dma_start3A_1115 = tpu.memref_slice %arg2[%add3A_1113] : memref<819200xi32, #tpu.memory_space<hbm>> -> memref<400xi32, #tpu.memory_space<hbm>>
        tpu.enqueue_dma source(%dma_start3A_1115 : memref<400xi32, #tpu.memory_space<hbm>>) target(%arg23 : memref<400xi32, #tpu.memory_space<vmem>>) target_semaphore(%arg28 : memref<!tpu.dma_semaphore, #tpu.memory_space<semaphore_mem>>)
      } else {
      }
      %mul3A_823 = arith.constant 2 : i32
      %mul3A_824 = arith.muli %mul3A_823, %scan3A_540 : i32
      %add3A_825 = arith.constant 1 : i32
      %add3A_826 = arith.addi %mul3A_824, %add3A_825 : i32
      %mul3A_827 = arith.constant 2 : i32
      %mul3A_828 = arith.muli %add3A_826, %mul3A_827 : i32
      %add3A_829 = arith.addi %mul3A_6, %mul3A_828 : i32
      %add3A_830 = arith.constant 0 : i32
      %add3A_831 = arith.addi %add3A_829, %add3A_830 : i32
      %dma_wait3A_832 = arith.constant 0 : i32
      %dma_wait3A_833 = arith.constant 0 : i32
      %dma_wait3A_834 = tpu.memref_slice %arg17[%dma_wait3A_832, %dma_wait3A_833] : memref<400x32xf32, #tpu.memory_space<vmem>> -> memref<200x32xf32, #tpu.memory_space<vmem>>
      %dma_wait3A_835 = arith.constant 0 : i32
      %dma_wait3A_836 = arith.constant 0 : i32
      %dma_wait3A_837 = tpu.memref_slice %arg8[%add3A_831, %dma_wait3A_835, %dma_wait3A_836] : memref<4096x200x32xf32, #tpu.memory_space<hbm>> -> memref<1x200x32xf32, #tpu.memory_space<hbm>>
      %dma_wait3A_838 = tpu.memref_squeeze %dma_wait3A_837 : memref<1x200x32xf32, #tpu.memory_space<hbm>> -> memref<200x32xf32, #tpu.memory_space<hbm>>
      %dma_wait3A_839 = arith.constant 0 : i32
      %dma_wait3A_840 = arith.constant 0 : i32
      %dma_wait3A_841 = tpu.memref_slice %arg8[%add3A_831, %dma_wait3A_839, %dma_wait3A_840] : memref<4096x200x32xf32, #tpu.memory_space<hbm>> -> memref<1x200x32xf32, #tpu.memory_space<hbm>>
      %dma_wait3A_842 = tpu.memref_squeeze %dma_wait3A_841 : memref<1x200x32xf32, #tpu.memory_space<hbm>> -> memref<200x32xf32, #tpu.memory_space<hbm>>
      %dma_wait3A_843 = arith.constant 0 : i32
      %dma_wait3A_844 = arith.constant 0 : i32
      %dma_wait3A_845 = tpu.memref_slice %arg17[%dma_wait3A_843, %dma_wait3A_844] : memref<400x32xf32, #tpu.memory_space<vmem>> -> memref<200x32xf32, #tpu.memory_space<vmem>>
      tpu.wait_dma2 semaphore(%arg32 : memref<!tpu.dma_semaphore, #tpu.memory_space<semaphore_mem>>) src(%dma_wait3A_845 : memref<200x32xf32, #tpu.memory_space<vmem>>) dst(%dma_wait3A_842 : memref<200x32xf32, #tpu.memory_space<hbm>>)
      %mul3A_846 = arith.constant 2 : i32
      %mul3A_847 = arith.muli %add3A_826, %mul3A_846 : i32
      %add3A_848 = arith.addi %mul3A_6, %mul3A_847 : i32
      %add3A_849 = arith.constant 1 : i32
      %add3A_850 = arith.addi %add3A_848, %add3A_849 : i32
      %dma_wait3A_851 = arith.constant 200 : i32
      %dma_wait3A_852 = arith.constant 0 : i32
      %dma_wait3A_853 = tpu.memref_slice %arg17[%dma_wait3A_851, %dma_wait3A_852] : memref<400x32xf32, #tpu.memory_space<vmem>> -> memref<200x32xf32, #tpu.memory_space<vmem>>
      %dma_wait3A_854 = arith.constant 0 : i32
      %dma_wait3A_855 = arith.constant 0 : i32
      %dma_wait3A_856 = tpu.memref_slice %arg8[%add3A_850, %dma_wait3A_854, %dma_wait3A_855] : memref<4096x200x32xf32, #tpu.memory_space<hbm>> -> memref<1x200x32xf32, #tpu.memory_space<hbm>>
      %dma_wait3A_857 = tpu.memref_squeeze %dma_wait3A_856 : memref<1x200x32xf32, #tpu.memory_space<hbm>> -> memref<200x32xf32, #tpu.memory_space<hbm>>
      %dma_wait3A_858 = arith.constant 0 : i32
      %dma_wait3A_859 = arith.constant 0 : i32
      %dma_wait3A_860 = tpu.memref_slice %arg8[%add3A_850, %dma_wait3A_858, %dma_wait3A_859] : memref<4096x200x32xf32, #tpu.memory_space<hbm>> -> memref<1x200x32xf32, #tpu.memory_space<hbm>>
      %dma_wait3A_861 = tpu.memref_squeeze %dma_wait3A_860 : memref<1x200x32xf32, #tpu.memory_space<hbm>> -> memref<200x32xf32, #tpu.memory_space<hbm>>
      %dma_wait3A_862 = arith.constant 200 : i32
      %dma_wait3A_863 = arith.constant 0 : i32
      %dma_wait3A_864 = tpu.memref_slice %arg17[%dma_wait3A_862, %dma_wait3A_863] : memref<400x32xf32, #tpu.memory_space<vmem>> -> memref<200x32xf32, #tpu.memory_space<vmem>>
      tpu.wait_dma2 semaphore(%arg32 : memref<!tpu.dma_semaphore, #tpu.memory_space<semaphore_mem>>) src(%dma_wait3A_864 : memref<200x32xf32, #tpu.memory_space<vmem>>) dst(%dma_wait3A_861 : memref<200x32xf32, #tpu.memory_space<hbm>>)
      %dma_wait3A_865 = arith.constant 0 : i32
      %dma_wait3A_866 = arith.constant 0 : i32
      %dma_wait3A_867 = tpu.memref_slice %arg11[%dma_wait3A_865, %dma_wait3A_866] : memref<48x32xf32, #tpu.memory_space<vmem_shared>> -> memref<48x32xf32, #tpu.memory_space<vmem_shared>>
      tpu.wait_indirect_dma semaphore(%arg29 : memref<!tpu.dma_semaphore, #tpu.memory_space<semaphore_mem>>) src(%dma_wait3A_867 : memref<48x32xf32, #tpu.memory_space<vmem_shared>>) dst(%arg16 : memref<400x32xf32, #tpu.memory_space<vmem>>)
      %sub3A_868 = arith.constant 1 : i32
      %sub3A_869 = arith.subi %add3A_826, %sub3A_868 : i32
      %mul3A_870 = arith.constant 2 : i32
      %mul3A_871 = arith.muli %sub3A_869, %mul3A_870 : i32
      %add3A_872 = arith.addi %mul3A_6, %mul3A_871 : i32
      %add3A_873 = arith.constant 0 : i32
      %add3A_874 = arith.addi %add3A_872, %add3A_873 : i32
      %dma_start3A_875 = arith.constant 0 : i32
      %dma_start3A_876 = arith.constant 0 : i32
      %dma_start3A_877 = tpu.memref_slice %arg16[%dma_start3A_875, %dma_start3A_876] : memref<400x32xf32, #tpu.memory_space<vmem>> -> memref<200x32xf32, #tpu.memory_space<vmem>>
      %dma_start3A_878 = arith.constant 0 : i32
      %dma_start3A_879 = arith.constant 0 : i32
      %dma_start3A_880 = tpu.memref_slice %arg8[%add3A_874, %dma_start3A_878, %dma_start3A_879] : memref<4096x200x32xf32, #tpu.memory_space<hbm>> -> memref<1x200x32xf32, #tpu.memory_space<hbm>>
      %dma_start3A_881 = tpu.memref_squeeze %dma_start3A_880 : memref<1x200x32xf32, #tpu.memory_space<hbm>> -> memref<200x32xf32, #tpu.memory_space<hbm>>
      %dma_start3A_882 = arith.constant 0 : i32
      %dma_start3A_883 = arith.constant 0 : i32
      %dma_start3A_884 = tpu.memref_slice %arg8[%add3A_874, %dma_start3A_882, %dma_start3A_883] : memref<4096x200x32xf32, #tpu.memory_space<hbm>> -> memref<1x200x32xf32, #tpu.memory_space<hbm>>
      %dma_start3A_885 = tpu.memref_squeeze %dma_start3A_884 : memref<1x200x32xf32, #tpu.memory_space<hbm>> -> memref<200x32xf32, #tpu.memory_space<hbm>>
      %dma_start3A_886 = arith.constant 0 : i32
      %dma_start3A_887 = arith.constant 0 : i32
      %dma_start3A_888 = tpu.memref_slice %arg16[%dma_start3A_886, %dma_start3A_887] : memref<400x32xf32, #tpu.memory_space<vmem>> -> memref<200x32xf32, #tpu.memory_space<vmem>>
      tpu.enqueue_dma source(%dma_start3A_888 : memref<200x32xf32, #tpu.memory_space<vmem>>) target(%dma_start3A_885 : memref<200x32xf32, #tpu.memory_space<hbm>>) target_semaphore(%arg32 : memref<!tpu.dma_semaphore, #tpu.memory_space<semaphore_mem>>)
      %mul3A_889 = arith.constant 2 : i32
      %mul3A_890 = arith.muli %sub3A_869, %mul3A_889 : i32
      %add3A_891 = arith.addi %mul3A_6, %mul3A_890 : i32
      %add3A_892 = arith.constant 1 : i32
      %add3A_893 = arith.addi %add3A_891, %add3A_892 : i32
      %dma_start3A_894 = arith.constant 200 : i32
      %dma_start3A_895 = arith.constant 0 : i32
      %dma_start3A_896 = tpu.memref_slice %arg16[%dma_start3A_894, %dma_start3A_895] : memref<400x32xf32, #tpu.memory_space<vmem>> -> memref<200x32xf32, #tpu.memory_space<vmem>>
      %dma_start3A_897 = arith.constant 0 : i32
      %dma_start3A_898 = arith.constant 0 : i32
      %dma_start3A_899 = tpu.memref_slice %arg8[%add3A_893, %dma_start3A_897, %dma_start3A_898] : memref<4096x200x32xf32, #tpu.memory_space<hbm>> -> memref<1x200x32xf32, #tpu.memory_space<hbm>>
      %dma_start3A_900 = tpu.memref_squeeze %dma_start3A_899 : memref<1x200x32xf32, #tpu.memory_space<hbm>> -> memref<200x32xf32, #tpu.memory_space<hbm>>
      %dma_start3A_901 = arith.constant 0 : i32
      %dma_start3A_902 = arith.constant 0 : i32
      %dma_start3A_903 = tpu.memref_slice %arg8[%add3A_893, %dma_start3A_901, %dma_start3A_902] : memref<4096x200x32xf32, #tpu.memory_space<hbm>> -> memref<1x200x32xf32, #tpu.memory_space<hbm>>
      %dma_start3A_904 = tpu.memref_squeeze %dma_start3A_903 : memref<1x200x32xf32, #tpu.memory_space<hbm>> -> memref<200x32xf32, #tpu.memory_space<hbm>>
      %dma_start3A_905 = arith.constant 200 : i32
      %dma_start3A_906 = arith.constant 0 : i32
      %dma_start3A_907 = tpu.memref_slice %arg16[%dma_start3A_905, %dma_start3A_906] : memref<400x32xf32, #tpu.memory_space<vmem>> -> memref<200x32xf32, #tpu.memory_space<vmem>>
      tpu.enqueue_dma source(%dma_start3A_907 : memref<200x32xf32, #tpu.memory_space<vmem>>) target(%dma_start3A_904 : memref<200x32xf32, #tpu.memory_space<hbm>>) target_semaphore(%arg32 : memref<!tpu.dma_semaphore, #tpu.memory_space<semaphore_mem>>)
      %mul3A_908 = arith.constant 400 : i32
      %mul3A_909 = arith.muli %add3A_826, %mul3A_908 : i32
      %add3A_910 = arith.addi %mul3A_2, %mul3A_909 : i32
      %dma_wait3A_911 = tpu.memref_slice %arg3[%add3A_910] : memref<819200xi32, #tpu.memory_space<hbm>> -> memref<400xi32, #tpu.memory_space<hbm>>
      %dma_wait3A_912 = tpu.memref_slice %arg3[%add3A_910] : memref<819200xi32, #tpu.memory_space<hbm>> -> memref<400xi32, #tpu.memory_space<hbm>>
      tpu.wait_dma2 semaphore(%arg26 : memref<!tpu.dma_semaphore, #tpu.memory_space<semaphore_mem>>) src(%dma_wait3A_912 : memref<400xi32, #tpu.memory_space<hbm>>) dst(%arg15 : memref<400xi32, #tpu.memory_space<vmem>>)
      %dma_start3A_913 = arith.constant 0 : i32
      %dma_start3A_914 = arith.constant 0 : i32
      %dma_start3A_915 = tpu.memref_slice %arg11[%dma_start3A_913, %dma_start3A_914] : memref<48x32xf32, #tpu.memory_space<vmem_shared>> -> memref<48x32xf32, #tpu.memory_space<vmem_shared>>
      tpu.enqueue_indirect_dma source(%dma_start3A_915 : memref<48x32xf32, #tpu.memory_space<vmem_shared>>) target(%arg17 : memref<400x32xf32, #tpu.memory_space<vmem>>) offsets(%arg15 : memref<400xi32, #tpu.memory_space<vmem>>) semaphore(%arg29 : memref<!tpu.dma_semaphore, #tpu.memory_space<semaphore_mem>>)
      %lt3A_916 = arith.constant 63 : i32
      %lt3A_917 = arith.cmpi slt, %add3A_826, %lt3A_916 : i32
      %convert_element_type3A_918 = arith.extui %lt3A_917 : i1 to i32
      %cond3A_919 = arith.constant 0 : i32
      %cond3A_920 = arith.cmpi ne, %convert_element_type3A_918, %cond3A_919 : i32
      scf.if %cond3A_920 {
        %add3A_1109 = arith.constant 1 : i32
        %add3A_1110 = arith.addi %add3A_826, %add3A_1109 : i32
        %mul3A_1111 = arith.constant 400 : i32
        %mul3A_1112 = arith.muli %add3A_1110, %mul3A_1111 : i32
        %add3A_1113 = arith.addi %mul3A_2, %mul3A_1112 : i32
        %dma_start3A_1114 = tpu.memref_slice %arg3[%add3A_1113] : memref<819200xi32, #tpu.memory_space<hbm>> -> memref<400xi32, #tpu.memory_space<hbm>>
        %dma_start3A_1115 = tpu.memref_slice %arg3[%add3A_1113] : memref<819200xi32, #tpu.memory_space<hbm>> -> memref<400xi32, #tpu.memory_space<hbm>>
        tpu.enqueue_dma source(%dma_start3A_1115 : memref<400xi32, #tpu.memory_space<hbm>>) target(%arg14 : memref<400xi32, #tpu.memory_space<vmem>>) target_semaphore(%arg26 : memref<!tpu.dma_semaphore, #tpu.memory_space<semaphore_mem>>)
      } else {
      }
      %mul3A_921 = arith.constant 2 : i32
      %mul3A_922 = arith.muli %add3A_826, %mul3A_921 : i32
      %add3A_923 = arith.addi %mul3A_6, %mul3A_922 : i32
      %add3A_924 = arith.constant 0 : i32
      %add3A_925 = arith.addi %add3A_923, %add3A_924 : i32
      %dma_wait3A_926 = arith.constant 0 : i32
      %dma_wait3A_927 = arith.constant 0 : i32
      %dma_wait3A_928 = tpu.memref_slice %arg21[%dma_wait3A_926, %dma_wait3A_927] : memref<400x32xf32, #tpu.memory_space<vmem>> -> memref<200x32xf32, #tpu.memory_space<vmem>>
      %dma_wait3A_929 = arith.constant 0 : i32
      %dma_wait3A_930 = arith.constant 0 : i32
      %dma_wait3A_931 = tpu.memref_slice %arg9[%add3A_925, %dma_wait3A_929, %dma_wait3A_930] : memref<4096x200x32xf32, #tpu.memory_space<hbm>> -> memref<1x200x32xf32, #tpu.memory_space<hbm>>
      %dma_wait3A_932 = tpu.memref_squeeze %dma_wait3A_931 : memref<1x200x32xf32, #tpu.memory_space<hbm>> -> memref<200x32xf32, #tpu.memory_space<hbm>>
      %dma_wait3A_933 = arith.constant 0 : i32
      %dma_wait3A_934 = arith.constant 0 : i32
      %dma_wait3A_935 = tpu.memref_slice %arg9[%add3A_925, %dma_wait3A_933, %dma_wait3A_934] : memref<4096x200x32xf32, #tpu.memory_space<hbm>> -> memref<1x200x32xf32, #tpu.memory_space<hbm>>
      %dma_wait3A_936 = tpu.memref_squeeze %dma_wait3A_935 : memref<1x200x32xf32, #tpu.memory_space<hbm>> -> memref<200x32xf32, #tpu.memory_space<hbm>>
      %dma_wait3A_937 = arith.constant 0 : i32
      %dma_wait3A_938 = arith.constant 0 : i32
      %dma_wait3A_939 = tpu.memref_slice %arg21[%dma_wait3A_937, %dma_wait3A_938] : memref<400x32xf32, #tpu.memory_space<vmem>> -> memref<200x32xf32, #tpu.memory_space<vmem>>
      tpu.wait_dma2 semaphore(%arg33 : memref<!tpu.dma_semaphore, #tpu.memory_space<semaphore_mem>>) src(%dma_wait3A_939 : memref<200x32xf32, #tpu.memory_space<vmem>>) dst(%dma_wait3A_936 : memref<200x32xf32, #tpu.memory_space<hbm>>)
      %mul3A_940 = arith.constant 2 : i32
      %mul3A_941 = arith.muli %add3A_826, %mul3A_940 : i32
      %add3A_942 = arith.addi %mul3A_6, %mul3A_941 : i32
      %add3A_943 = arith.constant 1 : i32
      %add3A_944 = arith.addi %add3A_942, %add3A_943 : i32
      %dma_wait3A_945 = arith.constant 200 : i32
      %dma_wait3A_946 = arith.constant 0 : i32
      %dma_wait3A_947 = tpu.memref_slice %arg21[%dma_wait3A_945, %dma_wait3A_946] : memref<400x32xf32, #tpu.memory_space<vmem>> -> memref<200x32xf32, #tpu.memory_space<vmem>>
      %dma_wait3A_948 = arith.constant 0 : i32
      %dma_wait3A_949 = arith.constant 0 : i32
      %dma_wait3A_950 = tpu.memref_slice %arg9[%add3A_944, %dma_wait3A_948, %dma_wait3A_949] : memref<4096x200x32xf32, #tpu.memory_space<hbm>> -> memref<1x200x32xf32, #tpu.memory_space<hbm>>
      %dma_wait3A_951 = tpu.memref_squeeze %dma_wait3A_950 : memref<1x200x32xf32, #tpu.memory_space<hbm>> -> memref<200x32xf32, #tpu.memory_space<hbm>>
      %dma_wait3A_952 = arith.constant 0 : i32
      %dma_wait3A_953 = arith.constant 0 : i32
      %dma_wait3A_954 = tpu.memref_slice %arg9[%add3A_944, %dma_wait3A_952, %dma_wait3A_953] : memref<4096x200x32xf32, #tpu.memory_space<hbm>> -> memref<1x200x32xf32, #tpu.memory_space<hbm>>
      %dma_wait3A_955 = tpu.memref_squeeze %dma_wait3A_954 : memref<1x200x32xf32, #tpu.memory_space<hbm>> -> memref<200x32xf32, #tpu.memory_space<hbm>>
      %dma_wait3A_956 = arith.constant 200 : i32
      %dma_wait3A_957 = arith.constant 0 : i32
      %dma_wait3A_958 = tpu.memref_slice %arg21[%dma_wait3A_956, %dma_wait3A_957] : memref<400x32xf32, #tpu.memory_space<vmem>> -> memref<200x32xf32, #tpu.memory_space<vmem>>
      tpu.wait_dma2 semaphore(%arg33 : memref<!tpu.dma_semaphore, #tpu.memory_space<semaphore_mem>>) src(%dma_wait3A_958 : memref<200x32xf32, #tpu.memory_space<vmem>>) dst(%dma_wait3A_955 : memref<200x32xf32, #tpu.memory_space<hbm>>)
      %dma_wait3A_959 = arith.constant 0 : i32
      %dma_wait3A_960 = arith.constant 0 : i32
      %dma_wait3A_961 = tpu.memref_slice %arg12[%dma_wait3A_959, %dma_wait3A_960] : memref<42x32xf32, #tpu.memory_space<vmem_shared>> -> memref<42x32xf32, #tpu.memory_space<vmem_shared>>
      tpu.wait_indirect_dma semaphore(%arg30 : memref<!tpu.dma_semaphore, #tpu.memory_space<semaphore_mem>>) src(%dma_wait3A_961 : memref<42x32xf32, #tpu.memory_space<vmem_shared>>) dst(%arg20 : memref<400x32xf32, #tpu.memory_space<vmem>>)
      %sub3A_962 = arith.constant 1 : i32
      %sub3A_963 = arith.subi %add3A_826, %sub3A_962 : i32
      %mul3A_964 = arith.constant 2 : i32
      %mul3A_965 = arith.muli %sub3A_963, %mul3A_964 : i32
      %add3A_966 = arith.addi %mul3A_6, %mul3A_965 : i32
      %add3A_967 = arith.constant 0 : i32
      %add3A_968 = arith.addi %add3A_966, %add3A_967 : i32
      %dma_start3A_969 = arith.constant 0 : i32
      %dma_start3A_970 = arith.constant 0 : i32
      %dma_start3A_971 = tpu.memref_slice %arg20[%dma_start3A_969, %dma_start3A_970] : memref<400x32xf32, #tpu.memory_space<vmem>> -> memref<200x32xf32, #tpu.memory_space<vmem>>
      %dma_start3A_972 = arith.constant 0 : i32
      %dma_start3A_973 = arith.constant 0 : i32
      %dma_start3A_974 = tpu.memref_slice %arg9[%add3A_968, %dma_start3A_972, %dma_start3A_973] : memref<4096x200x32xf32, #tpu.memory_space<hbm>> -> memref<1x200x32xf32, #tpu.memory_space<hbm>>
      %dma_start3A_975 = tpu.memref_squeeze %dma_start3A_974 : memref<1x200x32xf32, #tpu.memory_space<hbm>> -> memref<200x32xf32, #tpu.memory_space<hbm>>
      %dma_start3A_976 = arith.constant 0 : i32
      %dma_start3A_977 = arith.constant 0 : i32
      %dma_start3A_978 = tpu.memref_slice %arg9[%add3A_968, %dma_start3A_976, %dma_start3A_977] : memref<4096x200x32xf32, #tpu.memory_space<hbm>> -> memref<1x200x32xf32, #tpu.memory_space<hbm>>
      %dma_start3A_979 = tpu.memref_squeeze %dma_start3A_978 : memref<1x200x32xf32, #tpu.memory_space<hbm>> -> memref<200x32xf32, #tpu.memory_space<hbm>>
      %dma_start3A_980 = arith.constant 0 : i32
      %dma_start3A_981 = arith.constant 0 : i32
      %dma_start3A_982 = tpu.memref_slice %arg20[%dma_start3A_980, %dma_start3A_981] : memref<400x32xf32, #tpu.memory_space<vmem>> -> memref<200x32xf32, #tpu.memory_space<vmem>>
      tpu.enqueue_dma source(%dma_start3A_982 : memref<200x32xf32, #tpu.memory_space<vmem>>) target(%dma_start3A_979 : memref<200x32xf32, #tpu.memory_space<hbm>>) target_semaphore(%arg33 : memref<!tpu.dma_semaphore, #tpu.memory_space<semaphore_mem>>)
      %mul3A_983 = arith.constant 2 : i32
      %mul3A_984 = arith.muli %sub3A_963, %mul3A_983 : i32
      %add3A_985 = arith.addi %mul3A_6, %mul3A_984 : i32
      %add3A_986 = arith.constant 1 : i32
      %add3A_987 = arith.addi %add3A_985, %add3A_986 : i32
      %dma_start3A_988 = arith.constant 200 : i32
      %dma_start3A_989 = arith.constant 0 : i32
      %dma_start3A_990 = tpu.memref_slice %arg20[%dma_start3A_988, %dma_start3A_989] : memref<400x32xf32, #tpu.memory_space<vmem>> -> memref<200x32xf32, #tpu.memory_space<vmem>>
      %dma_start3A_991 = arith.constant 0 : i32
      %dma_start3A_992 = arith.constant 0 : i32
      %dma_start3A_993 = tpu.memref_slice %arg9[%add3A_987, %dma_start3A_991, %dma_start3A_992] : memref<4096x200x32xf32, #tpu.memory_space<hbm>> -> memref<1x200x32xf32, #tpu.memory_space<hbm>>
      %dma_start3A_994 = tpu.memref_squeeze %dma_start3A_993 : memref<1x200x32xf32, #tpu.memory_space<hbm>> -> memref<200x32xf32, #tpu.memory_space<hbm>>
      %dma_start3A_995 = arith.constant 0 : i32
      %dma_start3A_996 = arith.constant 0 : i32
      %dma_start3A_997 = tpu.memref_slice %arg9[%add3A_987, %dma_start3A_995, %dma_start3A_996] : memref<4096x200x32xf32, #tpu.memory_space<hbm>> -> memref<1x200x32xf32, #tpu.memory_space<hbm>>
      %dma_start3A_998 = tpu.memref_squeeze %dma_start3A_997 : memref<1x200x32xf32, #tpu.memory_space<hbm>> -> memref<200x32xf32, #tpu.memory_space<hbm>>
      %dma_start3A_999 = arith.constant 200 : i32
      %dma_start3A_1000 = arith.constant 0 : i32
      %dma_start3A_1001 = tpu.memref_slice %arg20[%dma_start3A_999, %dma_start3A_1000] : memref<400x32xf32, #tpu.memory_space<vmem>> -> memref<200x32xf32, #tpu.memory_space<vmem>>
      tpu.enqueue_dma source(%dma_start3A_1001 : memref<200x32xf32, #tpu.memory_space<vmem>>) target(%dma_start3A_998 : memref<200x32xf32, #tpu.memory_space<hbm>>) target_semaphore(%arg33 : memref<!tpu.dma_semaphore, #tpu.memory_space<semaphore_mem>>)
      %mul3A_1002 = arith.constant 400 : i32
      %mul3A_1003 = arith.muli %add3A_826, %mul3A_1002 : i32
      %add3A_1004 = arith.addi %mul3A_2, %mul3A_1003 : i32
      %dma_wait3A_1005 = tpu.memref_slice %arg4[%add3A_1004] : memref<819200xi32, #tpu.memory_space<hbm>> -> memref<400xi32, #tpu.memory_space<hbm>>
      %dma_wait3A_1006 = tpu.memref_slice %arg4[%add3A_1004] : memref<819200xi32, #tpu.memory_space<hbm>> -> memref<400xi32, #tpu.memory_space<hbm>>
      tpu.wait_dma2 semaphore(%arg27 : memref<!tpu.dma_semaphore, #tpu.memory_space<semaphore_mem>>) src(%dma_wait3A_1006 : memref<400xi32, #tpu.memory_space<hbm>>) dst(%arg19 : memref<400xi32, #tpu.memory_space<vmem>>)
      %dma_start3A_1007 = arith.constant 0 : i32
      %dma_start3A_1008 = arith.constant 0 : i32
      %dma_start3A_1009 = tpu.memref_slice %arg12[%dma_start3A_1007, %dma_start3A_1008] : memref<42x32xf32, #tpu.memory_space<vmem_shared>> -> memref<42x32xf32, #tpu.memory_space<vmem_shared>>
      tpu.enqueue_indirect_dma source(%dma_start3A_1009 : memref<42x32xf32, #tpu.memory_space<vmem_shared>>) target(%arg21 : memref<400x32xf32, #tpu.memory_space<vmem>>) offsets(%arg19 : memref<400xi32, #tpu.memory_space<vmem>>) semaphore(%arg30 : memref<!tpu.dma_semaphore, #tpu.memory_space<semaphore_mem>>)
      %lt3A_1010 = arith.constant 63 : i32
      %lt3A_1011 = arith.cmpi slt, %add3A_826, %lt3A_1010 : i32
      %convert_element_type3A_1012 = arith.extui %lt3A_1011 : i1 to i32
      %cond3A_1013 = arith.constant 0 : i32
      %cond3A_1014 = arith.cmpi ne, %convert_element_type3A_1012, %cond3A_1013 : i32
      scf.if %cond3A_1014 {
        %add3A_1109 = arith.constant 1 : i32
        %add3A_1110 = arith.addi %add3A_826, %add3A_1109 : i32
        %mul3A_1111 = arith.constant 400 : i32
        %mul3A_1112 = arith.muli %add3A_1110, %mul3A_1111 : i32
        %add3A_1113 = arith.addi %mul3A_2, %mul3A_1112 : i32
        %dma_start3A_1114 = tpu.memref_slice %arg4[%add3A_1113] : memref<819200xi32, #tpu.memory_space<hbm>> -> memref<400xi32, #tpu.memory_space<hbm>>
        %dma_start3A_1115 = tpu.memref_slice %arg4[%add3A_1113] : memref<819200xi32, #tpu.memory_space<hbm>> -> memref<400xi32, #tpu.memory_space<hbm>>
        tpu.enqueue_dma source(%dma_start3A_1115 : memref<400xi32, #tpu.memory_space<hbm>>) target(%arg18 : memref<400xi32, #tpu.memory_space<vmem>>) target_semaphore(%arg27 : memref<!tpu.dma_semaphore, #tpu.memory_space<semaphore_mem>>)
      } else {
      }
      %mul3A_1015 = arith.constant 2 : i32
      %mul3A_1016 = arith.muli %add3A_826, %mul3A_1015 : i32
      %add3A_1017 = arith.addi %mul3A_6, %mul3A_1016 : i32
      %add3A_1018 = arith.constant 0 : i32
      %add3A_1019 = arith.addi %add3A_1017, %add3A_1018 : i32
      %dma_wait3A_1020 = arith.constant 0 : i32
      %dma_wait3A_1021 = arith.constant 0 : i32
      %dma_wait3A_1022 = tpu.memref_slice %arg25[%dma_wait3A_1020, %dma_wait3A_1021] : memref<400x64xf32, #tpu.memory_space<vmem>> -> memref<200x64xf32, #tpu.memory_space<vmem>>
      %dma_wait3A_1023 = arith.constant 0 : i32
      %dma_wait3A_1024 = arith.constant 0 : i32
      %dma_wait3A_1025 = tpu.memref_slice %arg10[%add3A_1019, %dma_wait3A_1023, %dma_wait3A_1024] : memref<4096x200x64xf32, #tpu.memory_space<hbm>> -> memref<1x200x64xf32, #tpu.memory_space<hbm>>
      %dma_wait3A_1026 = tpu.memref_squeeze %dma_wait3A_1025 : memref<1x200x64xf32, #tpu.memory_space<hbm>> -> memref<200x64xf32, #tpu.memory_space<hbm>>
      %dma_wait3A_1027 = arith.constant 0 : i32
      %dma_wait3A_1028 = arith.constant 0 : i32
      %dma_wait3A_1029 = tpu.memref_slice %arg10[%add3A_1019, %dma_wait3A_1027, %dma_wait3A_1028] : memref<4096x200x64xf32, #tpu.memory_space<hbm>> -> memref<1x200x64xf32, #tpu.memory_space<hbm>>
      %dma_wait3A_1030 = tpu.memref_squeeze %dma_wait3A_1029 : memref<1x200x64xf32, #tpu.memory_space<hbm>> -> memref<200x64xf32, #tpu.memory_space<hbm>>
      %dma_wait3A_1031 = arith.constant 0 : i32
      %dma_wait3A_1032 = arith.constant 0 : i32
      %dma_wait3A_1033 = tpu.memref_slice %arg25[%dma_wait3A_1031, %dma_wait3A_1032] : memref<400x64xf32, #tpu.memory_space<vmem>> -> memref<200x64xf32, #tpu.memory_space<vmem>>
      tpu.wait_dma2 semaphore(%arg34 : memref<!tpu.dma_semaphore, #tpu.memory_space<semaphore_mem>>) src(%dma_wait3A_1033 : memref<200x64xf32, #tpu.memory_space<vmem>>) dst(%dma_wait3A_1030 : memref<200x64xf32, #tpu.memory_space<hbm>>)
      %mul3A_1034 = arith.constant 2 : i32
      %mul3A_1035 = arith.muli %add3A_826, %mul3A_1034 : i32
      %add3A_1036 = arith.addi %mul3A_6, %mul3A_1035 : i32
      %add3A_1037 = arith.constant 1 : i32
      %add3A_1038 = arith.addi %add3A_1036, %add3A_1037 : i32
      %dma_wait3A_1039 = arith.constant 200 : i32
      %dma_wait3A_1040 = arith.constant 0 : i32
      %dma_wait3A_1041 = tpu.memref_slice %arg25[%dma_wait3A_1039, %dma_wait3A_1040] : memref<400x64xf32, #tpu.memory_space<vmem>> -> memref<200x64xf32, #tpu.memory_space<vmem>>
      %dma_wait3A_1042 = arith.constant 0 : i32
      %dma_wait3A_1043 = arith.constant 0 : i32
      %dma_wait3A_1044 = tpu.memref_slice %arg10[%add3A_1038, %dma_wait3A_1042, %dma_wait3A_1043] : memref<4096x200x64xf32, #tpu.memory_space<hbm>> -> memref<1x200x64xf32, #tpu.memory_space<hbm>>
      %dma_wait3A_1045 = tpu.memref_squeeze %dma_wait3A_1044 : memref<1x200x64xf32, #tpu.memory_space<hbm>> -> memref<200x64xf32, #tpu.memory_space<hbm>>
      %dma_wait3A_1046 = arith.constant 0 : i32
      %dma_wait3A_1047 = arith.constant 0 : i32
      %dma_wait3A_1048 = tpu.memref_slice %arg10[%add3A_1038, %dma_wait3A_1046, %dma_wait3A_1047] : memref<4096x200x64xf32, #tpu.memory_space<hbm>> -> memref<1x200x64xf32, #tpu.memory_space<hbm>>
      %dma_wait3A_1049 = tpu.memref_squeeze %dma_wait3A_1048 : memref<1x200x64xf32, #tpu.memory_space<hbm>> -> memref<200x64xf32, #tpu.memory_space<hbm>>
      %dma_wait3A_1050 = arith.constant 200 : i32
      %dma_wait3A_1051 = arith.constant 0 : i32
      %dma_wait3A_1052 = tpu.memref_slice %arg25[%dma_wait3A_1050, %dma_wait3A_1051] : memref<400x64xf32, #tpu.memory_space<vmem>> -> memref<200x64xf32, #tpu.memory_space<vmem>>
      tpu.wait_dma2 semaphore(%arg34 : memref<!tpu.dma_semaphore, #tpu.memory_space<semaphore_mem>>) src(%dma_wait3A_1052 : memref<200x64xf32, #tpu.memory_space<vmem>>) dst(%dma_wait3A_1049 : memref<200x64xf32, #tpu.memory_space<hbm>>)
      %dma_wait3A_1053 = arith.constant 0 : i32
      %dma_wait3A_1054 = arith.constant 0 : i32
      %dma_wait3A_1055 = tpu.memref_slice %arg13[%dma_wait3A_1053, %dma_wait3A_1054] : memref<42x64xf32, #tpu.memory_space<vmem_shared>> -> memref<42x64xf32, #tpu.memory_space<vmem_shared>>
      tpu.wait_indirect_dma semaphore(%arg31 : memref<!tpu.dma_semaphore, #tpu.memory_space<semaphore_mem>>) src(%dma_wait3A_1055 : memref<42x64xf32, #tpu.memory_space<vmem_shared>>) dst(%arg24 : memref<400x64xf32, #tpu.memory_space<vmem>>)
      %sub3A_1056 = arith.constant 1 : i32
      %sub3A_1057 = arith.subi %add3A_826, %sub3A_1056 : i32
      %mul3A_1058 = arith.constant 2 : i32
      %mul3A_1059 = arith.muli %sub3A_1057, %mul3A_1058 : i32
      %add3A_1060 = arith.addi %mul3A_6, %mul3A_1059 : i32
      %add3A_1061 = arith.constant 0 : i32
      %add3A_1062 = arith.addi %add3A_1060, %add3A_1061 : i32
      %dma_start3A_1063 = arith.constant 0 : i32
      %dma_start3A_1064 = arith.constant 0 : i32
      %dma_start3A_1065 = tpu.memref_slice %arg24[%dma_start3A_1063, %dma_start3A_1064] : memref<400x64xf32, #tpu.memory_space<vmem>> -> memref<200x64xf32, #tpu.memory_space<vmem>>
      %dma_start3A_1066 = arith.constant 0 : i32
      %dma_start3A_1067 = arith.constant 0 : i32
      %dma_start3A_1068 = tpu.memref_slice %arg10[%add3A_1062, %dma_start3A_1066, %dma_start3A_1067] : memref<4096x200x64xf32, #tpu.memory_space<hbm>> -> memref<1x200x64xf32, #tpu.memory_space<hbm>>
      %dma_start3A_1069 = tpu.memref_squeeze %dma_start3A_1068 : memref<1x200x64xf32, #tpu.memory_space<hbm>> -> memref<200x64xf32, #tpu.memory_space<hbm>>
      %dma_start3A_1070 = arith.constant 0 : i32
      %dma_start3A_1071 = arith.constant 0 : i32
      %dma_start3A_1072 = tpu.memref_slice %arg10[%add3A_1062, %dma_start3A_1070, %dma_start3A_1071] : memref<4096x200x64xf32, #tpu.memory_space<hbm>> -> memref<1x200x64xf32, #tpu.memory_space<hbm>>
      %dma_start3A_1073 = tpu.memref_squeeze %dma_start3A_1072 : memref<1x200x64xf32, #tpu.memory_space<hbm>> -> memref<200x64xf32, #tpu.memory_space<hbm>>
      %dma_start3A_1074 = arith.constant 0 : i32
      %dma_start3A_1075 = arith.constant 0 : i32
      %dma_start3A_1076 = tpu.memref_slice %arg24[%dma_start3A_1074, %dma_start3A_1075] : memref<400x64xf32, #tpu.memory_space<vmem>> -> memref<200x64xf32, #tpu.memory_space<vmem>>
      tpu.enqueue_dma source(%dma_start3A_1076 : memref<200x64xf32, #tpu.memory_space<vmem>>) target(%dma_start3A_1073 : memref<200x64xf32, #tpu.memory_space<hbm>>) target_semaphore(%arg34 : memref<!tpu.dma_semaphore, #tpu.memory_space<semaphore_mem>>)
      %mul3A_1077 = arith.constant 2 : i32
      %mul3A_1078 = arith.muli %sub3A_1057, %mul3A_1077 : i32
      %add3A_1079 = arith.addi %mul3A_6, %mul3A_1078 : i32
      %add3A_1080 = arith.constant 1 : i32
      %add3A_1081 = arith.addi %add3A_1079, %add3A_1080 : i32
      %dma_start3A_1082 = arith.constant 200 : i32
      %dma_start3A_1083 = arith.constant 0 : i32
      %dma_start3A_1084 = tpu.memref_slice %arg24[%dma_start3A_1082, %dma_start3A_1083] : memref<400x64xf32, #tpu.memory_space<vmem>> -> memref<200x64xf32, #tpu.memory_space<vmem>>
      %dma_start3A_1085 = arith.constant 0 : i32
      %dma_start3A_1086 = arith.constant 0 : i32
      %dma_start3A_1087 = tpu.memref_slice %arg10[%add3A_1081, %dma_start3A_1085, %dma_start3A_1086] : memref<4096x200x64xf32, #tpu.memory_space<hbm>> -> memref<1x200x64xf32, #tpu.memory_space<hbm>>
      %dma_start3A_1088 = tpu.memref_squeeze %dma_start3A_1087 : memref<1x200x64xf32, #tpu.memory_space<hbm>> -> memref<200x64xf32, #tpu.memory_space<hbm>>
      %dma_start3A_1089 = arith.constant 0 : i32
      %dma_start3A_1090 = arith.constant 0 : i32
      %dma_start3A_1091 = tpu.memref_slice %arg10[%add3A_1081, %dma_start3A_1089, %dma_start3A_1090] : memref<4096x200x64xf32, #tpu.memory_space<hbm>> -> memref<1x200x64xf32, #tpu.memory_space<hbm>>
      %dma_start3A_1092 = tpu.memref_squeeze %dma_start3A_1091 : memref<1x200x64xf32, #tpu.memory_space<hbm>> -> memref<200x64xf32, #tpu.memory_space<hbm>>
      %dma_start3A_1093 = arith.constant 200 : i32
      %dma_start3A_1094 = arith.constant 0 : i32
      %dma_start3A_1095 = tpu.memref_slice %arg24[%dma_start3A_1093, %dma_start3A_1094] : memref<400x64xf32, #tpu.memory_space<vmem>> -> memref<200x64xf32, #tpu.memory_space<vmem>>
      tpu.enqueue_dma source(%dma_start3A_1095 : memref<200x64xf32, #tpu.memory_space<vmem>>) target(%dma_start3A_1092 : memref<200x64xf32, #tpu.memory_space<hbm>>) target_semaphore(%arg34 : memref<!tpu.dma_semaphore, #tpu.memory_space<semaphore_mem>>)
      %mul3A_1096 = arith.constant 400 : i32
      %mul3A_1097 = arith.muli %add3A_826, %mul3A_1096 : i32
      %add3A_1098 = arith.addi %mul3A_2, %mul3A_1097 : i32
      %dma_wait3A_1099 = tpu.memref_slice %arg2[%add3A_1098] : memref<819200xi32, #tpu.memory_space<hbm>> -> memref<400xi32, #tpu.memory_space<hbm>>
      %dma_wait3A_1100 = tpu.memref_slice %arg2[%add3A_1098] : memref<819200xi32, #tpu.memory_space<hbm>> -> memref<400xi32, #tpu.memory_space<hbm>>
      tpu.wait_dma2 semaphore(%arg28 : memref<!tpu.dma_semaphore, #tpu.memory_space<semaphore_mem>>) src(%dma_wait3A_1100 : memref<400xi32, #tpu.memory_space<hbm>>) dst(%arg23 : memref<400xi32, #tpu.memory_space<vmem>>)
      %dma_start3A_1101 = arith.constant 0 : i32
      %dma_start3A_1102 = arith.constant 0 : i32
      %dma_start3A_1103 = tpu.memref_slice %arg13[%dma_start3A_1101, %dma_start3A_1102] : memref<42x64xf32, #tpu.memory_space<vmem_shared>> -> memref<42x64xf32, #tpu.memory_space<vmem_shared>>
      tpu.enqueue_indirect_dma source(%dma_start3A_1103 : memref<42x64xf32, #tpu.memory_space<vmem_shared>>) target(%arg25 : memref<400x64xf32, #tpu.memory_space<vmem>>) offsets(%arg23 : memref<400xi32, #tpu.memory_space<vmem>>) semaphore(%arg31 : memref<!tpu.dma_semaphore, #tpu.memory_space<semaphore_mem>>)
      %lt3A_1104 = arith.constant 63 : i32
      %lt3A_1105 = arith.cmpi slt, %add3A_826, %lt3A_1104 : i32
      %convert_element_type3A_1106 = arith.extui %lt3A_1105 : i1 to i32
      %cond3A_1107 = arith.constant 0 : i32
      %cond3A_1108 = arith.cmpi ne, %convert_element_type3A_1106, %cond3A_1107 : i32
      scf.if %cond3A_1108 {
        %add3A_1109 = arith.constant 1 : i32
        %add3A_1110 = arith.addi %add3A_826, %add3A_1109 : i32
        %mul3A_1111 = arith.constant 400 : i32
        %mul3A_1112 = arith.muli %add3A_1110, %mul3A_1111 : i32
        %add3A_1113 = arith.addi %mul3A_2, %mul3A_1112 : i32
        %dma_start3A_1114 = tpu.memref_slice %arg2[%add3A_1113] : memref<819200xi32, #tpu.memory_space<hbm>> -> memref<400xi32, #tpu.memory_space<hbm>>
        %dma_start3A_1115 = tpu.memref_slice %arg2[%add3A_1113] : memref<819200xi32, #tpu.memory_space<hbm>> -> memref<400xi32, #tpu.memory_space<hbm>>
        tpu.enqueue_dma source(%dma_start3A_1115 : memref<400xi32, #tpu.memory_space<hbm>>) target(%arg22 : memref<400xi32, #tpu.memory_space<vmem>>) target_semaphore(%arg28 : memref<!tpu.dma_semaphore, #tpu.memory_space<semaphore_mem>>)
      } else {
      }
    }
    %scan3A_206 = arith.constant 31 : i32
    %dma_wait3A_207 = arith.constant 0 : i32
    %dma_wait3A_208 = arith.constant 0 : i32
    %dma_wait3A_209 = tpu.memref_slice %arg11[%dma_wait3A_207, %dma_wait3A_208] : memref<48x32xf32, #tpu.memory_space<vmem_shared>> -> memref<48x32xf32, #tpu.memory_space<vmem_shared>>
    tpu.wait_indirect_dma semaphore(%arg29 : memref<!tpu.dma_semaphore, #tpu.memory_space<semaphore_mem>>) src(%dma_wait3A_209 : memref<48x32xf32, #tpu.memory_space<vmem_shared>>) dst(%arg17 : memref<400x32xf32, #tpu.memory_space<vmem>>)
    %add3A_210 = arith.constant 126 : i32
    %add3A_211 = arith.addi %mul3A_6, %add3A_210 : i32
    %add3A_212 = arith.constant 0 : i32
    %add3A_213 = arith.addi %add3A_211, %add3A_212 : i32
    %dma_start3A_214 = arith.constant 0 : i32
    %dma_start3A_215 = arith.constant 0 : i32
    %dma_start3A_216 = tpu.memref_slice %arg17[%dma_start3A_214, %dma_start3A_215] : memref<400x32xf32, #tpu.memory_space<vmem>> -> memref<200x32xf32, #tpu.memory_space<vmem>>
    %dma_start3A_217 = arith.constant 0 : i32
    %dma_start3A_218 = arith.constant 0 : i32
    %dma_start3A_219 = tpu.memref_slice %arg8[%add3A_213, %dma_start3A_217, %dma_start3A_218] : memref<4096x200x32xf32, #tpu.memory_space<hbm>> -> memref<1x200x32xf32, #tpu.memory_space<hbm>>
    %dma_start3A_220 = tpu.memref_squeeze %dma_start3A_219 : memref<1x200x32xf32, #tpu.memory_space<hbm>> -> memref<200x32xf32, #tpu.memory_space<hbm>>
    %dma_start3A_221 = arith.constant 0 : i32
    %dma_start3A_222 = arith.constant 0 : i32
    %dma_start3A_223 = tpu.memref_slice %arg8[%add3A_213, %dma_start3A_221, %dma_start3A_222] : memref<4096x200x32xf32, #tpu.memory_space<hbm>> -> memref<1x200x32xf32, #tpu.memory_space<hbm>>
    %dma_start3A_224 = tpu.memref_squeeze %dma_start3A_223 : memref<1x200x32xf32, #tpu.memory_space<hbm>> -> memref<200x32xf32, #tpu.memory_space<hbm>>
    %dma_start3A_225 = arith.constant 0 : i32
    %dma_start3A_226 = arith.constant 0 : i32
    %dma_start3A_227 = tpu.memref_slice %arg17[%dma_start3A_225, %dma_start3A_226] : memref<400x32xf32, #tpu.memory_space<vmem>> -> memref<200x32xf32, #tpu.memory_space<vmem>>
    tpu.enqueue_dma source(%dma_start3A_227 : memref<200x32xf32, #tpu.memory_space<vmem>>) target(%dma_start3A_224 : memref<200x32xf32, #tpu.memory_space<hbm>>) target_semaphore(%arg32 : memref<!tpu.dma_semaphore, #tpu.memory_space<semaphore_mem>>)
    %add3A_228 = arith.constant 126 : i32
    %add3A_229 = arith.addi %mul3A_6, %add3A_228 : i32
    %add3A_230 = arith.constant 1 : i32
    %add3A_231 = arith.addi %add3A_229, %add3A_230 : i32
    %dma_start3A_232 = arith.constant 200 : i32
    %dma_start3A_233 = arith.constant 0 : i32
    %dma_start3A_234 = tpu.memref_slice %arg17[%dma_start3A_232, %dma_start3A_233] : memref<400x32xf32, #tpu.memory_space<vmem>> -> memref<200x32xf32, #tpu.memory_space<vmem>>
    %dma_start3A_235 = arith.constant 0 : i32
    %dma_start3A_236 = arith.constant 0 : i32
    %dma_start3A_237 = tpu.memref_slice %arg8[%add3A_231, %dma_start3A_235, %dma_start3A_236] : memref<4096x200x32xf32, #tpu.memory_space<hbm>> -> memref<1x200x32xf32, #tpu.memory_space<hbm>>
    %dma_start3A_238 = tpu.memref_squeeze %dma_start3A_237 : memref<1x200x32xf32, #tpu.memory_space<hbm>> -> memref<200x32xf32, #tpu.memory_space<hbm>>
    %dma_start3A_239 = arith.constant 0 : i32
    %dma_start3A_240 = arith.constant 0 : i32
    %dma_start3A_241 = tpu.memref_slice %arg8[%add3A_231, %dma_start3A_239, %dma_start3A_240] : memref<4096x200x32xf32, #tpu.memory_space<hbm>> -> memref<1x200x32xf32, #tpu.memory_space<hbm>>
    %dma_start3A_242 = tpu.memref_squeeze %dma_start3A_241 : memref<1x200x32xf32, #tpu.memory_space<hbm>> -> memref<200x32xf32, #tpu.memory_space<hbm>>
    %dma_start3A_243 = arith.constant 200 : i32
    %dma_start3A_244 = arith.constant 0 : i32
    %dma_start3A_245 = tpu.memref_slice %arg17[%dma_start3A_243, %dma_start3A_244] : memref<400x32xf32, #tpu.memory_space<vmem>> -> memref<200x32xf32, #tpu.memory_space<vmem>>
    tpu.enqueue_dma source(%dma_start3A_245 : memref<200x32xf32, #tpu.memory_space<vmem>>) target(%dma_start3A_242 : memref<200x32xf32, #tpu.memory_space<hbm>>) target_semaphore(%arg32 : memref<!tpu.dma_semaphore, #tpu.memory_space<semaphore_mem>>)
    %add3A_246 = arith.constant 124 : i32
    %add3A_247 = arith.addi %mul3A_6, %add3A_246 : i32
    %add3A_248 = arith.constant 0 : i32
    %add3A_249 = arith.addi %add3A_247, %add3A_248 : i32
    %dma_wait3A_250 = arith.constant 0 : i32
    %dma_wait3A_251 = arith.constant 0 : i32
    %dma_wait3A_252 = tpu.memref_slice %arg16[%dma_wait3A_250, %dma_wait3A_251] : memref<400x32xf32, #tpu.memory_space<vmem>> -> memref<200x32xf32, #tpu.memory_space<vmem>>
    %dma_wait3A_253 = arith.constant 0 : i32
    %dma_wait3A_254 = arith.constant 0 : i32
    %dma_wait3A_255 = tpu.memref_slice %arg8[%add3A_249, %dma_wait3A_253, %dma_wait3A_254] : memref<4096x200x32xf32, #tpu.memory_space<hbm>> -> memref<1x200x32xf32, #tpu.memory_space<hbm>>
    %dma_wait3A_256 = tpu.memref_squeeze %dma_wait3A_255 : memref<1x200x32xf32, #tpu.memory_space<hbm>> -> memref<200x32xf32, #tpu.memory_space<hbm>>
    %dma_wait3A_257 = arith.constant 0 : i32
    %dma_wait3A_258 = arith.constant 0 : i32
    %dma_wait3A_259 = tpu.memref_slice %arg8[%add3A_249, %dma_wait3A_257, %dma_wait3A_258] : memref<4096x200x32xf32, #tpu.memory_space<hbm>> -> memref<1x200x32xf32, #tpu.memory_space<hbm>>
    %dma_wait3A_260 = tpu.memref_squeeze %dma_wait3A_259 : memref<1x200x32xf32, #tpu.memory_space<hbm>> -> memref<200x32xf32, #tpu.memory_space<hbm>>
    %dma_wait3A_261 = arith.constant 0 : i32
    %dma_wait3A_262 = arith.constant 0 : i32
    %dma_wait3A_263 = tpu.memref_slice %arg16[%dma_wait3A_261, %dma_wait3A_262] : memref<400x32xf32, #tpu.memory_space<vmem>> -> memref<200x32xf32, #tpu.memory_space<vmem>>
    tpu.wait_dma2 semaphore(%arg32 : memref<!tpu.dma_semaphore, #tpu.memory_space<semaphore_mem>>) src(%dma_wait3A_263 : memref<200x32xf32, #tpu.memory_space<vmem>>) dst(%dma_wait3A_260 : memref<200x32xf32, #tpu.memory_space<hbm>>)
    %add3A_264 = arith.constant 124 : i32
    %add3A_265 = arith.addi %mul3A_6, %add3A_264 : i32
    %add3A_266 = arith.constant 1 : i32
    %add3A_267 = arith.addi %add3A_265, %add3A_266 : i32
    %dma_wait3A_268 = arith.constant 200 : i32
    %dma_wait3A_269 = arith.constant 0 : i32
    %dma_wait3A_270 = tpu.memref_slice %arg16[%dma_wait3A_268, %dma_wait3A_269] : memref<400x32xf32, #tpu.memory_space<vmem>> -> memref<200x32xf32, #tpu.memory_space<vmem>>
    %dma_wait3A_271 = arith.constant 0 : i32
    %dma_wait3A_272 = arith.constant 0 : i32
    %dma_wait3A_273 = tpu.memref_slice %arg8[%add3A_267, %dma_wait3A_271, %dma_wait3A_272] : memref<4096x200x32xf32, #tpu.memory_space<hbm>> -> memref<1x200x32xf32, #tpu.memory_space<hbm>>
    %dma_wait3A_274 = tpu.memref_squeeze %dma_wait3A_273 : memref<1x200x32xf32, #tpu.memory_space<hbm>> -> memref<200x32xf32, #tpu.memory_space<hbm>>
    %dma_wait3A_275 = arith.constant 0 : i32
    %dma_wait3A_276 = arith.constant 0 : i32
    %dma_wait3A_277 = tpu.memref_slice %arg8[%add3A_267, %dma_wait3A_275, %dma_wait3A_276] : memref<4096x200x32xf32, #tpu.memory_space<hbm>> -> memref<1x200x32xf32, #tpu.memory_space<hbm>>
    %dma_wait3A_278 = tpu.memref_squeeze %dma_wait3A_277 : memref<1x200x32xf32, #tpu.memory_space<hbm>> -> memref<200x32xf32, #tpu.memory_space<hbm>>
    %dma_wait3A_279 = arith.constant 200 : i32
    %dma_wait3A_280 = arith.constant 0 : i32
    %dma_wait3A_281 = tpu.memref_slice %arg16[%dma_wait3A_279, %dma_wait3A_280] : memref<400x32xf32, #tpu.memory_space<vmem>> -> memref<200x32xf32, #tpu.memory_space<vmem>>
    tpu.wait_dma2 semaphore(%arg32 : memref<!tpu.dma_semaphore, #tpu.memory_space<semaphore_mem>>) src(%dma_wait3A_281 : memref<200x32xf32, #tpu.memory_space<vmem>>) dst(%dma_wait3A_278 : memref<200x32xf32, #tpu.memory_space<hbm>>)
    %add3A_282 = arith.constant 126 : i32
    %add3A_283 = arith.addi %mul3A_6, %add3A_282 : i32
    %add3A_284 = arith.constant 0 : i32
    %add3A_285 = arith.addi %add3A_283, %add3A_284 : i32
    %dma_wait3A_286 = arith.constant 0 : i32
    %dma_wait3A_287 = arith.constant 0 : i32
    %dma_wait3A_288 = tpu.memref_slice %arg17[%dma_wait3A_286, %dma_wait3A_287] : memref<400x32xf32, #tpu.memory_space<vmem>> -> memref<200x32xf32, #tpu.memory_space<vmem>>
    %dma_wait3A_289 = arith.constant 0 : i32
    %dma_wait3A_290 = arith.constant 0 : i32
    %dma_wait3A_291 = tpu.memref_slice %arg8[%add3A_285, %dma_wait3A_289, %dma_wait3A_290] : memref<4096x200x32xf32, #tpu.memory_space<hbm>> -> memref<1x200x32xf32, #tpu.memory_space<hbm>>
    %dma_wait3A_292 = tpu.memref_squeeze %dma_wait3A_291 : memref<1x200x32xf32, #tpu.memory_space<hbm>> -> memref<200x32xf32, #tpu.memory_space<hbm>>
    %dma_wait3A_293 = arith.constant 0 : i32
    %dma_wait3A_294 = arith.constant 0 : i32
    %dma_wait3A_295 = tpu.memref_slice %arg8[%add3A_285, %dma_wait3A_293, %dma_wait3A_294] : memref<4096x200x32xf32, #tpu.memory_space<hbm>> -> memref<1x200x32xf32, #tpu.memory_space<hbm>>
    %dma_wait3A_296 = tpu.memref_squeeze %dma_wait3A_295 : memref<1x200x32xf32, #tpu.memory_space<hbm>> -> memref<200x32xf32, #tpu.memory_space<hbm>>
    %dma_wait3A_297 = arith.constant 0 : i32
    %dma_wait3A_298 = arith.constant 0 : i32
    %dma_wait3A_299 = tpu.memref_slice %arg17[%dma_wait3A_297, %dma_wait3A_298] : memref<400x32xf32, #tpu.memory_space<vmem>> -> memref<200x32xf32, #tpu.memory_space<vmem>>
    tpu.wait_dma2 semaphore(%arg32 : memref<!tpu.dma_semaphore, #tpu.memory_space<semaphore_mem>>) src(%dma_wait3A_299 : memref<200x32xf32, #tpu.memory_space<vmem>>) dst(%dma_wait3A_296 : memref<200x32xf32, #tpu.memory_space<hbm>>)
    %add3A_300 = arith.constant 126 : i32
    %add3A_301 = arith.addi %mul3A_6, %add3A_300 : i32
    %add3A_302 = arith.constant 1 : i32
    %add3A_303 = arith.addi %add3A_301, %add3A_302 : i32
    %dma_wait3A_304 = arith.constant 200 : i32
    %dma_wait3A_305 = arith.constant 0 : i32
    %dma_wait3A_306 = tpu.memref_slice %arg17[%dma_wait3A_304, %dma_wait3A_305] : memref<400x32xf32, #tpu.memory_space<vmem>> -> memref<200x32xf32, #tpu.memory_space<vmem>>
    %dma_wait3A_307 = arith.constant 0 : i32
    %dma_wait3A_308 = arith.constant 0 : i32
    %dma_wait3A_309 = tpu.memref_slice %arg8[%add3A_303, %dma_wait3A_307, %dma_wait3A_308] : memref<4096x200x32xf32, #tpu.memory_space<hbm>> -> memref<1x200x32xf32, #tpu.memory_space<hbm>>
    %dma_wait3A_310 = tpu.memref_squeeze %dma_wait3A_309 : memref<1x200x32xf32, #tpu.memory_space<hbm>> -> memref<200x32xf32, #tpu.memory_space<hbm>>
    %dma_wait3A_311 = arith.constant 0 : i32
    %dma_wait3A_312 = arith.constant 0 : i32
    %dma_wait3A_313 = tpu.memref_slice %arg8[%add3A_303, %dma_wait3A_311, %dma_wait3A_312] : memref<4096x200x32xf32, #tpu.memory_space<hbm>> -> memref<1x200x32xf32, #tpu.memory_space<hbm>>
    %dma_wait3A_314 = tpu.memref_squeeze %dma_wait3A_313 : memref<1x200x32xf32, #tpu.memory_space<hbm>> -> memref<200x32xf32, #tpu.memory_space<hbm>>
    %dma_wait3A_315 = arith.constant 200 : i32
    %dma_wait3A_316 = arith.constant 0 : i32
    %dma_wait3A_317 = tpu.memref_slice %arg17[%dma_wait3A_315, %dma_wait3A_316] : memref<400x32xf32, #tpu.memory_space<vmem>> -> memref<200x32xf32, #tpu.memory_space<vmem>>
    tpu.wait_dma2 semaphore(%arg32 : memref<!tpu.dma_semaphore, #tpu.memory_space<semaphore_mem>>) src(%dma_wait3A_317 : memref<200x32xf32, #tpu.memory_space<vmem>>) dst(%dma_wait3A_314 : memref<200x32xf32, #tpu.memory_space<hbm>>)
    %dma_wait3A_318 = arith.constant 0 : i32
    %dma_wait3A_319 = arith.constant 0 : i32
    %dma_wait3A_320 = tpu.memref_slice %arg12[%dma_wait3A_318, %dma_wait3A_319] : memref<42x32xf32, #tpu.memory_space<vmem_shared>> -> memref<42x32xf32, #tpu.memory_space<vmem_shared>>
    tpu.wait_indirect_dma semaphore(%arg30 : memref<!tpu.dma_semaphore, #tpu.memory_space<semaphore_mem>>) src(%dma_wait3A_320 : memref<42x32xf32, #tpu.memory_space<vmem_shared>>) dst(%arg21 : memref<400x32xf32, #tpu.memory_space<vmem>>)
    %add3A_321 = arith.constant 126 : i32
    %add3A_322 = arith.addi %mul3A_6, %add3A_321 : i32
    %add3A_323 = arith.constant 0 : i32
    %add3A_324 = arith.addi %add3A_322, %add3A_323 : i32
    %dma_start3A_325 = arith.constant 0 : i32
    %dma_start3A_326 = arith.constant 0 : i32
    %dma_start3A_327 = tpu.memref_slice %arg21[%dma_start3A_325, %dma_start3A_326] : memref<400x32xf32, #tpu.memory_space<vmem>> -> memref<200x32xf32, #tpu.memory_space<vmem>>
    %dma_start3A_328 = arith.constant 0 : i32
    %dma_start3A_329 = arith.constant 0 : i32
    %dma_start3A_330 = tpu.memref_slice %arg9[%add3A_324, %dma_start3A_328, %dma_start3A_329] : memref<4096x200x32xf32, #tpu.memory_space<hbm>> -> memref<1x200x32xf32, #tpu.memory_space<hbm>>
    %dma_start3A_331 = tpu.memref_squeeze %dma_start3A_330 : memref<1x200x32xf32, #tpu.memory_space<hbm>> -> memref<200x32xf32, #tpu.memory_space<hbm>>
    %dma_start3A_332 = arith.constant 0 : i32
    %dma_start3A_333 = arith.constant 0 : i32
    %dma_start3A_334 = tpu.memref_slice %arg9[%add3A_324, %dma_start3A_332, %dma_start3A_333] : memref<4096x200x32xf32, #tpu.memory_space<hbm>> -> memref<1x200x32xf32, #tpu.memory_space<hbm>>
    %dma_start3A_335 = tpu.memref_squeeze %dma_start3A_334 : memref<1x200x32xf32, #tpu.memory_space<hbm>> -> memref<200x32xf32, #tpu.memory_space<hbm>>
    %dma_start3A_336 = arith.constant 0 : i32
    %dma_start3A_337 = arith.constant 0 : i32
    %dma_start3A_338 = tpu.memref_slice %arg21[%dma_start3A_336, %dma_start3A_337] : memref<400x32xf32, #tpu.memory_space<vmem>> -> memref<200x32xf32, #tpu.memory_space<vmem>>
    tpu.enqueue_dma source(%dma_start3A_338 : memref<200x32xf32, #tpu.memory_space<vmem>>) target(%dma_start3A_335 : memref<200x32xf32, #tpu.memory_space<hbm>>) target_semaphore(%arg33 : memref<!tpu.dma_semaphore, #tpu.memory_space<semaphore_mem>>)
    %add3A_339 = arith.constant 126 : i32
    %add3A_340 = arith.addi %mul3A_6, %add3A_339 : i32
    %add3A_341 = arith.constant 1 : i32
    %add3A_342 = arith.addi %add3A_340, %add3A_341 : i32
    %dma_start3A_343 = arith.constant 200 : i32
    %dma_start3A_344 = arith.constant 0 : i32
    %dma_start3A_345 = tpu.memref_slice %arg21[%dma_start3A_343, %dma_start3A_344] : memref<400x32xf32, #tpu.memory_space<vmem>> -> memref<200x32xf32, #tpu.memory_space<vmem>>
    %dma_start3A_346 = arith.constant 0 : i32
    %dma_start3A_347 = arith.constant 0 : i32
    %dma_start3A_348 = tpu.memref_slice %arg9[%add3A_342, %dma_start3A_346, %dma_start3A_347] : memref<4096x200x32xf32, #tpu.memory_space<hbm>> -> memref<1x200x32xf32, #tpu.memory_space<hbm>>
    %dma_start3A_349 = tpu.memref_squeeze %dma_start3A_348 : memref<1x200x32xf32, #tpu.memory_space<hbm>> -> memref<200x32xf32, #tpu.memory_space<hbm>>
    %dma_start3A_350 = arith.constant 0 : i32
    %dma_start3A_351 = arith.constant 0 : i32
    %dma_start3A_352 = tpu.memref_slice %arg9[%add3A_342, %dma_start3A_350, %dma_start3A_351] : memref<4096x200x32xf32, #tpu.memory_space<hbm>> -> memref<1x200x32xf32, #tpu.memory_space<hbm>>
    %dma_start3A_353 = tpu.memref_squeeze %dma_start3A_352 : memref<1x200x32xf32, #tpu.memory_space<hbm>> -> memref<200x32xf32, #tpu.memory_space<hbm>>
    %dma_start3A_354 = arith.constant 200 : i32
    %dma_start3A_355 = arith.constant 0 : i32
    %dma_start3A_356 = tpu.memref_slice %arg21[%dma_start3A_354, %dma_start3A_355] : memref<400x32xf32, #tpu.memory_space<vmem>> -> memref<200x32xf32, #tpu.memory_space<vmem>>
    tpu.enqueue_dma source(%dma_start3A_356 : memref<200x32xf32, #tpu.memory_space<vmem>>) target(%dma_start3A_353 : memref<200x32xf32, #tpu.memory_space<hbm>>) target_semaphore(%arg33 : memref<!tpu.dma_semaphore, #tpu.memory_space<semaphore_mem>>)
    %add3A_357 = arith.constant 124 : i32
    %add3A_358 = arith.addi %mul3A_6, %add3A_357 : i32
    %add3A_359 = arith.constant 0 : i32
    %add3A_360 = arith.addi %add3A_358, %add3A_359 : i32
    %dma_wait3A_361 = arith.constant 0 : i32
    %dma_wait3A_362 = arith.constant 0 : i32
    %dma_wait3A_363 = tpu.memref_slice %arg20[%dma_wait3A_361, %dma_wait3A_362] : memref<400x32xf32, #tpu.memory_space<vmem>> -> memref<200x32xf32, #tpu.memory_space<vmem>>
    %dma_wait3A_364 = arith.constant 0 : i32
    %dma_wait3A_365 = arith.constant 0 : i32
    %dma_wait3A_366 = tpu.memref_slice %arg9[%add3A_360, %dma_wait3A_364, %dma_wait3A_365] : memref<4096x200x32xf32, #tpu.memory_space<hbm>> -> memref<1x200x32xf32, #tpu.memory_space<hbm>>
    %dma_wait3A_367 = tpu.memref_squeeze %dma_wait3A_366 : memref<1x200x32xf32, #tpu.memory_space<hbm>> -> memref<200x32xf32, #tpu.memory_space<hbm>>
    %dma_wait3A_368 = arith.constant 0 : i32
    %dma_wait3A_369 = arith.constant 0 : i32
    %dma_wait3A_370 = tpu.memref_slice %arg9[%add3A_360, %dma_wait3A_368, %dma_wait3A_369] : memref<4096x200x32xf32, #tpu.memory_space<hbm>> -> memref<1x200x32xf32, #tpu.memory_space<hbm>>
    %dma_wait3A_371 = tpu.memref_squeeze %dma_wait3A_370 : memref<1x200x32xf32, #tpu.memory_space<hbm>> -> memref<200x32xf32, #tpu.memory_space<hbm>>
    %dma_wait3A_372 = arith.constant 0 : i32
    %dma_wait3A_373 = arith.constant 0 : i32
    %dma_wait3A_374 = tpu.memref_slice %arg20[%dma_wait3A_372, %dma_wait3A_373] : memref<400x32xf32, #tpu.memory_space<vmem>> -> memref<200x32xf32, #tpu.memory_space<vmem>>
    tpu.wait_dma2 semaphore(%arg33 : memref<!tpu.dma_semaphore, #tpu.memory_space<semaphore_mem>>) src(%dma_wait3A_374 : memref<200x32xf32, #tpu.memory_space<vmem>>) dst(%dma_wait3A_371 : memref<200x32xf32, #tpu.memory_space<hbm>>)
    %add3A_375 = arith.constant 124 : i32
    %add3A_376 = arith.addi %mul3A_6, %add3A_375 : i32
    %add3A_377 = arith.constant 1 : i32
    %add3A_378 = arith.addi %add3A_376, %add3A_377 : i32
    %dma_wait3A_379 = arith.constant 200 : i32
    %dma_wait3A_380 = arith.constant 0 : i32
    %dma_wait3A_381 = tpu.memref_slice %arg20[%dma_wait3A_379, %dma_wait3A_380] : memref<400x32xf32, #tpu.memory_space<vmem>> -> memref<200x32xf32, #tpu.memory_space<vmem>>
    %dma_wait3A_382 = arith.constant 0 : i32
    %dma_wait3A_383 = arith.constant 0 : i32
    %dma_wait3A_384 = tpu.memref_slice %arg9[%add3A_378, %dma_wait3A_382, %dma_wait3A_383] : memref<4096x200x32xf32, #tpu.memory_space<hbm>> -> memref<1x200x32xf32, #tpu.memory_space<hbm>>
    %dma_wait3A_385 = tpu.memref_squeeze %dma_wait3A_384 : memref<1x200x32xf32, #tpu.memory_space<hbm>> -> memref<200x32xf32, #tpu.memory_space<hbm>>
    %dma_wait3A_386 = arith.constant 0 : i32
    %dma_wait3A_387 = arith.constant 0 : i32
    %dma_wait3A_388 = tpu.memref_slice %arg9[%add3A_378, %dma_wait3A_386, %dma_wait3A_387] : memref<4096x200x32xf32, #tpu.memory_space<hbm>> -> memref<1x200x32xf32, #tpu.memory_space<hbm>>
    %dma_wait3A_389 = tpu.memref_squeeze %dma_wait3A_388 : memref<1x200x32xf32, #tpu.memory_space<hbm>> -> memref<200x32xf32, #tpu.memory_space<hbm>>
    %dma_wait3A_390 = arith.constant 200 : i32
    %dma_wait3A_391 = arith.constant 0 : i32
    %dma_wait3A_392 = tpu.memref_slice %arg20[%dma_wait3A_390, %dma_wait3A_391] : memref<400x32xf32, #tpu.memory_space<vmem>> -> memref<200x32xf32, #tpu.memory_space<vmem>>
    tpu.wait_dma2 semaphore(%arg33 : memref<!tpu.dma_semaphore, #tpu.memory_space<semaphore_mem>>) src(%dma_wait3A_392 : memref<200x32xf32, #tpu.memory_space<vmem>>) dst(%dma_wait3A_389 : memref<200x32xf32, #tpu.memory_space<hbm>>)
    %add3A_393 = arith.constant 126 : i32
    %add3A_394 = arith.addi %mul3A_6, %add3A_393 : i32
    %add3A_395 = arith.constant 0 : i32
    %add3A_396 = arith.addi %add3A_394, %add3A_395 : i32
    %dma_wait3A_397 = arith.constant 0 : i32
    %dma_wait3A_398 = arith.constant 0 : i32
    %dma_wait3A_399 = tpu.memref_slice %arg21[%dma_wait3A_397, %dma_wait3A_398] : memref<400x32xf32, #tpu.memory_space<vmem>> -> memref<200x32xf32, #tpu.memory_space<vmem>>
    %dma_wait3A_400 = arith.constant 0 : i32
    %dma_wait3A_401 = arith.constant 0 : i32
    %dma_wait3A_402 = tpu.memref_slice %arg9[%add3A_396, %dma_wait3A_400, %dma_wait3A_401] : memref<4096x200x32xf32, #tpu.memory_space<hbm>> -> memref<1x200x32xf32, #tpu.memory_space<hbm>>
    %dma_wait3A_403 = tpu.memref_squeeze %dma_wait3A_402 : memref<1x200x32xf32, #tpu.memory_space<hbm>> -> memref<200x32xf32, #tpu.memory_space<hbm>>
    %dma_wait3A_404 = arith.constant 0 : i32
    %dma_wait3A_405 = arith.constant 0 : i32
    %dma_wait3A_406 = tpu.memref_slice %arg9[%add3A_396, %dma_wait3A_404, %dma_wait3A_405] : memref<4096x200x32xf32, #tpu.memory_space<hbm>> -> memref<1x200x32xf32, #tpu.memory_space<hbm>>
    %dma_wait3A_407 = tpu.memref_squeeze %dma_wait3A_406 : memref<1x200x32xf32, #tpu.memory_space<hbm>> -> memref<200x32xf32, #tpu.memory_space<hbm>>
    %dma_wait3A_408 = arith.constant 0 : i32
    %dma_wait3A_409 = arith.constant 0 : i32
    %dma_wait3A_410 = tpu.memref_slice %arg21[%dma_wait3A_408, %dma_wait3A_409] : memref<400x32xf32, #tpu.memory_space<vmem>> -> memref<200x32xf32, #tpu.memory_space<vmem>>
    tpu.wait_dma2 semaphore(%arg33 : memref<!tpu.dma_semaphore, #tpu.memory_space<semaphore_mem>>) src(%dma_wait3A_410 : memref<200x32xf32, #tpu.memory_space<vmem>>) dst(%dma_wait3A_407 : memref<200x32xf32, #tpu.memory_space<hbm>>)
    %add3A_411 = arith.constant 126 : i32
    %add3A_412 = arith.addi %mul3A_6, %add3A_411 : i32
    %add3A_413 = arith.constant 1 : i32
    %add3A_414 = arith.addi %add3A_412, %add3A_413 : i32
    %dma_wait3A_415 = arith.constant 200 : i32
    %dma_wait3A_416 = arith.constant 0 : i32
    %dma_wait3A_417 = tpu.memref_slice %arg21[%dma_wait3A_415, %dma_wait3A_416] : memref<400x32xf32, #tpu.memory_space<vmem>> -> memref<200x32xf32, #tpu.memory_space<vmem>>
    %dma_wait3A_418 = arith.constant 0 : i32
    %dma_wait3A_419 = arith.constant 0 : i32
    %dma_wait3A_420 = tpu.memref_slice %arg9[%add3A_414, %dma_wait3A_418, %dma_wait3A_419] : memref<4096x200x32xf32, #tpu.memory_space<hbm>> -> memref<1x200x32xf32, #tpu.memory_space<hbm>>
    %dma_wait3A_421 = tpu.memref_squeeze %dma_wait3A_420 : memref<1x200x32xf32, #tpu.memory_space<hbm>> -> memref<200x32xf32, #tpu.memory_space<hbm>>
    %dma_wait3A_422 = arith.constant 0 : i32
    %dma_wait3A_423 = arith.constant 0 : i32
    %dma_wait3A_424 = tpu.memref_slice %arg9[%add3A_414, %dma_wait3A_422, %dma_wait3A_423] : memref<4096x200x32xf32, #tpu.memory_space<hbm>> -> memref<1x200x32xf32, #tpu.memory_space<hbm>>
    %dma_wait3A_425 = tpu.memref_squeeze %dma_wait3A_424 : memref<1x200x32xf32, #tpu.memory_space<hbm>> -> memref<200x32xf32, #tpu.memory_space<hbm>>
    %dma_wait3A_426 = arith.constant 200 : i32
    %dma_wait3A_427 = arith.constant 0 : i32
    %dma_wait3A_428 = tpu.memref_slice %arg21[%dma_wait3A_426, %dma_wait3A_427] : memref<400x32xf32, #tpu.memory_space<vmem>> -> memref<200x32xf32, #tpu.memory_space<vmem>>
    tpu.wait_dma2 semaphore(%arg33 : memref<!tpu.dma_semaphore, #tpu.memory_space<semaphore_mem>>) src(%dma_wait3A_428 : memref<200x32xf32, #tpu.memory_space<vmem>>) dst(%dma_wait3A_425 : memref<200x32xf32, #tpu.memory_space<hbm>>)
    %dma_wait3A_429 = arith.constant 0 : i32
    %dma_wait3A_430 = arith.constant 0 : i32
    %dma_wait3A_431 = tpu.memref_slice %arg13[%dma_wait3A_429, %dma_wait3A_430] : memref<42x64xf32, #tpu.memory_space<vmem_shared>> -> memref<42x64xf32, #tpu.memory_space<vmem_shared>>
    tpu.wait_indirect_dma semaphore(%arg31 : memref<!tpu.dma_semaphore, #tpu.memory_space<semaphore_mem>>) src(%dma_wait3A_431 : memref<42x64xf32, #tpu.memory_space<vmem_shared>>) dst(%arg25 : memref<400x64xf32, #tpu.memory_space<vmem>>)
    %add3A_432 = arith.constant 126 : i32
    %add3A_433 = arith.addi %mul3A_6, %add3A_432 : i32
    %add3A_434 = arith.constant 0 : i32
    %add3A_435 = arith.addi %add3A_433, %add3A_434 : i32
    %dma_start3A_436 = arith.constant 0 : i32
    %dma_start3A_437 = arith.constant 0 : i32
    %dma_start3A_438 = tpu.memref_slice %arg25[%dma_start3A_436, %dma_start3A_437] : memref<400x64xf32, #tpu.memory_space<vmem>> -> memref<200x64xf32, #tpu.memory_space<vmem>>
    %dma_start3A_439 = arith.constant 0 : i32
    %dma_start3A_440 = arith.constant 0 : i32
    %dma_start3A_441 = tpu.memref_slice %arg10[%add3A_435, %dma_start3A_439, %dma_start3A_440] : memref<4096x200x64xf32, #tpu.memory_space<hbm>> -> memref<1x200x64xf32, #tpu.memory_space<hbm>>
    %dma_start3A_442 = tpu.memref_squeeze %dma_start3A_441 : memref<1x200x64xf32, #tpu.memory_space<hbm>> -> memref<200x64xf32, #tpu.memory_space<hbm>>
    %dma_start3A_443 = arith.constant 0 : i32
    %dma_start3A_444 = arith.constant 0 : i32
    %dma_start3A_445 = tpu.memref_slice %arg10[%add3A_435, %dma_start3A_443, %dma_start3A_444] : memref<4096x200x64xf32, #tpu.memory_space<hbm>> -> memref<1x200x64xf32, #tpu.memory_space<hbm>>
    %dma_start3A_446 = tpu.memref_squeeze %dma_start3A_445 : memref<1x200x64xf32, #tpu.memory_space<hbm>> -> memref<200x64xf32, #tpu.memory_space<hbm>>
    %dma_start3A_447 = arith.constant 0 : i32
    %dma_start3A_448 = arith.constant 0 : i32
    %dma_start3A_449 = tpu.memref_slice %arg25[%dma_start3A_447, %dma_start3A_448] : memref<400x64xf32, #tpu.memory_space<vmem>> -> memref<200x64xf32, #tpu.memory_space<vmem>>
    tpu.enqueue_dma source(%dma_start3A_449 : memref<200x64xf32, #tpu.memory_space<vmem>>) target(%dma_start3A_446 : memref<200x64xf32, #tpu.memory_space<hbm>>) target_semaphore(%arg34 : memref<!tpu.dma_semaphore, #tpu.memory_space<semaphore_mem>>)
    %add3A_450 = arith.constant 126 : i32
    %add3A_451 = arith.addi %mul3A_6, %add3A_450 : i32
    %add3A_452 = arith.constant 1 : i32
    %add3A_453 = arith.addi %add3A_451, %add3A_452 : i32
    %dma_start3A_454 = arith.constant 200 : i32
    %dma_start3A_455 = arith.constant 0 : i32
    %dma_start3A_456 = tpu.memref_slice %arg25[%dma_start3A_454, %dma_start3A_455] : memref<400x64xf32, #tpu.memory_space<vmem>> -> memref<200x64xf32, #tpu.memory_space<vmem>>
    %dma_start3A_457 = arith.constant 0 : i32
    %dma_start3A_458 = arith.constant 0 : i32
    %dma_start3A_459 = tpu.memref_slice %arg10[%add3A_453, %dma_start3A_457, %dma_start3A_458] : memref<4096x200x64xf32, #tpu.memory_space<hbm>> -> memref<1x200x64xf32, #tpu.memory_space<hbm>>
    %dma_start3A_460 = tpu.memref_squeeze %dma_start3A_459 : memref<1x200x64xf32, #tpu.memory_space<hbm>> -> memref<200x64xf32, #tpu.memory_space<hbm>>
    %dma_start3A_461 = arith.constant 0 : i32
    %dma_start3A_462 = arith.constant 0 : i32
    %dma_start3A_463 = tpu.memref_slice %arg10[%add3A_453, %dma_start3A_461, %dma_start3A_462] : memref<4096x200x64xf32, #tpu.memory_space<hbm>> -> memref<1x200x64xf32, #tpu.memory_space<hbm>>
    %dma_start3A_464 = tpu.memref_squeeze %dma_start3A_463 : memref<1x200x64xf32, #tpu.memory_space<hbm>> -> memref<200x64xf32, #tpu.memory_space<hbm>>
    %dma_start3A_465 = arith.constant 200 : i32
    %dma_start3A_466 = arith.constant 0 : i32
    %dma_start3A_467 = tpu.memref_slice %arg25[%dma_start3A_465, %dma_start3A_466] : memref<400x64xf32, #tpu.memory_space<vmem>> -> memref<200x64xf32, #tpu.memory_space<vmem>>
    tpu.enqueue_dma source(%dma_start3A_467 : memref<200x64xf32, #tpu.memory_space<vmem>>) target(%dma_start3A_464 : memref<200x64xf32, #tpu.memory_space<hbm>>) target_semaphore(%arg34 : memref<!tpu.dma_semaphore, #tpu.memory_space<semaphore_mem>>)
    %add3A_468 = arith.constant 124 : i32
    %add3A_469 = arith.addi %mul3A_6, %add3A_468 : i32
    %add3A_470 = arith.constant 0 : i32
    %add3A_471 = arith.addi %add3A_469, %add3A_470 : i32
    %dma_wait3A_472 = arith.constant 0 : i32
    %dma_wait3A_473 = arith.constant 0 : i32
    %dma_wait3A_474 = tpu.memref_slice %arg24[%dma_wait3A_472, %dma_wait3A_473] : memref<400x64xf32, #tpu.memory_space<vmem>> -> memref<200x64xf32, #tpu.memory_space<vmem>>
    %dma_wait3A_475 = arith.constant 0 : i32
    %dma_wait3A_476 = arith.constant 0 : i32
    %dma_wait3A_477 = tpu.memref_slice %arg10[%add3A_471, %dma_wait3A_475, %dma_wait3A_476] : memref<4096x200x64xf32, #tpu.memory_space<hbm>> -> memref<1x200x64xf32, #tpu.memory_space<hbm>>
    %dma_wait3A_478 = tpu.memref_squeeze %dma_wait3A_477 : memref<1x200x64xf32, #tpu.memory_space<hbm>> -> memref<200x64xf32, #tpu.memory_space<hbm>>
    %dma_wait3A_479 = arith.constant 0 : i32
    %dma_wait3A_480 = arith.constant 0 : i32
    %dma_wait3A_481 = tpu.memref_slice %arg10[%add3A_471, %dma_wait3A_479, %dma_wait3A_480] : memref<4096x200x64xf32, #tpu.memory_space<hbm>> -> memref<1x200x64xf32, #tpu.memory_space<hbm>>
    %dma_wait3A_482 = tpu.memref_squeeze %dma_wait3A_481 : memref<1x200x64xf32, #tpu.memory_space<hbm>> -> memref<200x64xf32, #tpu.memory_space<hbm>>
    %dma_wait3A_483 = arith.constant 0 : i32
    %dma_wait3A_484 = arith.constant 0 : i32
    %dma_wait3A_485 = tpu.memref_slice %arg24[%dma_wait3A_483, %dma_wait3A_484] : memref<400x64xf32, #tpu.memory_space<vmem>> -> memref<200x64xf32, #tpu.memory_space<vmem>>
    tpu.wait_dma2 semaphore(%arg34 : memref<!tpu.dma_semaphore, #tpu.memory_space<semaphore_mem>>) src(%dma_wait3A_485 : memref<200x64xf32, #tpu.memory_space<vmem>>) dst(%dma_wait3A_482 : memref<200x64xf32, #tpu.memory_space<hbm>>)
    %add3A_486 = arith.constant 124 : i32
    %add3A_487 = arith.addi %mul3A_6, %add3A_486 : i32
    %add3A_488 = arith.constant 1 : i32
    %add3A_489 = arith.addi %add3A_487, %add3A_488 : i32
    %dma_wait3A_490 = arith.constant 200 : i32
    %dma_wait3A_491 = arith.constant 0 : i32
    %dma_wait3A_492 = tpu.memref_slice %arg24[%dma_wait3A_490, %dma_wait3A_491] : memref<400x64xf32, #tpu.memory_space<vmem>> -> memref<200x64xf32, #tpu.memory_space<vmem>>
    %dma_wait3A_493 = arith.constant 0 : i32
    %dma_wait3A_494 = arith.constant 0 : i32
    %dma_wait3A_495 = tpu.memref_slice %arg10[%add3A_489, %dma_wait3A_493, %dma_wait3A_494] : memref<4096x200x64xf32, #tpu.memory_space<hbm>> -> memref<1x200x64xf32, #tpu.memory_space<hbm>>
    %dma_wait3A_496 = tpu.memref_squeeze %dma_wait3A_495 : memref<1x200x64xf32, #tpu.memory_space<hbm>> -> memref<200x64xf32, #tpu.memory_space<hbm>>
    %dma_wait3A_497 = arith.constant 0 : i32
    %dma_wait3A_498 = arith.constant 0 : i32
    %dma_wait3A_499 = tpu.memref_slice %arg10[%add3A_489, %dma_wait3A_497, %dma_wait3A_498] : memref<4096x200x64xf32, #tpu.memory_space<hbm>> -> memref<1x200x64xf32, #tpu.memory_space<hbm>>
    %dma_wait3A_500 = tpu.memref_squeeze %dma_wait3A_499 : memref<1x200x64xf32, #tpu.memory_space<hbm>> -> memref<200x64xf32, #tpu.memory_space<hbm>>
    %dma_wait3A_501 = arith.constant 200 : i32
    %dma_wait3A_502 = arith.constant 0 : i32
    %dma_wait3A_503 = tpu.memref_slice %arg24[%dma_wait3A_501, %dma_wait3A_502] : memref<400x64xf32, #tpu.memory_space<vmem>> -> memref<200x64xf32, #tpu.memory_space<vmem>>
    tpu.wait_dma2 semaphore(%arg34 : memref<!tpu.dma_semaphore, #tpu.memory_space<semaphore_mem>>) src(%dma_wait3A_503 : memref<200x64xf32, #tpu.memory_space<vmem>>) dst(%dma_wait3A_500 : memref<200x64xf32, #tpu.memory_space<hbm>>)
    %add3A_504 = arith.constant 126 : i32
    %add3A_505 = arith.addi %mul3A_6, %add3A_504 : i32
    %add3A_506 = arith.constant 0 : i32
    %add3A_507 = arith.addi %add3A_505, %add3A_506 : i32
    %dma_wait3A_508 = arith.constant 0 : i32
    %dma_wait3A_509 = arith.constant 0 : i32
    %dma_wait3A_510 = tpu.memref_slice %arg25[%dma_wait3A_508, %dma_wait3A_509] : memref<400x64xf32, #tpu.memory_space<vmem>> -> memref<200x64xf32, #tpu.memory_space<vmem>>
    %dma_wait3A_511 = arith.constant 0 : i32
    %dma_wait3A_512 = arith.constant 0 : i32
    %dma_wait3A_513 = tpu.memref_slice %arg10[%add3A_507, %dma_wait3A_511, %dma_wait3A_512] : memref<4096x200x64xf32, #tpu.memory_space<hbm>> -> memref<1x200x64xf32, #tpu.memory_space<hbm>>
    %dma_wait3A_514 = tpu.memref_squeeze %dma_wait3A_513 : memref<1x200x64xf32, #tpu.memory_space<hbm>> -> memref<200x64xf32, #tpu.memory_space<hbm>>
    %dma_wait3A_515 = arith.constant 0 : i32
    %dma_wait3A_516 = arith.constant 0 : i32
    %dma_wait3A_517 = tpu.memref_slice %arg10[%add3A_507, %dma_wait3A_515, %dma_wait3A_516] : memref<4096x200x64xf32, #tpu.memory_space<hbm>> -> memref<1x200x64xf32, #tpu.memory_space<hbm>>
    %dma_wait3A_518 = tpu.memref_squeeze %dma_wait3A_517 : memref<1x200x64xf32, #tpu.memory_space<hbm>> -> memref<200x64xf32, #tpu.memory_space<hbm>>
    %dma_wait3A_519 = arith.constant 0 : i32
    %dma_wait3A_520 = arith.constant 0 : i32
    %dma_wait3A_521 = tpu.memref_slice %arg25[%dma_wait3A_519, %dma_wait3A_520] : memref<400x64xf32, #tpu.memory_space<vmem>> -> memref<200x64xf32, #tpu.memory_space<vmem>>
    tpu.wait_dma2 semaphore(%arg34 : memref<!tpu.dma_semaphore, #tpu.memory_space<semaphore_mem>>) src(%dma_wait3A_521 : memref<200x64xf32, #tpu.memory_space<vmem>>) dst(%dma_wait3A_518 : memref<200x64xf32, #tpu.memory_space<hbm>>)
    %add3A_522 = arith.constant 126 : i32
    %add3A_523 = arith.addi %mul3A_6, %add3A_522 : i32
    %add3A_524 = arith.constant 1 : i32
    %add3A_525 = arith.addi %add3A_523, %add3A_524 : i32
    %dma_wait3A_526 = arith.constant 200 : i32
    %dma_wait3A_527 = arith.constant 0 : i32
    %dma_wait3A_528 = tpu.memref_slice %arg25[%dma_wait3A_526, %dma_wait3A_527] : memref<400x64xf32, #tpu.memory_space<vmem>> -> memref<200x64xf32, #tpu.memory_space<vmem>>
    %dma_wait3A_529 = arith.constant 0 : i32
    %dma_wait3A_530 = arith.constant 0 : i32
    %dma_wait3A_531 = tpu.memref_slice %arg10[%add3A_525, %dma_wait3A_529, %dma_wait3A_530] : memref<4096x200x64xf32, #tpu.memory_space<hbm>> -> memref<1x200x64xf32, #tpu.memory_space<hbm>>
    %dma_wait3A_532 = tpu.memref_squeeze %dma_wait3A_531 : memref<1x200x64xf32, #tpu.memory_space<hbm>> -> memref<200x64xf32, #tpu.memory_space<hbm>>
    %dma_wait3A_533 = arith.constant 0 : i32
    %dma_wait3A_534 = arith.constant 0 : i32
    %dma_wait3A_535 = tpu.memref_slice %arg10[%add3A_525, %dma_wait3A_533, %dma_wait3A_534] : memref<4096x200x64xf32, #tpu.memory_space<hbm>> -> memref<1x200x64xf32, #tpu.memory_space<hbm>>
    %dma_wait3A_536 = tpu.memref_squeeze %dma_wait3A_535 : memref<1x200x64xf32, #tpu.memory_space<hbm>> -> memref<200x64xf32, #tpu.memory_space<hbm>>
    %dma_wait3A_537 = arith.constant 200 : i32
    %dma_wait3A_538 = arith.constant 0 : i32
    %dma_wait3A_539 = tpu.memref_slice %arg25[%dma_wait3A_537, %dma_wait3A_538] : memref<400x64xf32, #tpu.memory_space<vmem>> -> memref<200x64xf32, #tpu.memory_space<vmem>>
    tpu.wait_dma2 semaphore(%arg34 : memref<!tpu.dma_semaphore, #tpu.memory_space<semaphore_mem>>) src(%dma_wait3A_539 : memref<200x64xf32, #tpu.memory_space<vmem>>) dst(%dma_wait3A_536 : memref<200x64xf32, #tpu.memory_space<hbm>>)
    return
  }
}

</mosaic_0001>

<sc_bundles>
// kernel: kernel.3.cloned.1.call-start
scs
__scs_entry_jumppad:
0x0: {  	(pc) =	sbr.rel $0x88, $3  }
0x1: {  	(tag) =	ssettag $0x0;
	lr =	simm.s32 $0x1  }
0x2: {  	[smem:$0x3F9B] =	sst lr;
	_ =	strace $0xD0000000  }
0x3: {  	_ = 	snop  }
0x4: {  	_ = 	snop  }
0x5: {  	_ = 	snop  }
0x6: {  	_ = 	snop  }
0x7: {  	_ = 	snop  }
__scs_overlays_trampoline_lowered:
0x8: {  	[smem:$0x3FAA] =	sst s0  }
0x9: {  	[smem:$0x3FAB] =	sst s1  }
0xa: {  	[smem:$0x3FAC] =	sst s2  }
0xb: {  	[smem:$0x3FAD] =	sst s3  }
0xc: {  	[smem:$0x3FAE] =	sst s4  }
0xd: {  	[smem:$0x3FAF] =	sst s5  }
0xe: {  	[smem:$0x3FB0] =	sst s6  }
0xf: {  	[smem:$0x3FB1] =	sst s7  }
0x10: {  	[smem:$0x3FB2] =	sst s8  }
0x11: {  	[smem:$0x3FB3] =	sst s9;
	s0 =	simm.s32 @!p0 $0x0  }
0x12: {  	s1 =	sld [smem:$0x3F99];
	s0 =	simm.s32 @p0 $0x1  }
0x13: {  	[smem:$0x3FB4] =	sst s0;
	s0 =	simm.s32 @!p1 $0x0  }
0x14: {  	s2 =	sld [smem:$0x3F98];
	s0 =	simm.s32 @p1 $0x1  }
0x15: {  	[smem:$0x3FB5] =	sst s0;
	s0 =	simm.s32 @!p2 $0x0  }
0x16: {  	s3 =	sld [smem:$0x3FDB];
	s0 =	simm.s32 @p2 $0x1  }
0x17: {  	s4 =	simm.s32 $0x1BF5;
	[smem:$0x3FB7] =	sst s0  }
0x18: {  	s0 =	sld [smem:$0x3F9A];
	_ =	swait.ge [sflag:s4], $0x0  }
0x19: {  	s7 =	sld [smem:$0x3F9B]  }
0x1a: {  	s8 =	sadd.s32 $0xFFFFE003, lr  }
0x1b: {  	s9 =	sadd.s32 $0xFFFFFEF7, lr;
	s5 =	simm.s32 $0xFFFFFFFF;
	p2 =	slt.u32 s8, $0xFFFFF086  }
0x1c: {  	p1 =	slt.u32 s9, $0xF7A;
	s5 =	simm.s32 @!p2 $0x0  }
0x1d: {  	s5 =	simm.s32 @p1 $0x1;
	p0 =	seq.s32 s7, s2  }
0x1e: {  	s7 =	smul.u32 @!p0 $0xF7A, s2;
	p2 =	seq.s32 @!p0 s5, $0x0  }
0x1f: {  	s9 =	smul.u32 $0xF7A, s1;
	s8 =	simm.s32 @!p0 $0x1BF5;
	p2 =	por !p2, p0  }
0x20: {  	[sflag:s8] =	ssyncset.s32 @!p0 $0xFFFFF086;
	s6 =	sadd.s32 @!p0 s3, s7;
	s7 =	simm.s32 @!p0 $0x108  }
0x21: {  	s3 =	sadd.s32 s3, s9;
	s6 =	sadd.s32 @!p0 $0x88, s6;
	s7 =	simm.s32 @p2 $0x1082  }
0x22: {  	[simem:s7], [sflag:s8] =	dma.local @!p0 [hbm:s6], $0xF7A  }
0x23: {  	s9 =	sor.u32 $0xD0000000, s2;
	s6 =	simm.s32 $0x108;
	_ =	swait.ge @!p0 [sflag:s8], $0x0  }
0x24: {  	s3 =	sadd.s32 $0x88, s3;
	s6 =	simm.s32 @!p1 $0x1082;
	[sflag:s4] =	ssyncset.s32 $0xFFFFF086  }
0x25: {  	[simem:s6], [sflag:s4] =	dma.local [hbm:s3], $0xF7A  }
0x26: {  	[smem:$0x3F9B] =	sst s1;
	(tag) =	ssettag s2;
	_ =	strace s9  }
0x27: {  	s1 =	sld [smem:$0x3FAB]  }
0x28: {  	s2 =	sld [smem:$0x3FAC]  }
0x29: {  	s4 =	sld [smem:$0x3FAE]  }
0x2a: {  	p0 =	seq.s32 s5, $0x0;
	s5 =	sld [smem:$0x3FAF]  }
0x2b: {  	s6 =	sld [smem:$0x3FB0]  }
0x2c: {  	s7 =	sld [smem:$0x3FB1]  }
0x2d: {  	s3 =	simm.s32 $0x108;
	s8 =	sld [smem:$0x3FB2]  }
0x2e: {  	s3 =	simm.s32 @!p0 $0x1082;
	s9 =	sld [smem:$0x3FB3]  }
0x2f: {  	lr =	sadd.s32 s0, s3;
	s0 =	sld [smem:$0x3FAA]  }
0x30: {  	s3 =	sld [smem:$0x3FAD]  }
0x31: {  	[smem:$0x3FB6] =	sst s10  }
0x32: {  	s10 =	sld [smem:$0x3FB4];
	_ =	sdelay $0x3  }
0x33: {  	p0 =	seq.s32 s10, $0x1;
	s10 =	sld [smem:$0x3FB6];
	_ =	sdelay $0x3  }
0x34: {  	[smem:$0x3FB6] =	sst s10  }
0x35: {  	s10 =	sld [smem:$0x3FB5];
	_ =	sdelay $0x3  }
0x36: {  	p1 =	seq.s32 s10, $0x1;
	s10 =	sld [smem:$0x3FB6];
	_ =	sdelay $0x3  }
0x37: {  	[smem:$0x3FB6] =	sst s10  }
0x38: {  	s10 =	sld [smem:$0x3FB7]  }
0x39: {  	_ = 	snop;
	(pc) =	sbr.ind lr, $3  }
0x3a: {  	_ = 	snop  }
0x3b: {  	_ = 	snop  }
0x3c: {  	p2 =	seq.s32 s10, $0x1;
	s10 =	sld [smem:$0x3FB6]  }
0x3d: {  	_ =	shalt  }
0x3e: {  	_ =	shalt  }
0x3f: {  	_ =	shalt  }
0x40: {  	_ =	shalt  }
0x41: {  	_ =	shalt  }
0x42: {  	_ =	shalt  }
0x43: {  	_ =	shalt  }
0x44: {  	_ =	shalt  }
0x45: {  	_ =	shalt  }
0x46: {  	_ =	shalt  }
0x47: {  	_ =	shalt  }
0x48: {  	_ =	shalt  }
0x49: {  	_ =	shalt  }
0x4a: {  	_ =	shalt  }
0x4b: {  	_ =	shalt  }
0x4c: {  	_ =	shalt  }
0x4d: {  	_ =	shalt  }
0x4e: {  	_ =	shalt  }
0x4f: {  	_ =	shalt  }
0x50: {  	_ =	shalt  }
0x51: {  	_ =	shalt  }
0x52: {  	_ =	shalt  }
0x53: {  	_ =	shalt  }
0x54: {  	_ =	shalt  }
0x55: {  	_ =	shalt  }
0x56: {  	_ =	shalt  }
0x57: {  	_ =	shalt  }
0x58: {  	_ =	shalt  }
0x59: {  	_ =	shalt  }
0x5a: {  	_ =	shalt  }
0x5b: {  	_ =	shalt  }
0x5c: {  	_ =	shalt  }
0x5d: {  	_ =	shalt  }
0x5e: {  	_ =	shalt  }
0x5f: {  	_ =	shalt  }
0x60: {  	_ =	shalt  }
0x61: {  	_ =	shalt  }
0x62: {  	_ =	shalt  }
0x63: {  	_ =	shalt  }
0x64: {  	_ =	shalt  }
0x65: {  	_ =	shalt  }
0x66: {  	_ =	shalt  }
0x67: {  	_ =	shalt  }
0x68: {  	_ =	shalt  }
0x69: {  	_ =	shalt  }
0x6a: {  	_ =	shalt  }
0x6b: {  	_ =	shalt  }
0x6c: {  	_ =	shalt  }
0x6d: {  	_ =	shalt  }
0x6e: {  	_ =	shalt  }
0x6f: {  	_ =	shalt  }
0x70: {  	_ =	shalt  }
0x71: {  	_ =	shalt  }
0x72: {  	_ =	shalt  }
0x73: {  	_ =	shalt  }
0x74: {  	_ =	shalt  }
0x75: {  	_ =	shalt  }
0x76: {  	_ =	shalt  }
0x77: {  	_ =	shalt  }
0x78: {  	_ =	shalt  }
0x79: {  	_ =	shalt  }
0x7a: {  	_ =	shalt  }
0x7b: {  	_ =	shalt  }
0x7c: {  	_ =	shalt  }
0x7d: {  	_ =	shalt  }
0x7e: {  	_ =	shalt  }
0x7f: {  	_ =	shalt  }
0x80: {  	_ =	shalt  }
0x81: {  	_ =	shalt  }
0x82: {  	_ =	shalt  }
0x83: {  	_ =	shalt  }
0x84: {  	_ =	shalt  }
0x85: {  	_ =	shalt  }
0x86: {  	_ =	shalt  }
0x87: {  	_ =	shalt  }
.Lfunc_end0:
.L_simem_size_0:
called_computation.3_lowered:
.L_overlay_start_0:
0x88: {  	s2 =	sld [smem:$0x3FD9]  }
0x89: {  	s3 =	sld [smem:$0x3FFE];
	_ =	sdelay $0x1  }
0x8a: {  	s1 =	srdreg.scid  }
0x8b: {  	s0 =	sand.u32 $0x1, s1  }
0x8c: {  	s14 =	sshll.u32 s0, $0xA;
	s2 =	sadd.s32 s3, s2  }
0x8d: {  	s2 =	sadd.s32 s2, s14  }
0x8e: {  	[smem:$0x3FC2] =	sst s2  }
0x8f: {  	_ = 	snop  }
0x90: {  	s2 =	sld [smem:$0x3FD0];
	_ =	sdelay $0x2  }
0x91: {  	s15 =	simm.s32 $0xC;
	s4 =	simm.s32 $0x10  }
0x92: {  	[smem:s4], [sflag:s15] =	dma.local [hbm:s2], $0x1  }
0x93: {  	_ =	swait.eq [sflag:s15], $0x1  }
0x94: {  	s16 =	sld [smem:$0x10];
	[sflag:s15] =	ssyncset.done $0x0  }
0x95: {  	s17 =	sld [smem:$0x11];
	[sflag:s15] =	ssyncadd.s32 $0xFFFFFFFF  }
0x96: {  	s18 =	sld [smem:$0x12];
	(tm) =	ssettm $0x1  }
0x97: {  	s5 =	sld [smem:$0x3FFB];
	_ =	sdelay $0x3  }
0x98: {  	_ =	strace s5  }
0x99: {  	s5 =	sld [smem:$0x3FFC];
	_ =	sdelay $0x3  }
0x9a: {  	_ =	strace s5  }
0x9b: {  	s5 =	sld [smem:$0x3FFD];
	_ =	sdelay $0x3  }
0x9c: {  	_ =	strace s5  }
0x9d: {  	_ =	strace $0x8FFFFFFF  }
0x9e: {  	s19 =	sld [smem:$0x3FDB];
	_ =	sdelay $0x1  }
0x9f: {  	s6 =	simm.s32 $_scs_section_size  }
0xa0: {  	s7 =	simm.s32 $_size__tile_overlayer_lowered;
	s8 =	simm.s32 $_tile_overlayer_lowered  }
0xa1: {  	s22 =	simm.s32 $0x1BFF;
	s21 =	sshll.u32 s8, $0x1;
	s5 =	sadd.s32 s6, s19  }
0xa2: {  	s9 =	simm.s32 $0x0;
	s20 =	sshll.u32 s7, $0x1;
	s7 =	sadd.s32 s21, s5  }
0xa3: {  	[timem:s9], [sflag:s22] =	dma.local [hbm:s7], s20  }
0xa4: {  	_ =	swait.ge [sflag:s22], s20  }
0xa5: {  	s6 =	ssub.s32 $0x0, s20;
	[sflag:s22] =	ssyncset.done $0x0  }
0xa6: {  	[sflag:s22] =	ssyncadd.s32 s6;
	_ =	sdelay $0x1  }
0xa7: {  	s23 =	simm.s32 $0x1B8B  }
0xa8: {  	_ =	swait.ge [sflag:s23], $0x1  }
0xa9: {  	[sflag:s23] =	ssyncset.done $0x0  }
0xaa: {  	s25 =	simm.s32 $0x1B8E;
	s24 =	sld [smem:$0x3FFE];
	[sflag:s23] =	ssyncadd.s32 $0xFFFFFFFF  }
0xab: {  	s26 =	simm.s32 $execute0_lowered;
	[smem:$0x3FD2] =	sst s25  }
0xac: {  	s7 =	sshll.u32 s26, $0x1;
	_ =	strace $0x80000046;
	[dreg:$0x1] =	wrdreg $0xFFFFFFFF  }
0xad: {  	s28 =	simm.s32 $_size_execute0_lowered;
	s5 =	sadd.s32 s5, s7;
	[dreg:$0x0] =	wrdreg $0x0  }
0xae: {  	s7 =	sshll.u32 s28, $0x1;
	[dreg:$0x2] =	wrdreg s5  }
0xaf: {  	[dreg:$0x3] =	wrdreg s7  }
0xb0: {  	[dreg:$0x4] =	wrdreg $0xC0  }
0xb1: {  	_ =	task [dreg:s9], $0x5FFFF  }
0xb2: {  	[dreg:$0x1] =	wrdreg $0xFFFFFFFF  }
0xb3: {  	[dreg:$0x0] =	wrdreg $0x60  }
0xb4: {  	[dreg:$0x2] =	wrdreg s24  }
0xb5: {  	[dreg:$0x3] =	wrdreg s16  }
0xb6: {  	[dreg:$0x4] =	wrdreg s17  }
0xb7: {  	[dreg:$0x5] =	wrdreg s18  }
0xb8: {  	[dreg:$0x6] =	wrdreg $0x0  }
0xb9: {  	[dreg:$0x7] =	wrdreg $0x600  }
0xba: {  	[dreg:$0x8] =	wrdreg $0xB80  }
0xbb: {  	[dreg:$0x9] =	wrdreg $0x9  }
0xbc: {  	_ =	task.clear_ibuf [dreg:s9], $0xAFFFF;
	_ =	strace $0x90000046  }
0xbd: {  	s29 =	simm.s32 $0x9;
	_ =	strace $0x80000048  }
0xbe: {  	_ =	swait.ge [sflag:s29], $0x1  }
0xbf: {  	[sflag:s29] =	ssyncadd.s32 $0xFFFFFFFF  }
0xc0: {  	_ =	strace $0x90000048  }
0xc1: {  	_ =	sfence  }
0xc2: {  	s30 =	sld [smem:$0x0];
	_ =	sdelay $0x2  }
0xc3: {  	s31 =	sshll.u32 s1, $0xD;
	s1 =	sshrl.u32 s1, $0x2  }
0xc4: {  	s3 =	sand.u32 $0x4000, s31;
	s1 =	sadd.s32 s1, s30  }
0xc5: {  	s0 =	sor.u32 s3, s0;
	s1 =	sshll.u32 s1, $0x11  }
0xc6: {  	s0 =	sor.u32 s1, s0  }
0xc7: {  	s0 =	sadd.s32 $0x8F2B, s0  }
0xc8: {  	[sflag:s0] =	ssyncadd.remote.s32 $0x1  }
0xc9: {  	_ =	sfence.sel $0xFFFF  }
0xca: {  	[dreg:$0x0] =	wrdreg $0xFFFFFFFF;
	(pc) =	sbr.abs _section_cstart, $3  }
0xcb: {  	[dreg:$0x1] =	wrdreg $0xFFFFFFFF  }
0xcc: {  	_ =	task.clear_ibuf [dreg:s9], $0x2FFFF;
	_ =	strace $0x9FFFFFFF  }
0xcd: {  	(tm) =	ssettm $0x7FFFFFFF  }
tec
execute0_lowered:
.L_overlay_start_1:
0x0: {  	(tag) =	ssettag $0x1  }
0x1: {  	s0 =	rddreg [dreg:$0x0]  }
0x2: {  	s6 =	rddreg [dreg:$0x1]  }
0x3: {  	s8 =	srdreg.scid;
	s7 =	stileid.u32  }
0x4: {  	s10 =	sand.u32 $0x1, s8;
	s22 =	sshll.u32 s7, $0x1;
	s11 =	smul.u32 $0xC800, s7  }
0x5: {  	s5 =	rddreg [dreg:$0x2];
	s13 =	sor.u32 s10, s22;
	s14 =	smul.u32 $0x6400, s10  }
0x6: {  	s9 =	rddreg [dreg:$0x3];
	s24 =	simm.s32 $0x0;
	s16 =	smul.u32 $0x6400, s13  }
0x7: {  	[smem:$0x7FF] =	sst s24;
	s1 =	sadd.s32 $0x1A00, s0  }
0x8: {  	s15 =	sadd.s32 $0x1AA00, s0;
	s11 =	sadd.s32 s14, s11;
	s14 =	sshrl.u32 s16, $0x3  }
0x9: {  	s17 =	sadd.s32 $0x33A00, s0;
	_ =	strace $0x80000047;
	s2 =	sadd.s32 s15, s14  }
0xa: {  	s25 =	sadd.s32 $0x640, s11;
	s26 =	sadd.s32 s17, s14;
	[dreg:$0x11] =	wrdreg s2  }
0xb: {  	s18 =	sor.u32 $0x32, s14;
	s22 =	sadd.s32 s1, s14;
	[dreg:$0x12] =	wrdreg s26  }
0xc: {  	s16 =	sshrl.u32 s25, $0x3;
	s28 =	sadd.s32 s15, s18;
	[dreg:$0x16] =	wrdreg s22  }
0xd: {  	s19 =	sadd.s32 s16, s1;
	[dreg:$0x13] =	wrdreg s28  }
0xe: {  	s11 =	sadd.s32 $0x4B0, s11;
	s29 =	sadd.s32 s16, s17;
	[dreg:$0x8] =	wrdreg s19  }
0xf: {  	s11 =	sshrl.u32 s11, $0x3;
	s16 =	sadd.s32 s16, s15;
	[dreg:$0x9] =	wrdreg s29  }
0x10: {  	s12 =	ssub.s32 $0x2, s10;
	s31 =	sadd.s32 s11, s1;
	[dreg:$0xa] =	wrdreg s16  }
0x11: {  	s23 =	sshrl.u32 s12, $0x1;
	s2 =	sadd.s32 s11, s17;
	[dreg:$0xb] =	wrdreg s31  }
0x12: {  	s8 =	ssub.s32 s12, s23;
	s3 =	sadd.s32 s17, s18;
	[dreg:$0xc] =	wrdreg s2  }
0x13: {  	s14 =	sor.u32 $0x64, s14;
	s21 =	sadd.s32 s1, s18;
	[dreg:$0x14] =	wrdreg s3  }
0x14: {  	s12 =	sshll.u32 s13, $0x7;
	s26 =	sadd.s32 s15, s14;
	[dreg:$0x15] =	wrdreg s21  }
0x15: {  	s23 =	smul.u32 $0x19000, s13;
	s1 =	sadd.s32 s1, s14;
	[dreg:$0x17] =	wrdreg s26  }
0x16: {  	s30 =	sor.u32 $0x1, s12;
	s11 =	sadd.s32 s11, s15;
	[dreg:$0x19] =	wrdreg s1  }
0x17: {  	s25 =	smul.u32 $0x32000, s13;
	s15 =	sadd.s32 s6, s23;
	[dreg:$0xd] =	wrdreg s11  }
0x18: {  	s4 =	smul.u32 $0x640, s30;
	s28 =	sadd.s32 s17, s14;
	[dreg:$0x1e] =	wrdreg s15  }
0x19: {  	s12 =	sor.u32 $0x7E, s12;
	s31 =	sadd.s32 s9, s25;
	[dreg:$0x18] =	wrdreg s28  }
0x1a: {  	s20 =	smul.u32 $0x320, s30;
	s3 =	sadd.s32 s9, s4;
	[dreg:$0x1a] =	wrdreg s31  }
0x1b: {  	s13 =	sshllo.u32 s13, $0x7;
	s16 =	sadd.s32 s5, s23;
	[dreg:$0x1b] =	wrdreg s3  }
0x1c: {  	s30 =	smul.u32 $0x64000, s7;
	s18 =	sadd.s32 s6, s20;
	[dreg:$0x1f] =	wrdreg s16  }
0x1d: {  	s21 =	smul.u32 $0x640, s12;
	s19 =	sadd.s32 s5, s20;
	[smem:$0x7F3] =	sst s18  }
0x1e: {  	s1 =	sadd.s32 s30, s9;
	s30 =	smax.u32 s8, $0x1;
	[smem:$0x7F4] =	sst s19  }
0x1f: {  	s29 =	smul.u32 $0x640, s13;
	s28 =	sadd.s32 $0x1400, s0;
	[smem:$0x7FC] =	sst s30  }
0x20: {  	s14 =	smul.u32 $0x320, s12;
	s4 =	sadd.s32 s9, s21;
	[smem:$0x7F9] =	sst s28  }
0x21: {  	s11 =	sadd.s32 s9, s29;
	[dreg:$0x1c] =	wrdreg s4  }
0x22: {  	s17 =	smul.u32 $0x320, s13;
	s21 =	sadd.s32 s6, s14;
	[dreg:$0x1d] =	wrdreg s11  }
0x23: {  	s22 =	sadd.s32 s5, s14;
	[smem:$0x7F5] =	sst s21  }
0x24: {  	s20 =	smul.u32 $0x32000, s7;
	s25 =	sadd.s32 s6, s17;
	[smem:$0x7F6] =	sst s22  }
0x25: {  	s23 =	smul.u32 $0x19000, s10;
	s26 =	sadd.s32 s5, s17;
	[smem:$0x7F7] =	sst s25  }
0x26: {  	s10 =	smul.u32 $0x32000, s10;
	s29 =	sadd.s32 $0x1600, s0;
	[smem:$0x7F8] =	sst s26  }
0x27: {  	s6 =	sadd.s32 s20, s6;
	s0 =	sadd.s32 $0x1800, s0;
	[smem:$0x7FA] =	sst s29  }
0x28: {  	s5 =	sadd.s32 s20, s5;
	s6 =	sadd.s32 s23, s6;
	[smem:$0x7FB] =	sst s0  }
0x29: {  	s1 =	sadd.s32 s10, s1;
	s5 =	sadd.s32 s23, s5;
	[dreg:$0xe] =	wrdreg s6  }
0x2a: {  	s31 =	sadd.s32 $0x12C0, s1;
	[dreg:$0xf] =	wrdreg s5  }
0x2b: {  	p0 =	sne.s32 s7, $0x0;
	s1 =	simm.s32 $0x0;
	[smem:$0x7FD] =	sst s31  }
.LBB2_1:
0x2c: {  	s3 =	sld [smem:$0x7FA]  }
0x2d: {  	s2 =	rddreg [dreg:$0x4]  }
0x2e: {  	[smem:$0x7F2] =	sst s1;
	s1 =	simm.s32 @!p0 $0x1C0A;
	s0 =	sshrl.u32 @!p0 s2, $0x3  }
0x2f: {  	[spmem:s0], [sflag:s1] =	dma.local @!p0 [hbm:s3], $0xC0  }
0x30: {  	s5 =	sld [smem:$0x7FB]  }
0x31: {  	s3 =	rddreg [dreg:$0x5]  }
0x32: {  	s0 =	sshrl.u32 @!p0 s3, $0x3  }
0x33: {  	[spmem:s0], [sflag:s1] =	dma.local @!p0 [hbm:s5], $0xA8  }
0x34: {  	s5 =	sld [smem:$0x7F9]  }
0x35: {  	s6 =	rddreg [dreg:$0x6]  }
0x36: {  	s0 =	sshrl.u32 @!p0 s6, $0x3  }
0x37: {  	[spmem:s0], [sflag:s1] =	dma.local @!p0 [hbm:s5], $0x150  }
0x38: {  	s0 =	simm.s32 @!p0 $0xA  }
0x39: {  	_ =	swait.ge @!p0 [sflag:s0], $0xC0  }
0x3a: {  	[sflag:s0] =	ssyncset.done @!p0 $0x0  }
0x3b: {  	[sflag:s0] =	ssyncadd.s32 @!p0 $0xFFFFFF40  }
0x3c: {  	_ =	swait.ge @!p0 [sflag:s0], $0xA8  }
0x3d: {  	[sflag:s0] =	ssyncset.done @!p0 $0x0  }
0x3e: {  	[sflag:s0] =	ssyncadd.s32 @!p0 $0xFFFFFF58  }
0x3f: {  	_ =	swait.ge @!p0 [sflag:s0], $0x150  }
0x40: {  	[sflag:s0] =	ssyncset.done @!p0 $0x0  }
0x41: {  	[sflag:s0] =	ssyncadd.s32 @!p0 $0xFFFFFEB0  }
0x42: {  	[bflag:$0x0] =	sbarrier.arrive $0xFFFF  }
0x43: {  	s1 =	simm.s32 $0x160;
	s16 =	rddreg [dreg:$0x11]  }
0x44: {  	[tilespmem:s1], [sflag:$0x1] =	stream.linear.gather [hbm4b:s16+s24], $0x190, $0x38;
	[tilespmem:$0x19AC0] =	vst v63  }
0x45: {  	s8 =	simm.s32 $0x6880;
	s17 =	rddreg [dreg:$0x12]  }
0x46: {  	[tilespmem:s8], [sflag:$0x2] =	stream.linear.gather [hbm4b:s17+s24], $0x190, $0x38;
	[tilespmem:$0x19AC0] =	vst v63  }
0x47: {  	s9 =	simm.s32 $0xCFA0;
	s30 =	simm.s32 $0x1;
	s18 =	rddreg [dreg:$0x16]  }
0x48: {  	[tilespmem:s9], [sflag:$0x3] =	stream.linear.gather [hbm4b:s18+s24], $0x190, $0x38;
	[tilespmem:$0x19AC0] =	vst v63  }
0x49: {  	_ =	swait.ge [sflag:s30], $0x190  }
0x4a: {  	[sflag:s30] =	ssyncset.done $0x0  }
0x4b: {  	s10 =	simm.s32 $0x190;
	s17 =	simm.s32 $0x480;
	[sflag:s30] =	ssyncadd.s32 $0xFFFFFE70  }
0x4c: {  	[tilespmem:s17], [sflag:$0x4] =	stream.indirect.gather [spmem:s2], $0x20, s1, s10, $0xb8;
	[tilespmem:$0x19AC0] =	vst v63  }
0x4d: {  	s11 =	simm.s32 $0x2F0;
	s25 =	simm.s32 $0x2;
	s19 =	rddreg [dreg:$0x13]  }
0x4e: {  	[tilespmem:s11], [sflag:$0x1] =	stream.linear.gather [hbm4b:s19+s24], $0x190, $0x38;
	[tilespmem:$0x19AC0] =	vst v63  }
0x4f: {  	_ =	swait.ge [sflag:s25], $0x190  }
0x50: {  	[sflag:s25] =	ssyncset.done $0x0  }
0x51: {  	s12 =	simm.s32 $0x6BA0;
	[sflag:s25] =	ssyncadd.s32 $0xFFFFFE70  }
0x52: {  	[tilespmem:s12], [sflag:$0x5] =	stream.indirect.gather [spmem:s3], $0x20, s8, s10, $0xb8;
	[tilespmem:$0x19AC0] =	vst v63  }
0x53: {  	s14 =	simm.s32 $0x6A10;
	s13 =	simm.s32 $0x3;
	s20 =	rddreg [dreg:$0x14]  }
0x54: {  	[tilespmem:s14], [sflag:$0x2] =	stream.linear.gather [hbm4b:s20+s24], $0x190, $0x38;
	[tilespmem:$0x19AC0] =	vst v63  }
0x55: {  	_ =	swait.ge [sflag:s13], $0x190  }
0x56: {  	[sflag:s13] =	ssyncset.done $0x0  }
0x57: {  	s15 =	simm.s32 $0xD2C0;
	[sflag:s13] =	ssyncadd.s32 $0xFFFFFE70  }
0x58: {  	[tilespmem:s15], [sflag:$0x6] =	stream.indirect.gather [spmem:s6], $0x40, s9, s10, $0xb8;
	[tilespmem:$0x19AC0] =	vst v63  }
0x59: {  	s16 =	simm.s32 $0x4;
	s18 =	simm.s32 $0xD130;
	s21 =	rddreg [dreg:$0x15]  }
0x5a: {  	[tilespmem:s18], [sflag:$0x3] =	stream.linear.gather [hbm4b:s21+s24], $0x190, $0x38;
	[tilespmem:$0x19AC0] =	vst v63  }
0x5b: {  	_ =	swait.ge [sflag:s16], $0x3200  }
0x5c: {  	[sflag:s16] =	ssyncset.done $0x0;
	s22 =	rddreg [dreg:$0x1e]  }
0x5d: {  	s23 =	sld [smem:$0x7F3];
	[sflag:s16] =	ssyncadd.s32 $0xFFFFCE00  }
0x5e: {  	[hbm4b:s22+s24] =	stream.linear.scatter [tilespmem:s17], [sflag:$0x7], $0x1900, $0x38;
	[tilespmem:$0x19AC0] =	vst v63  }
0x5f: {  	s20 =	simm.s32 $0x1D80  }
0x60: {  	[hbm4b:s23+s24] =	stream.linear.scatter [tilespmem:s20], [sflag:$0x7], $0x1900, $0x38;
	[tilespmem:$0x19AC0] =	vst v63  }
0x61: {  	_ =	swait.ge [sflag:s30], $0x190  }
0x62: {  	[sflag:s30] =	ssyncset.done $0x0  }
0x63: {  	s21 =	simm.s32 $0x3680;
	[sflag:s30] =	ssyncadd.s32 $0xFFFFFE70  }
0x64: {  	[tilespmem:s21], [sflag:$0x4] =	stream.indirect.gather [spmem:s2], $0x20, s11, s10, $0xb8;
	[tilespmem:$0x19AC0] =	vst v63  }
0x65: {  	s19 =	simm.s32 $0x5;
	s26 =	rddreg [dreg:$0x17]  }
0x66: {  	[tilespmem:s1], [sflag:$0x1] =	stream.linear.gather [hbm4b:s26+s24], $0x190, $0x38;
	[tilespmem:$0x19AC0] =	vst v63  }
0x67: {  	_ =	swait.ge [sflag:s19], $0x3200  }
0x68: {  	[sflag:s19] =	ssyncset.done $0x0;
	s28 =	rddreg [dreg:$0x1f]  }
0x69: {  	s29 =	sld [smem:$0x7F4];
	[sflag:s19] =	ssyncadd.s32 $0xFFFFCE00  }
0x6a: {  	[hbm4b:s28+s24] =	stream.linear.scatter [tilespmem:s12], [sflag:$0x8], $0x1900, $0x38;
	[tilespmem:$0x19AC0] =	vst v63  }
0x6b: {  	s23 =	simm.s32 $0x84A0  }
0x6c: {  	[hbm4b:s29+s24] =	stream.linear.scatter [tilespmem:s23], [sflag:$0x8], $0x1900, $0x38;
	[tilespmem:$0x19AC0] =	vst v63  }
0x6d: {  	_ =	swait.ge [sflag:s25], $0x190  }
0x6e: {  	[sflag:s25] =	ssyncset.done $0x0  }
0x6f: {  	s7 =	simm.s32 $0x9DA0;
	[sflag:s25] =	ssyncadd.s32 $0xFFFFFE70  }
0x70: {  	[tilespmem:s7], [sflag:$0x5] =	stream.indirect.gather [spmem:s3], $0x20, s14, s10, $0xb8;
	[tilespmem:$0x19AC0] =	vst v63  }
0x71: {  	s22 =	simm.s32 $0x6;
	s31 =	rddreg [dreg:$0x18]  }
0x72: {  	[tilespmem:s8], [sflag:$0x2] =	stream.linear.gather [hbm4b:s31+s24], $0x190, $0x38;
	[tilespmem:$0x19AC0] =	vst v63  }
0x73: {  	_ =	swait.ge [sflag:s22], $0x6400  }
0x74: {  	[sflag:s22] =	ssyncset.done $0x0  }
0x75: {  	s4 =	rddreg [dreg:$0x1a];
	[sflag:s22] =	ssyncadd.s32 $0xFFFF9C00  }
0x76: {  	[hbm4b:s4+s24] =	stream.linear.scatter [tilespmem:s15], [sflag:$0x9], $0x3200, $0x38;
	[tilespmem:$0x19AC0] =	vst v63  }
0x77: {  	s26 =	simm.s32 $0x104C0;
	s5 =	rddreg [dreg:$0x1b]  }
0x78: {  	[hbm4b:s5+s24] =	stream.linear.scatter [tilespmem:s26], [sflag:$0x9], $0x3200, $0x38;
	[tilespmem:$0x19AC0] =	vst v63  }
0x79: {  	_ =	swait.ge [sflag:s13], $0x190  }
0x7a: {  	[sflag:s13] =	ssyncset.done $0x0  }
0x7b: {  	s4 =	simm.s32 $0x136C0;
	[sflag:s13] =	ssyncadd.s32 $0xFFFFFE70  }
0x7c: {  	[tilespmem:s4], [sflag:$0x6] =	stream.indirect.gather [spmem:s6], $0x40, s18, s10, $0xb8;
	[tilespmem:$0x19AC0] =	vst v63  }
0x7d: {  	s28 =	rddreg [dreg:$0x19]  }
0x7e: {  	[tilespmem:s9], [sflag:$0x3] =	stream.linear.gather [hbm4b:s28+s24], $0x190, $0x38;
	[tilespmem:$0x19AC0] =	vst v63  }
0x7f: {  	s28 =	simm.s32 $0x7  }
0x80: {  	s29 =	rddreg [dreg:$0xe];
	_ =	swait.ge [sflag:s28], $0x1900  }
0x81: {  	[sflag:s28] =	ssyncset.done $0x0  }
0x82: {  	[sflag:s28] =	ssyncadd.s32 $0xFFFFE700  }
0x83: {  	_ =	swait.ge [sflag:s28], $0x1900  }
0x84: {  	[sflag:s28] =	ssyncset.done $0x0  }
0x85: {  	[sflag:s28] =	ssyncadd.s32 $0xFFFFE700  }
0x86: {  	_ =	swait.ge [sflag:s16], $0x3200  }
0x87: {  	s5 =	sadd.s32 $0x0, s29;
	[sflag:s16] =	ssyncset.done $0x0  }
0x88: {  	s0 =	sadd.s32 $0x640, s5;
	[sflag:s16] =	ssyncadd.s32 $0xFFFFCE00  }
0x89: {  	[hbm4b:s0+s24] =	stream.linear.scatter [tilespmem:s21], [sflag:$0x7], $0x1900, $0x38;
	[tilespmem:$0x19AC0] =	vst v63  }
0x8a: {  	s29 =	simm.s32 $0x4F80;
	s31 =	sadd.s32 $0x960, s5  }
0x8b: {  	[hbm4b:s31+s24] =	stream.linear.scatter [tilespmem:s29], [sflag:$0x7], $0x1900, $0x38;
	[tilespmem:$0x19AC0] =	vst v63  }
0x8c: {  	_ =	swait.ge [sflag:s30], $0x190  }
0x8d: {  	[sflag:s30] =	ssyncset.done $0x0  }
0x8e: {  	s29 =	rddreg [dreg:$0xd];
	[sflag:s30] =	ssyncadd.s32 $0xFFFFFE70  }
0x8f: {  	[tilespmem:s17], [sflag:$0x4] =	stream.indirect.gather [spmem:s2], $0x20, s1, s10, $0xb8;
	[tilespmem:$0x19AC0] =	vst v63  }
0x90: {  	s0 =	sadd.s32 $0x0, s29;
	s29 =	simm.s32 $0x8  }
0x91: {  	[tilespmem:s11], [sflag:$0x1] =	stream.linear.gather [hbm4b:s0+s24], $0x190, $0x38;
	[tilespmem:$0x19AC0] =	vst v63  }
0x92: {  	s31 =	rddreg [dreg:$0xf];
	_ =	swait.ge [sflag:s29], $0x1900  }
0x93: {  	[sflag:s29] =	ssyncset.done $0x0  }
0x94: {  	[sflag:s29] =	ssyncadd.s32 $0xFFFFE700  }
0x95: {  	_ =	swait.ge [sflag:s29], $0x1900  }
0x96: {  	[sflag:s29] =	ssyncset.done $0x0  }
0x97: {  	[sflag:s29] =	ssyncadd.s32 $0xFFFFE700  }
0x98: {  	_ =	swait.ge [sflag:s19], $0x3200  }
0x99: {  	s0 =	sadd.s32 $0x0, s31;
	[sflag:s19] =	ssyncset.done $0x0  }
0x9a: {  	s1 =	sadd.s32 $0x640, s0;
	[sflag:s19] =	ssyncadd.s32 $0xFFFFCE00  }
0x9b: {  	[hbm4b:s1+s24] =	stream.linear.scatter [tilespmem:s7], [sflag:$0x8], $0x1900, $0x38;
	[tilespmem:$0x19AC0] =	vst v63  }
0x9c: {  	s31 =	simm.s32 $0xB6A0;
	s1 =	sadd.s32 $0x960, s0  }
0x9d: {  	[hbm4b:s1+s24] =	stream.linear.scatter [tilespmem:s31], [sflag:$0x8], $0x1900, $0x38;
	[tilespmem:$0x19AC0] =	vst v63  }
0x9e: {  	_ =	swait.ge [sflag:s25], $0x190  }
0x9f: {  	[sflag:s25] =	ssyncset.done $0x0  }
0xa0: {  	s31 =	rddreg [dreg:$0xc];
	[sflag:s25] =	ssyncadd.s32 $0xFFFFFE70  }
0xa1: {  	[tilespmem:s12], [sflag:$0x5] =	stream.indirect.gather [spmem:s3], $0x20, s8, s10, $0xb8;
	[tilespmem:$0x19AC0] =	vst v63  }
0xa2: {  	s1 =	sadd.s32 $0x0, s31;
	s31 =	simm.s32 $0x9  }
0xa3: {  	[tilespmem:s14], [sflag:$0x2] =	stream.linear.gather [hbm4b:s1+s24], $0x190, $0x38;
	[tilespmem:$0x19AC0] =	vst v63  }
0xa4: {  	_ =	swait.ge [sflag:s31], $0x3200  }
0xa5: {  	[sflag:s31] =	ssyncset.done $0x0  }
0xa6: {  	[sflag:s31] =	ssyncadd.s32 $0xFFFFCE00  }
0xa7: {  	_ =	swait.ge [sflag:s31], $0x3200  }
0xa8: {  	[sflag:s31] =	ssyncset.done $0x0  }
0xa9: {  	[sflag:s31] =	ssyncadd.s32 $0xFFFFCE00  }
0xaa: {  	_ =	swait.ge [sflag:s22], $0x6400  }
0xab: {  	s8 =	sld [smem:$0x7FD];
	_ =	sdelay $0x1  }
0xac: {  	[sflag:s22] =	ssyncset.done $0x0  }
0xad: {  	[sflag:s22] =	ssyncadd.s32 $0xFFFF9C00;
	s1 =	sadd.s32 $0xFFFFF9C0, s8  }
0xae: {  	[hbm4b:s1+s24] =	stream.linear.scatter [tilespmem:s4], [sflag:$0x9], $0x3200, $0x38;
	[tilespmem:$0x19AC0] =	vst v63  }
0xaf: {  	s1 =	simm.s32 $0x168C0  }
0xb0: {  	[hbm4b:s8+s24] =	stream.linear.scatter [tilespmem:s1], [sflag:$0x9], $0x3200, $0x38;
	[tilespmem:$0x19AC0] =	vst v63  }
0xb1: {  	_ =	swait.ge [sflag:s13], $0x190  }
0xb2: {  	[sflag:s13] =	ssyncset.done $0x0  }
0xb3: {  	s1 =	rddreg [dreg:$0xb];
	[sflag:s13] =	ssyncadd.s32 $0xFFFFFE70  }
0xb4: {  	[tilespmem:s15], [sflag:$0x6] =	stream.indirect.gather [spmem:s6], $0x40, s9, s10, $0xb8;
	[tilespmem:$0x19AC0] =	vst v63  }
0xb5: {  	s1 =	sadd.s32 $0x0, s1  }
0xb6: {  	[tilespmem:s18], [sflag:$0x3] =	stream.linear.gather [hbm4b:s1+s24], $0x190, $0x38;
	[tilespmem:$0x19AC0] =	vst v63  }
0xb7: {  	_ =	swait.ge [sflag:s28], $0x1900  }
0xb8: {  	[sflag:s28] =	ssyncset.done $0x0  }
0xb9: {  	[sflag:s28] =	ssyncadd.s32 $0xFFFFE700  }
0xba: {  	_ =	swait.ge [sflag:s28], $0x1900  }
0xbb: {  	[sflag:s28] =	ssyncset.done $0x0  }
0xbc: {  	[sflag:s28] =	ssyncadd.s32 $0xFFFFE700  }
0xbd: {  	_ =	swait.ge [sflag:s16], $0x3200  }
0xbe: {  	[sflag:s16] =	ssyncset.done $0x0  }
0xbf: {  	s9 =	sadd.s32 $0xC80, s5;
	[sflag:s16] =	ssyncadd.s32 $0xFFFFCE00  }
0xc0: {  	[hbm4b:s9+s24] =	stream.linear.scatter [tilespmem:s17], [sflag:$0x7], $0x1900, $0x38;
	[tilespmem:$0x19AC0] =	vst v63  }
0xc1: {  	s17 =	sadd.s32 $0xFA0, s5  }
0xc2: {  	[hbm4b:s17+s24] =	stream.linear.scatter [tilespmem:s20], [sflag:$0x7], $0x1900, $0x38;
	[tilespmem:$0x19AC0] =	vst v63  }
0xc3: {  	_ =	swait.ge [sflag:s30], $0x190  }
0xc4: {  	[sflag:s30] =	ssyncset.done $0x0  }
0xc5: {  	p2 =	por $0x0, $0x0;
	s1 =	rddreg [dreg:$0xa];
	[sflag:s30] =	ssyncadd.s32 $0xFFFFFE70  }
0xc6: {  	[tilespmem:s21], [sflag:$0x4] =	stream.indirect.gather [spmem:s2], $0x20, s11, s10, $0xb8;
	[tilespmem:$0x19AC0] =	vst v63  }
0xc7: {  	s5 =	simm.s32 @!p2 $0x160;
	s1 =	sadd.s32 @!p2 $0x0, s1;
	s30 =	simm.s32 @!p2 $0x0  }
0xc8: {  	[tilespmem:s5], [sflag:$0x1] =	stream.linear.gather @!p2 [hbm4b:s1+s30], $0x190, $0x38;
	[tilespmem:$0x19AC0] =	vst v63  }
0xc9: {  	_ =	swait.ge [sflag:s29], $0x1900  }
0xca: {  	[sflag:s29] =	ssyncset.done $0x0  }
0xcb: {  	[sflag:s29] =	ssyncadd.s32 $0xFFFFE700  }
0xcc: {  	_ =	swait.ge [sflag:s29], $0x1900  }
0xcd: {  	[sflag:s29] =	ssyncset.done $0x0  }
0xce: {  	[sflag:s29] =	ssyncadd.s32 $0xFFFFE700  }
0xcf: {  	_ =	swait.ge [sflag:s19], $0x3200  }
0xd0: {  	[sflag:s19] =	ssyncset.done $0x0  }
0xd1: {  	s28 =	sadd.s32 $0xC80, s0;
	[sflag:s19] =	ssyncadd.s32 $0xFFFFCE00  }
0xd2: {  	[hbm4b:s28+s24] =	stream.linear.scatter [tilespmem:s12], [sflag:$0x8], $0x1900, $0x38;
	[tilespmem:$0x19AC0] =	vst v63  }
0xd3: {  	s0 =	sadd.s32 $0xFA0, s0  }
0xd4: {  	[hbm4b:s0+s24] =	stream.linear.scatter [tilespmem:s23], [sflag:$0x8], $0x1900, $0x38;
	[tilespmem:$0x19AC0] =	vst v63  }
0xd5: {  	_ =	swait.ge [sflag:s25], $0x190  }
0xd6: {  	[sflag:s25] =	ssyncset.done $0x0  }
0xd7: {  	s0 =	rddreg [dreg:$0x9];
	[sflag:s25] =	ssyncadd.s32 $0xFFFFFE70  }
0xd8: {  	[tilespmem:s7], [sflag:$0x5] =	stream.indirect.gather [spmem:s3], $0x20, s14, s10, $0xb8;
	[tilespmem:$0x19AC0] =	vst v63  }
0xd9: {  	s1 =	simm.s32 @!p2 $0x6880;
	s0 =	sadd.s32 @!p2 $0x0, s0  }
0xda: {  	[tilespmem:s1], [sflag:$0x2] =	stream.linear.gather @!p2 [hbm4b:s0+s30], $0x190, $0x38;
	[tilespmem:$0x19AC0] =	vst v63  }
0xdb: {  	_ =	swait.ge [sflag:s31], $0x3200  }
0xdc: {  	[sflag:s31] =	ssyncset.done $0x0  }
0xdd: {  	[sflag:s31] =	ssyncadd.s32 $0xFFFFCE00  }
0xde: {  	_ =	swait.ge [sflag:s31], $0x3200  }
0xdf: {  	[sflag:s31] =	ssyncset.done $0x0  }
0xe0: {  	[sflag:s31] =	ssyncadd.s32 $0xFFFFCE00  }
0xe1: {  	_ =	swait.ge [sflag:s22], $0x6400  }
0xe2: {  	[sflag:s22] =	ssyncset.done $0x0  }
0xe3: {  	s29 =	sadd.s32 $0x640, s8;
	[sflag:s22] =	ssyncadd.s32 $0xFFFF9C00  }
0xe4: {  	[hbm4b:s29+s24] =	stream.linear.scatter [tilespmem:s15], [sflag:$0x9], $0x3200, $0x38;
	[tilespmem:$0x19AC0] =	vst v63  }
0xe5: {  	s31 =	sadd.s32 $0xC80, s8  }
0xe6: {  	[hbm4b:s31+s24] =	stream.linear.scatter [tilespmem:s26], [sflag:$0x9], $0x3200, $0x38;
	[tilespmem:$0x19AC0] =	vst v63  }
0xe7: {  	s20 =	simm.s32 $0xC80;
	s17 =	simm.s32 $0x2;
	_ =	swait.ge [sflag:s13], $0x190  }
0xe8: {  	s5 =	simm.s32 $0x64;
	[sflag:s13] =	ssyncset.done $0x0;
	s1 =	rddreg [dreg:$0x8]  }
0xe9: {  	s23 =	simm.s32 $0x1900;
	s0 =	rddreg [dreg:$0xe];
	[sflag:s13] =	ssyncadd.s32 $0xFFFFFE70  }
0xea: {  	[tilespmem:s4], [sflag:$0x6] =	stream.indirect.gather [spmem:s6], $0x40, s18, s10, $0xb8;
	[tilespmem:$0x19AC0] =	vst v63  }
0xeb: {  	s26 =	sadd.s32 @!p2 $0x0, s1;
	s1 =	simm.s32 @!p2 $0xCFA0;
	s6 =	sadd.s32 $0x1900, s8  }
.LBB2_2:
0xec: {  	[tilespmem:s1], [sflag:$0x3] =	stream.linear.gather @!p2 [hbm4b:s26+s30], $0x190, $0x38;
	[tilespmem:$0x19AC0] =	vst v63  }
0xed: {  	s29 =	simm.s32 $0x7  }
0xee: {  	_ =	swait.ge [sflag:s29], $0x1900  }
0xef: {  	s2 =	smov.u32 s5;
	[sflag:s29] =	ssyncset.done $0x0  }
0xf0: {  	[dreg:$0x10] =	wrdreg s2;
	[sflag:s29] =	ssyncadd.s32 $0xFFFFE700  }
0xf1: {  	_ =	swait.ge [sflag:s29], $0x1900  }
0xf2: {  	[sflag:s29] =	ssyncset.done $0x0  }
0xf3: {  	s19 =	simm.s32 $0x4;
	[sflag:s29] =	ssyncadd.s32 $0xFFFFE700  }
0xf4: {  	_ =	swait.ge [sflag:s19], $0x3200  }
0xf5: {  	s30 =	sadd.s32 s20, s0;
	[sflag:s19] =	ssyncset.done $0x0  }
0xf6: {  	s26 =	simm.s32 $0x3680;
	s0 =	sadd.s32 $0x640, s30;
	[sflag:s19] =	ssyncadd.s32 $0xFFFFCE00  }
0xf7: {  	[hbm4b:s0+s24] =	stream.linear.scatter [tilespmem:s26], [sflag:$0x7], $0x1900, $0x38;
	[tilespmem:$0x19AC0] =	vst v63  }
0xf8: {  	s12 =	simm.s32 $0x4F80;
	s31 =	simm.s32 $0x1;
	s11 =	sadd.s32 $0x960, s30  }
0xf9: {  	[hbm4b:s11+s24] =	stream.linear.scatter [tilespmem:s12], [sflag:$0x7], $0x1900, $0x38;
	[tilespmem:$0x19AC0] =	vst v63  }
0xfa: {  	_ =	swait.ge [sflag:s31], $0x190  }
0xfb: {  	[sflag:s31] =	ssyncset.done $0x0  }
0xfc: {  	s14 =	simm.s32 $0x160;
	s13 =	rddreg [dreg:$0xd];
	[sflag:s31] =	ssyncadd.s32 $0xFFFFFE70  }
0xfd: {  	s10 =	simm.s32 $0x190;
	s11 =	simm.s32 $0x480;
	s3 =	rddreg [dreg:$0x4]  }
0xfe: {  	[tilespmem:s11], [sflag:$0x4] =	stream.indirect.gather [spmem:s3], $0x20, s14, s10, $0xb8;
	[tilespmem:$0x19AC0] =	vst v63  }
0xff: {  	s4 =	simm.s32 $0x8;
	s12 =	simm.s32 $0x2F0;
	s0 =	sadd.s32 s5, s13  }
0x100: {  	[tilespmem:s12], [sflag:$0x1] =	stream.linear.gather [hbm4b:s0+s24], $0x190, $0x38;
	[tilespmem:$0x19AC0] =	vst v63  }
0x101: {  	s15 =	rddreg [dreg:$0xf];
	_ =	swait.ge [sflag:s4], $0x1900  }
0x102: {  	[sflag:s4] =	ssyncset.done $0x0  }
0x103: {  	[sflag:s4] =	ssyncadd.s32 $0xFFFFE700  }
0x104: {  	_ =	swait.ge [sflag:s4], $0x1900  }
0x105: {  	[sflag:s4] =	ssyncset.done $0x0  }
0x106: {  	s22 =	simm.s32 $0x5;
	[sflag:s4] =	ssyncadd.s32 $0xFFFFE700  }
0x107: {  	_ =	swait.ge [sflag:s22], $0x3200  }
0x108: {  	s0 =	sadd.s32 s20, s15;
	[sflag:s22] =	ssyncset.done $0x0  }
0x109: {  	s7 =	simm.s32 $0x9DA0;
	s16 =	sadd.s32 $0x640, s0;
	[sflag:s22] =	ssyncadd.s32 $0xFFFFCE00  }
0x10a: {  	[hbm4b:s16+s24] =	stream.linear.scatter [tilespmem:s7], [sflag:$0x8], $0x1900, $0x38;
	[tilespmem:$0x19AC0] =	vst v63  }
0x10b: {  	s21 =	simm.s32 $0xB6A0;
	s13 =	simm.s32 $0x2;
	s18 =	sadd.s32 $0x960, s0  }
0x10c: {  	[hbm4b:s18+s24] =	stream.linear.scatter [tilespmem:s21], [sflag:$0x8], $0x1900, $0x38;
	[tilespmem:$0x19AC0] =	vst v63  }
0x10d: {  	_ =	swait.ge [sflag:s13], $0x190  }
0x10e: {  	[sflag:s13] =	ssyncset.done $0x0  }
0x10f: {  	s25 =	rddreg [dreg:$0xc];
	[sflag:s13] =	ssyncadd.s32 $0xFFFFFE70  }
0x110: {  	s28 =	simm.s32 $0x6880;
	s14 =	simm.s32 $0x6BA0;
	s8 =	rddreg [dreg:$0x5]  }
0x111: {  	[tilespmem:s14], [sflag:$0x5] =	stream.indirect.gather [spmem:s8], $0x20, s28, s10, $0xb8;
	[tilespmem:$0x19AC0] =	vst v63  }
0x112: {  	s15 =	simm.s32 $0x6A10;
	s1 =	sadd.s32 s5, s25;
	s25 =	simm.s32 $0x9  }
0x113: {  	[tilespmem:s15], [sflag:$0x2] =	stream.linear.gather [hbm4b:s1+s24], $0x190, $0x38;
	[tilespmem:$0x19AC0] =	vst v63  }
0x114: {  	_ =	swait.ge [sflag:s25], $0x3200  }
0x115: {  	[sflag:s25] =	ssyncset.done $0x0  }
0x116: {  	[sflag:s25] =	ssyncadd.s32 $0xFFFFCE00  }
0x117: {  	_ =	swait.ge [sflag:s25], $0x3200  }
0x118: {  	[sflag:s25] =	ssyncset.done $0x0  }
0x119: {  	s28 =	simm.s32 $0x6;
	[sflag:s25] =	ssyncadd.s32 $0xFFFFCE00  }
0x11a: {  	s9 =	smov.u32 s23;
	_ =	swait.ge [sflag:s28], $0x6400  }
0x11b: {  	s20 =	smov.u32 s9;
	[sflag:s28] =	ssyncset.done $0x0  }
0x11c: {  	s9 =	sadd.s32 $0xFFFFF9C0, s6;
	s16 =	simm.s32 $0x136C0;
	[sflag:s28] =	ssyncadd.s32 $0xFFFF9C00  }
0x11d: {  	[hbm4b:s9+s24] =	stream.linear.scatter [tilespmem:s16], [sflag:$0x9], $0x3200, $0x38;
	[tilespmem:$0x19AC0] =	vst v63  }
0x11e: {  	s18 =	simm.s32 $0x168C0;
	s16 =	simm.s32 $0x3  }
0x11f: {  	[hbm4b:s6+s24] =	stream.linear.scatter [tilespmem:s18], [sflag:$0x9], $0x3200, $0x38;
	[tilespmem:$0x19AC0] =	vst v63  }
0x120: {  	_ =	swait.ge [sflag:s16], $0x190  }
0x121: {  	[sflag:s16] =	ssyncset.done $0x0  }
0x122: {  	s1 =	rddreg [dreg:$0xb];
	[sflag:s16] =	ssyncadd.s32 $0xFFFFFE70  }
0x123: {  	s21 =	simm.s32 $0xCFA0;
	s18 =	simm.s32 $0xD2C0;
	s9 =	rddreg [dreg:$0x6]  }
0x124: {  	[tilespmem:s18], [sflag:$0x6] =	stream.indirect.gather [spmem:s9], $0x40, s21, s10, $0xb8;
	[tilespmem:$0x19AC0] =	vst v63  }
0x125: {  	s1 =	sadd.s32 s5, s1;
	s21 =	simm.s32 $0xD130  }
0x126: {  	[tilespmem:s21], [sflag:$0x3] =	stream.linear.gather [hbm4b:s1+s24], $0x190, $0x38;
	[tilespmem:$0x19AC0] =	vst v63  }
0x127: {  	_ =	swait.ge [sflag:s29], $0x1900  }
0x128: {  	[sflag:s29] =	ssyncset.done $0x0  }
0x129: {  	[sflag:s29] =	ssyncadd.s32 $0xFFFFE700  }
0x12a: {  	_ =	swait.ge [sflag:s29], $0x1900  }
0x12b: {  	[sflag:s29] =	ssyncset.done $0x0  }
0x12c: {  	[sflag:s29] =	ssyncadd.s32 $0xFFFFE700  }
0x12d: {  	_ =	swait.ge [sflag:s19], $0x3200  }
0x12e: {  	[sflag:s19] =	ssyncset.done $0x0  }
0x12f: {  	s29 =	sadd.s32 $0xC80, s30;
	[sflag:s19] =	ssyncadd.s32 $0xFFFFCE00  }
0x130: {  	[hbm4b:s29+s24] =	stream.linear.scatter [tilespmem:s11], [sflag:$0x7], $0x1900, $0x38;
	[tilespmem:$0x19AC0] =	vst v63  }
0x131: {  	s2 =	sadd.s32 $0xFA0, s30;
	s11 =	simm.s32 $0x1D80  }
0x132: {  	[hbm4b:s2+s24] =	stream.linear.scatter [tilespmem:s11], [sflag:$0x7], $0x1900, $0x38;
	[tilespmem:$0x19AC0] =	vst v63  }
0x133: {  	_ =	swait.ge [sflag:s31], $0x190  }
0x134: {  	[sflag:s31] =	ssyncset.done $0x0  }
0x135: {  	p2 =	sgt.u32 s17, $0x1E;
	s1 =	rddreg [dreg:$0xa];
	[sflag:s31] =	ssyncadd.s32 $0xFFFFFE70  }
0x136: {  	[tilespmem:s26], [sflag:$0x4] =	stream.indirect.gather [spmem:s3], $0x20, s12, s10, $0xb8;
	[tilespmem:$0x19AC0] =	vst v63  }
0x137: {  	s30 =	simm.s32 @!p2 $0x0;
	s2 =	simm.s32 @!p2 $0x160;
	s1 =	sadd.s32 @!p2 s5, s1  }
0x138: {  	[tilespmem:s2], [sflag:$0x1] =	stream.linear.gather @!p2 [hbm4b:s1+s30], $0x190, $0x38;
	[tilespmem:$0x19AC0] =	vst v63  }
0x139: {  	_ =	swait.ge [sflag:s4], $0x1900  }
0x13a: {  	[sflag:s4] =	ssyncset.done $0x0  }
0x13b: {  	[sflag:s4] =	ssyncadd.s32 $0xFFFFE700  }
0x13c: {  	_ =	swait.ge [sflag:s4], $0x1900  }
0x13d: {  	[sflag:s4] =	ssyncset.done $0x0  }
0x13e: {  	[sflag:s4] =	ssyncadd.s32 $0xFFFFE700  }
0x13f: {  	_ =	swait.ge [sflag:s22], $0x3200  }
0x140: {  	[sflag:s22] =	ssyncset.done $0x0  }
0x141: {  	s19 =	sadd.s32 $0xC80, s0;
	[sflag:s22] =	ssyncadd.s32 $0xFFFFCE00  }
0x142: {  	[hbm4b:s19+s24] =	stream.linear.scatter [tilespmem:s14], [sflag:$0x8], $0x1900, $0x38;
	[tilespmem:$0x19AC0] =	vst v63  }
0x143: {  	s0 =	sadd.s32 $0xFA0, s0;
	s22 =	simm.s32 $0x84A0  }
0x144: {  	[hbm4b:s0+s24] =	stream.linear.scatter [tilespmem:s22], [sflag:$0x8], $0x1900, $0x38;
	[tilespmem:$0x19AC0] =	vst v63  }
0x145: {  	_ =	swait.ge [sflag:s13], $0x190  }
0x146: {  	[sflag:s13] =	ssyncset.done $0x0  }
0x147: {  	s0 =	rddreg [dreg:$0x9];
	[sflag:s13] =	ssyncadd.s32 $0xFFFFFE70  }
0x148: {  	[tilespmem:s7], [sflag:$0x5] =	stream.indirect.gather [spmem:s8], $0x20, s15, s10, $0xb8;
	[tilespmem:$0x19AC0] =	vst v63  }
0x149: {  	s1 =	simm.s32 @!p2 $0x6880;
	s0 =	sadd.s32 @!p2 s5, s0  }
0x14a: {  	[tilespmem:s1], [sflag:$0x2] =	stream.linear.gather @!p2 [hbm4b:s0+s30], $0x190, $0x38;
	[tilespmem:$0x19AC0] =	vst v63  }
0x14b: {  	_ =	swait.ge [sflag:s25], $0x3200  }
0x14c: {  	[sflag:s25] =	ssyncset.done $0x0  }
0x14d: {  	[sflag:s25] =	ssyncadd.s32 $0xFFFFCE00  }
0x14e: {  	_ =	swait.ge [sflag:s25], $0x3200  }
0x14f: {  	[sflag:s25] =	ssyncset.done $0x0  }
0x150: {  	[sflag:s25] =	ssyncadd.s32 $0xFFFFCE00  }
0x151: {  	_ =	swait.ge [sflag:s28], $0x6400  }
0x152: {  	[sflag:s28] =	ssyncset.done $0x0  }
0x153: {  	s26 =	sadd.s32 $0x640, s6;
	[sflag:s28] =	ssyncadd.s32 $0xFFFF9C00  }
0x154: {  	[hbm4b:s26+s24] =	stream.linear.scatter [tilespmem:s18], [sflag:$0x9], $0x3200, $0x38;
	[tilespmem:$0x19AC0] =	vst v63  }
0x155: {  	s23 =	sadd.s32 $0xC80, s23;
	s29 =	simm.s32 $0x104C0;
	s28 =	sadd.s32 $0xC80, s6  }
0x156: {  	[hbm4b:s28+s24] =	stream.linear.scatter [tilespmem:s29], [sflag:$0x9], $0x3200, $0x38;
	[tilespmem:$0x19AC0] =	vst v63  }
0x157: {  	p1 =	sne.s32 s23, $0x18380;
	_ =	swait.ge [sflag:s16], $0x190  }
.Ltmp0:
0x158: {  	s17 =	sadd.s32 $0x1, s17;
	s1 =	rddreg [dreg:$0x8];
	(pc) =	sbr.rel @p1 .LBB2_2-.Ltmp0, $4  }
0x159: {  	s31 =	simm.s32 $0x136C0;
	s5 =	sadd.s32 $0x64, s5;
	s0 =	rddreg [dreg:$0xe]  }
0x15a: {  	s6 =	sadd.s32 $0x1900, s6;
	[sflag:s16] =	ssyncset.done $0x0;
	s2 =	rddreg [dreg:$0x10]  }
0x15b: {  	[sflag:s16] =	ssyncadd.s32 $0xFFFFFE70;
	s26 =	sadd.s32 @!p2 s2, s1;
	s1 =	simm.s32 @!p2 $0xCFA0  }
0x15c: {  	[tilespmem:s31], [sflag:$0x6] =	stream.indirect.gather [spmem:s9], $0x40, s21, s10, $0xb8;
	[tilespmem:$0x19AC0] =	vst v63  }
0x15d: {  	[tilespmem:s1], [sflag:$0x3] =	stream.linear.gather @!p2 [hbm4b:s26+s30], $0x190, $0x38;
	[tilespmem:$0x19AC0] =	vst v63  }
0x15e: {  	s4 =	simm.s32 $0x7  }
0x15f: {  	_ =	swait.ge [sflag:s4], $0x1900  }
0x160: {  	[sflag:s4] =	ssyncset.done $0x0  }
0x161: {  	[sflag:s4] =	ssyncadd.s32 $0xFFFFE700  }
0x162: {  	_ =	swait.ge [sflag:s4], $0x1900  }
0x163: {  	[sflag:s4] =	ssyncset.done $0x0  }
0x164: {  	s25 =	simm.s32 $0x4;
	[sflag:s4] =	ssyncadd.s32 $0xFFFFE700  }
0x165: {  	_ =	swait.ge [sflag:s25], $0x3200  }
0x166: {  	s23 =	sadd.s32 s20, s0;
	[sflag:s25] =	ssyncset.done $0x0  }
0x167: {  	s21 =	simm.s32 $0x3680;
	s0 =	sadd.s32 $0x640, s23;
	[sflag:s25] =	ssyncadd.s32 $0xFFFFCE00  }
0x168: {  	[hbm4b:s0+s24] =	stream.linear.scatter [tilespmem:s21], [sflag:$0x7], $0x1900, $0x38;
	[tilespmem:$0x19AC0] =	vst v63  }
0x169: {  	s14 =	simm.s32 $0x4F80;
	s28 =	simm.s32 $0x1;
	s13 =	sadd.s32 $0x960, s23  }
0x16a: {  	[hbm4b:s13+s24] =	stream.linear.scatter [tilespmem:s14], [sflag:$0x7], $0x1900, $0x38;
	[tilespmem:$0x19AC0] =	vst v63  }
0x16b: {  	_ =	swait.ge [sflag:s28], $0x190  }
0x16c: {  	[sflag:s28] =	ssyncset.done $0x0  }
0x16d: {  	s16 =	simm.s32 $0x160;
	s15 =	rddreg [dreg:$0xd];
	[sflag:s28] =	ssyncadd.s32 $0xFFFFFE70  }
0x16e: {  	s11 =	simm.s32 $0x480;
	s10 =	simm.s32 $0x190;
	s2 =	rddreg [dreg:$0x4]  }
0x16f: {  	[tilespmem:s11], [sflag:$0x4] =	stream.indirect.gather [spmem:s2], $0x20, s16, s10, $0xb8;
	[tilespmem:$0x19AC0] =	vst v63  }
0x170: {  	s12 =	simm.s32 $0x2F0;
	s29 =	simm.s32 $0x8;
	s0 =	sadd.s32 s5, s15  }
0x171: {  	[tilespmem:s12], [sflag:$0x1] =	stream.linear.gather [hbm4b:s0+s24], $0x190, $0x38;
	[tilespmem:$0x19AC0] =	vst v63  }
0x172: {  	s18 =	rddreg [dreg:$0xf];
	_ =	swait.ge [sflag:s29], $0x1900  }
0x173: {  	[sflag:s29] =	ssyncset.done $0x0  }
0x174: {  	[sflag:s29] =	ssyncadd.s32 $0xFFFFE700  }
0x175: {  	_ =	swait.ge [sflag:s29], $0x1900  }
0x176: {  	[sflag:s29] =	ssyncset.done $0x0  }
0x177: {  	s19 =	simm.s32 $0x5;
	[sflag:s29] =	ssyncadd.s32 $0xFFFFE700  }
0x178: {  	_ =	swait.ge [sflag:s19], $0x3200  }
0x179: {  	s0 =	sadd.s32 s20, s18;
	[sflag:s19] =	ssyncset.done $0x0  }
0x17a: {  	s7 =	simm.s32 $0x9DA0;
	s22 =	sadd.s32 $0x640, s0;
	[sflag:s19] =	ssyncadd.s32 $0xFFFFCE00  }
0x17b: {  	[hbm4b:s22+s24] =	stream.linear.scatter [tilespmem:s7], [sflag:$0x8], $0x1900, $0x38;
	[tilespmem:$0x19AC0] =	vst v63  }
0x17c: {  	s30 =	simm.s32 $0xB6A0;
	s13 =	simm.s32 $0x2;
	s26 =	sadd.s32 $0x960, s0  }
0x17d: {  	[hbm4b:s26+s24] =	stream.linear.scatter [tilespmem:s30], [sflag:$0x8], $0x1900, $0x38;
	[tilespmem:$0x19AC0] =	vst v63  }
0x17e: {  	_ =	swait.ge [sflag:s13], $0x190  }
0x17f: {  	[sflag:s13] =	ssyncset.done $0x0  }
0x180: {  	s31 =	rddreg [dreg:$0xc];
	[sflag:s13] =	ssyncadd.s32 $0xFFFFFE70  }
0x181: {  	s8 =	simm.s32 $0x6880;
	s14 =	simm.s32 $0x6BA0;
	s3 =	rddreg [dreg:$0x5]  }
0x182: {  	[tilespmem:s14], [sflag:$0x5] =	stream.indirect.gather [spmem:s3], $0x20, s8, s10, $0xb8;
	[tilespmem:$0x19AC0] =	vst v63  }
0x183: {  	s15 =	simm.s32 $0x6A10;
	s1 =	sadd.s32 s5, s31;
	s31 =	simm.s32 $0x9  }
0x184: {  	[tilespmem:s15], [sflag:$0x2] =	stream.linear.gather [hbm4b:s1+s24], $0x190, $0x38;
	[tilespmem:$0x19AC0] =	vst v63  }
0x185: {  	_ =	swait.ge [sflag:s31], $0x3200  }
0x186: {  	[sflag:s31] =	ssyncset.done $0x0  }
0x187: {  	[sflag:s31] =	ssyncadd.s32 $0xFFFFCE00  }
0x188: {  	_ =	swait.ge [sflag:s31], $0x3200  }
0x189: {  	[sflag:s31] =	ssyncset.done $0x0  }
0x18a: {  	s20 =	simm.s32 $0x6;
	[sflag:s31] =	ssyncadd.s32 $0xFFFFCE00  }
0x18b: {  	_ =	swait.ge [sflag:s20], $0x6400  }
0x18c: {  	[sflag:s20] =	ssyncset.done $0x0  }
0x18d: {  	s9 =	sadd.s32 $0xFFFFF9C0, s6;
	s22 =	simm.s32 $0x136C0;
	[sflag:s20] =	ssyncadd.s32 $0xFFFF9C00  }
0x18e: {  	[hbm4b:s9+s24] =	stream.linear.scatter [tilespmem:s22], [sflag:$0x9], $0x3200, $0x38;
	[tilespmem:$0x19AC0] =	vst v63  }
0x18f: {  	s16 =	simm.s32 $0x3;
	s26 =	simm.s32 $0x168C0  }
0x190: {  	[hbm4b:s6+s24] =	stream.linear.scatter [tilespmem:s26], [sflag:$0x9], $0x3200, $0x38;
	[tilespmem:$0x19AC0] =	vst v63  }
0x191: {  	_ =	swait.ge [sflag:s16], $0x190  }
0x192: {  	[sflag:s16] =	ssyncset.done $0x0  }
0x193: {  	s1 =	rddreg [dreg:$0xb];
	[sflag:s16] =	ssyncadd.s32 $0xFFFFFE70  }
0x194: {  	s18 =	simm.s32 $0xD2C0;
	s9 =	simm.s32 $0xCFA0;
	s8 =	rddreg [dreg:$0x6]  }
0x195: {  	[tilespmem:s18], [sflag:$0x6] =	stream.indirect.gather [spmem:s8], $0x40, s9, s10, $0xb8;
	[tilespmem:$0x19AC0] =	vst v63  }
0x196: {  	s1 =	sadd.s32 s5, s1;
	s9 =	simm.s32 $0xD130  }
0x197: {  	[tilespmem:s9], [sflag:$0x3] =	stream.linear.gather [hbm4b:s1+s24], $0x190, $0x38;
	[tilespmem:$0x19AC0] =	vst v63  }
0x198: {  	_ =	swait.ge [sflag:s4], $0x1900  }
0x199: {  	[sflag:s4] =	ssyncset.done $0x0  }
0x19a: {  	[sflag:s4] =	ssyncadd.s32 $0xFFFFE700  }
0x19b: {  	_ =	swait.ge [sflag:s4], $0x1900  }
0x19c: {  	[sflag:s4] =	ssyncset.done $0x0  }
0x19d: {  	[sflag:s4] =	ssyncadd.s32 $0xFFFFE700  }
0x19e: {  	_ =	swait.ge [sflag:s25], $0x3200  }
0x19f: {  	[sflag:s25] =	ssyncset.done $0x0  }
0x1a0: {  	s1 =	sadd.s32 $0xC80, s23;
	[sflag:s25] =	ssyncadd.s32 $0xFFFFCE00  }
0x1a1: {  	[hbm4b:s1+s24] =	stream.linear.scatter [tilespmem:s11], [sflag:$0x7], $0x1900, $0x38;
	[tilespmem:$0x19AC0] =	vst v63  }
0x1a2: {  	s11 =	sadd.s32 $0xFA0, s23;
	s23 =	simm.s32 $0x1D80  }
0x1a3: {  	[hbm4b:s11+s24] =	stream.linear.scatter [tilespmem:s23], [sflag:$0x7], $0x1900, $0x38;
	[tilespmem:$0x19AC0] =	vst v63  }
0x1a4: {  	_ =	swait.ge [sflag:s28], $0x190  }
0x1a5: {  	[sflag:s28] =	ssyncset.done $0x0  }
0x1a6: {  	p1 =	sgt.u32 s17, $0x1E;
	s1 =	rddreg [dreg:$0xa];
	[sflag:s28] =	ssyncadd.s32 $0xFFFFFE70  }
0x1a7: {  	[tilespmem:s21], [sflag:$0x4] =	stream.indirect.gather [spmem:s2], $0x20, s12, s10, $0xb8;
	[tilespmem:$0x19AC0] =	vst v63  }
0x1a8: {  	s17 =	simm.s32 @!p1 $0x160;
	s1 =	sadd.s32 @!p1 s5, s1;
	s2 =	simm.s32 @!p1 $0x0  }
0x1a9: {  	[tilespmem:s17], [sflag:$0x1] =	stream.linear.gather @!p1 [hbm4b:s1+s2], $0x190, $0x38;
	[tilespmem:$0x19AC0] =	vst v63  }
0x1aa: {  	_ =	swait.ge [sflag:s29], $0x1900  }
0x1ab: {  	[sflag:s29] =	ssyncset.done $0x0  }
0x1ac: {  	[sflag:s29] =	ssyncadd.s32 $0xFFFFE700  }
0x1ad: {  	_ =	swait.ge [sflag:s29], $0x1900  }
0x1ae: {  	[sflag:s29] =	ssyncset.done $0x0  }
0x1af: {  	[sflag:s29] =	ssyncadd.s32 $0xFFFFE700  }
0x1b0: {  	_ =	swait.ge [sflag:s19], $0x3200  }
0x1b1: {  	[sflag:s19] =	ssyncset.done $0x0  }
0x1b2: {  	s11 =	sadd.s32 $0xC80, s0;
	[sflag:s19] =	ssyncadd.s32 $0xFFFFCE00  }
0x1b3: {  	[hbm4b:s11+s24] =	stream.linear.scatter [tilespmem:s14], [sflag:$0x8], $0x1900, $0x38;
	[tilespmem:$0x19AC0] =	vst v63  }
0x1b4: {  	s0 =	sadd.s32 $0xFA0, s0;
	s12 =	simm.s32 $0x84A0  }
0x1b5: {  	[hbm4b:s0+s24] =	stream.linear.scatter [tilespmem:s12], [sflag:$0x8], $0x1900, $0x38;
	[tilespmem:$0x19AC0] =	vst v63  }
0x1b6: {  	_ =	swait.ge [sflag:s13], $0x190  }
0x1b7: {  	[sflag:s13] =	ssyncset.done $0x0  }
0x1b8: {  	s0 =	rddreg [dreg:$0x9];
	[sflag:s13] =	ssyncadd.s32 $0xFFFFFE70  }
0x1b9: {  	[tilespmem:s7], [sflag:$0x5] =	stream.indirect.gather [spmem:s3], $0x20, s15, s10, $0xb8;
	[tilespmem:$0x19AC0] =	vst v63  }
0x1ba: {  	s1 =	simm.s32 @!p1 $0x6880;
	s0 =	sadd.s32 @!p1 s5, s0  }
0x1bb: {  	[tilespmem:s1], [sflag:$0x2] =	stream.linear.gather @!p1 [hbm4b:s0+s2], $0x190, $0x38;
	[tilespmem:$0x19AC0] =	vst v63  }
0x1bc: {  	_ =	swait.ge [sflag:s31], $0x3200  }
0x1bd: {  	[sflag:s31] =	ssyncset.done $0x0  }
0x1be: {  	[sflag:s31] =	ssyncadd.s32 $0xFFFFCE00  }
0x1bf: {  	_ =	swait.ge [sflag:s31], $0x3200  }
0x1c0: {  	[sflag:s31] =	ssyncset.done $0x0  }
0x1c1: {  	[sflag:s31] =	ssyncadd.s32 $0xFFFFCE00  }
0x1c2: {  	_ =	swait.ge [sflag:s20], $0x6400  }
0x1c3: {  	[sflag:s20] =	ssyncset.done $0x0  }
0x1c4: {  	s13 =	sadd.s32 $0x640, s6;
	[sflag:s20] =	ssyncadd.s32 $0xFFFF9C00  }
0x1c5: {  	[hbm4b:s13+s24] =	stream.linear.scatter [tilespmem:s18], [sflag:$0x9], $0x3200, $0x38;
	[tilespmem:$0x19AC0] =	vst v63  }
0x1c6: {  	s14 =	sadd.s32 $0xC80, s6;
	s15 =	simm.s32 $0x104C0  }
0x1c7: {  	[hbm4b:s14+s24] =	stream.linear.scatter [tilespmem:s15], [sflag:$0x9], $0x3200, $0x38;
	[tilespmem:$0x19AC0] =	vst v63  }
0x1c8: {  	_ =	swait.ge [sflag:s16], $0x190  }
0x1c9: {  	[sflag:s16] =	ssyncset.done $0x0  }
0x1ca: {  	s0 =	rddreg [dreg:$0x8];
	[sflag:s16] =	ssyncadd.s32 $0xFFFFFE70  }
0x1cb: {  	[tilespmem:s22], [sflag:$0x6] =	stream.indirect.gather [spmem:s8], $0x40, s9, s10, $0xb8;
	[tilespmem:$0x19AC0] =	vst v63  }
0x1cc: {  	s1 =	simm.s32 @!p1 $0xCFA0;
	s0 =	sadd.s32 @!p1 s5, s0  }
0x1cd: {  	[tilespmem:s1], [sflag:$0x3] =	stream.linear.gather @!p1 [hbm4b:s0+s2], $0x190, $0x38;
	[tilespmem:$0x19AC0] =	vst v63  }
0x1ce: {  	_ =	swait.ge [sflag:s25], $0x3200  }
0x1cf: {  	s16 =	sld [smem:$0x7F5]  }
0x1d0: {  	[sflag:s25] =	ssyncset.done $0x0  }
0x1d1: {  	s17 =	sld [smem:$0x7F7];
	[sflag:s25] =	ssyncadd.s32 $0xFFFFCE00  }
0x1d2: {  	[hbm4b:s16+s24] =	stream.linear.scatter [tilespmem:s21], [sflag:$0x7], $0x1900, $0x38;
	[tilespmem:$0x19AC0] =	vst v63  }
0x1d3: {  	s18 =	simm.s32 $0x4F80  }
0x1d4: {  	[hbm4b:s17+s24] =	stream.linear.scatter [tilespmem:s18], [sflag:$0x7], $0x1900, $0x38;
	[tilespmem:$0x19AC0] =	vst v63  }
0x1d5: {  	_ =	swait.ge [sflag:s4], $0x1900  }
0x1d6: {  	[sflag:s4] =	ssyncset.done $0x0  }
0x1d7: {  	[sflag:s4] =	ssyncadd.s32 $0xFFFFE700  }
0x1d8: {  	_ =	swait.ge [sflag:s4], $0x1900  }
0x1d9: {  	[sflag:s4] =	ssyncset.done $0x0  }
0x1da: {  	[sflag:s4] =	ssyncadd.s32 $0xFFFFE700  }
0x1db: {  	_ =	swait.ge [sflag:s4], $0x1900  }
0x1dc: {  	[sflag:s4] =	ssyncset.done $0x0  }
0x1dd: {  	[sflag:s4] =	ssyncadd.s32 $0xFFFFE700  }
0x1de: {  	_ =	swait.ge [sflag:s4], $0x1900  }
0x1df: {  	[sflag:s4] =	ssyncset.done $0x0  }
0x1e0: {  	[sflag:s4] =	ssyncadd.s32 $0xFFFFE700  }
0x1e1: {  	_ =	swait.ge [sflag:s19], $0x3200  }
0x1e2: {  	s21 =	sld [smem:$0x7F6]  }
0x1e3: {  	[sflag:s19] =	ssyncset.done $0x0  }
0x1e4: {  	s23 =	sld [smem:$0x7F8];
	[sflag:s19] =	ssyncadd.s32 $0xFFFFCE00  }
0x1e5: {  	[hbm4b:s21+s24] =	stream.linear.scatter [tilespmem:s7], [sflag:$0x8], $0x1900, $0x38;
	[tilespmem:$0x19AC0] =	vst v63  }
0x1e6: {  	_ = 	snop  }
0x1e7: {  	[hbm4b:s23+s24] =	stream.linear.scatter [tilespmem:s30], [sflag:$0x8], $0x1900, $0x38;
	[tilespmem:$0x19AC0] =	vst v63  }
0x1e8: {  	_ =	swait.ge [sflag:s29], $0x1900  }
0x1e9: {  	[sflag:s29] =	ssyncset.done $0x0  }
0x1ea: {  	[sflag:s29] =	ssyncadd.s32 $0xFFFFE700  }
0x1eb: {  	_ =	swait.ge [sflag:s29], $0x1900  }
0x1ec: {  	[sflag:s29] =	ssyncset.done $0x0  }
0x1ed: {  	[sflag:s29] =	ssyncadd.s32 $0xFFFFE700  }
0x1ee: {  	_ =	swait.ge [sflag:s29], $0x1900  }
0x1ef: {  	[sflag:s29] =	ssyncset.done $0x0  }
0x1f0: {  	[sflag:s29] =	ssyncadd.s32 $0xFFFFE700  }
0x1f1: {  	_ =	swait.ge [sflag:s29], $0x1900  }
0x1f2: {  	[sflag:s29] =	ssyncset.done $0x0  }
0x1f3: {  	[sflag:s29] =	ssyncadd.s32 $0xFFFFE700  }
0x1f4: {  	_ =	swait.ge [sflag:s20], $0x6400  }
0x1f5: {  	[sflag:s20] =	ssyncset.done $0x0  }
0x1f6: {  	s25 =	rddreg [dreg:$0x1c];
	[sflag:s20] =	ssyncadd.s32 $0xFFFF9C00  }
0x1f7: {  	[hbm4b:s25+s24] =	stream.linear.scatter [tilespmem:s22], [sflag:$0x9], $0x3200, $0x38;
	[tilespmem:$0x19AC0] =	vst v63  }
0x1f8: {  	s28 =	rddreg [dreg:$0x1d]  }
0x1f9: {  	[hbm4b:s28+s24] =	stream.linear.scatter [tilespmem:s26], [sflag:$0x9], $0x3200, $0x38;
	[tilespmem:$0x19AC0] =	vst v63  }
0x1fa: {  	_ =	swait.ge [sflag:s31], $0x3200  }
0x1fb: {  	[sflag:s31] =	ssyncset.done $0x0  }
0x1fc: {  	[sflag:s31] =	ssyncadd.s32 $0xFFFFCE00  }
0x1fd: {  	_ =	swait.ge [sflag:s31], $0x3200  }
0x1fe: {  	[sflag:s31] =	ssyncset.done $0x0  }
0x1ff: {  	[sflag:s31] =	ssyncadd.s32 $0xFFFFCE00  }
0x200: {  	_ =	swait.ge [sflag:s31], $0x3200  }
0x201: {  	[sflag:s31] =	ssyncset.done $0x0  }
0x202: {  	[sflag:s31] =	ssyncadd.s32 $0xFFFFCE00  }
0x203: {  	_ =	swait.ge [sflag:s31], $0x3200  }
0x204: {  	s29 =	sld [smem:$0x7F2]  }
0x205: {  	s30 =	sld [smem:$0x7FC];
	_ =	sdelay $0x1  }
0x206: {  	s1 =	sadd.s32 $0x1, s29  }
0x207: {  	p1 =	sne.s32 s1, s30  }
.Ltmp1:
0x208: {  	_ = 	snop;
	(pc) =	sbr.rel @p1 .LBB2_1-.Ltmp1, $3  }
0x209: {  	_ =	sdelay $0x1  }
0x20a: {  	[sflag:s31] =	ssyncset.done $0x0  }
0x20b: {  	[sflag:s31] =	ssyncadd.s32 $0xFFFFCE00  }
0x20c: {  	_ =	sfence.sel $0x180000  }
0x20d: {  	[bflag:$0x0] =	sbarrier.arrive $0xFFFF  }
0x20e: {  	_ =	strace $0x90000047  }
0x20f: {  	[bflag:$0x2] =	sbarrier.arrive $0xFFFF  }
0x210: {  	s0 =	rddreg [dreg:$0x7]  }
0x211: {  	s0 =	sadd.s32 @!p0 $0x100000, s0  }
0x212: {  	[sflag:s0] =	ssyncadd.tile.s32 @!p0 $0x1;
	_ =	shalt  }
.Lfunc_end2:
_tile_overlayer_lowered:
.L_overlay_start_2:
0x213: {  	(tag) =	ssettag $0x2  }
0x214: {  	s0 =	rddreg [dreg:$0x0];
	s2 =	stileid.u32  }
0x215: {  	s1 =	rddreg [dreg:$0x1];
	p0 =	sne.s32 s2, $0x0  }
0x216: {  	s3 =	rddreg [dreg:$0x2];
	[bflag:$0x3] =	sbarrier.arrive $0xFFFF;
	s2 =	simm.s32 @!p0 $0x1C0B  }
0x217: {  	[timem:s3], [sflag:s2] =	dma.local @!p0 [hbm:s0], s1  }
0x218: {  	s0 =	simm.s32 @!p0 $0xB  }
0x219: {  	_ =	swait.ge @!p0 [sflag:s0], s1  }
0x21a: {  	s1 =	ssub.s32 @!p0 $0x0, s1;
	[sflag:s0] =	ssyncset.done @!p0 $0x0  }
0x21b: {  	[sflag:s0] =	ssyncadd.s32 @!p0 s1  }
0x21c: {  	[bflag:$0x3] =	sbarrier.arrive $0xFFFF  }
0x21d: {  	_ =	shalt  }

// kernel: sparse-core-data-format-call.1.cloned.1.call-start
scs
called_computation.1_lowered:
.L_overlay_start_0:
0x0: {  	s2 =	sld [smem:$0x3FD9]  }
0x1: {  	s3 =	sld [smem:$0x3FFE];
	_ =	sdelay $0x1  }
0x2: {  	s1 =	srdreg.scid  }
0x3: {  	s0 =	sand.u32 $0x1, s1  }
0x4: {  	s15 =	sshll.u32 s0, $0xA;
	s2 =	sadd.s32 s3, s2  }
0x5: {  	s2 =	sadd.s32 s2, s15  }
0x6: {  	[smem:$0x3FC2] =	sst s2  }
0x7: {  	_ = 	snop  }
0x8: {  	s2 =	sld [smem:$0x3FD0];
	_ =	sdelay $0x2  }
0x9: {  	s16 =	simm.s32 $0xC;
	s4 =	simm.s32 $0x10  }
0xa: {  	[smem:s4], [sflag:s16] =	dma.local [hbm:s2], $0x1  }
0xb: {  	_ =	swait.eq [sflag:s16], $0x1  }
0xc: {  	[sflag:s16] =	ssyncset.done $0x0  }
0xd: {  	[sflag:s16] =	ssyncadd.s32 $0xFFFFFFFF  }
0xe: {  	s17 =	sld [smem:$0x11];
	(tm) =	ssettm $0x1  }
0xf: {  	s18 =	sld [smem:$0x3FFB];
	_ =	sdelay $0x3  }
0x10: {  	_ =	strace s18  }
0x11: {  	s3 =	sld [smem:$0x3FFC];
	_ =	sdelay $0x3  }
0x12: {  	_ =	strace s3  }
0x13: {  	s3 =	sld [smem:$0x3FFD];
	_ =	sdelay $0x3  }
0x14: {  	_ =	strace s3  }
0x15: {  	_ =	strace $0x8FFFFFFF  }
0x16: {  	s19 =	sld [smem:$0x3FDB];
	_ =	sdelay $0x1  }
0x17: {  	s20 =	simm.s32 $_scs_section_size  }
0x18: {  	s5 =	simm.s32 $_size__tile_overlayer_lowered;
	s6 =	simm.s32 $_tile_overlayer_lowered  }
0x19: {  	s23 =	simm.s32 $0x1BFF;
	s22 =	sshll.u32 s6, $0x1;
	s3 =	sadd.s32 s20, s19  }
0x1a: {  	s7 =	simm.s32 $0x0;
	s21 =	sshll.u32 s5, $0x1;
	s5 =	sadd.s32 s22, s3  }
0x1b: {  	[timem:s7], [sflag:s23] =	dma.local [hbm:s5], s21  }
0x1c: {  	_ =	swait.ge [sflag:s23], s21  }
0x1d: {  	s4 =	ssub.s32 $0x0, s21;
	[sflag:s23] =	ssyncset.done $0x0  }
0x1e: {  	[sflag:s23] =	ssyncadd.s32 s4;
	_ =	sdelay $0x1  }
0x1f: {  	s24 =	simm.s32 $0x1B8B  }
0x20: {  	_ =	swait.ge [sflag:s24], $0x1  }
0x21: {  	[sflag:s24] =	ssyncset.done $0x0  }
0x22: {  	s26 =	simm.s32 $0x1B8E;
	s25 =	sld [smem:$0x3FFE];
	[sflag:s24] =	ssyncadd.s32 $0xFFFFFFFF  }
0x23: {  	s27 =	simm.s32 $execute0_lowered;
	[smem:$0x3FD2] =	sst s26  }
0x24: {  	s5 =	sshll.u32 s27, $0x1;
	_ =	strace $0x80000049;
	[dreg:$0x1] =	wrdreg $0xFFFFFFFF  }
0x25: {  	s28 =	simm.s32 $_size_execute0_lowered;
	s3 =	sadd.s32 s3, s5;
	[dreg:$0x0] =	wrdreg $0x0  }
0x26: {  	s5 =	sshll.u32 s28, $0x1;
	[dreg:$0x2] =	wrdreg s3  }
0x27: {  	[dreg:$0x3] =	wrdreg s5  }
0x28: {  	[dreg:$0x4] =	wrdreg $0xC0  }
0x29: {  	_ =	task [dreg:s7], $0x5FFFF  }
0x2a: {  	[dreg:$0x1] =	wrdreg $0xFFFFFFFF  }
0x2b: {  	[dreg:$0x0] =	wrdreg $0x60  }
0x2c: {  	[dreg:$0x2] =	wrdreg s25  }
0x2d: {  	[dreg:$0x3] =	wrdreg s17  }
0x2e: {  	[dreg:$0x4] =	wrdreg $0xA  }
0x2f: {  	_ =	task.clear_ibuf [dreg:s7], $0x5FFFF;
	_ =	strace $0x90000049  }
0x30: {  	s29 =	simm.s32 $0xA;
	_ =	strace $0x8000004B  }
0x31: {  	_ =	swait.ge [sflag:s29], $0x1  }
0x32: {  	[sflag:s29] =	ssyncadd.s32 $0xFFFFFFFF  }
0x33: {  	_ =	strace $0x9000004B  }
0x34: {  	_ =	sfence  }
0x35: {  	s30 =	sld [smem:$0x0];
	_ =	sdelay $0x2  }
0x36: {  	s31 =	sshll.u32 s1, $0xD;
	s1 =	sshrl.u32 s1, $0x2  }
0x37: {  	s3 =	sand.u32 $0x4000, s31;
	s1 =	sadd.s32 s1, s30  }
0x38: {  	s0 =	sor.u32 s3, s0;
	s1 =	sshll.u32 s1, $0x11  }
0x39: {  	s0 =	sor.u32 s1, s0  }
0x3a: {  	s0 =	sadd.s32 $0x8F2B, s0  }
0x3b: {  	[sflag:s0] =	ssyncadd.remote.s32 $0x1  }
0x3c: {  	_ =	sfence.sel $0xFFFF  }
0x3d: {  	[dreg:$0x0] =	wrdreg $0xFFFFFFFF;
	(pc) =	sbr.abs _section_cstart, $3  }
0x3e: {  	[dreg:$0x1] =	wrdreg $0xFFFFFFFF  }
0x3f: {  	_ =	task.clear_ibuf [dreg:s7], $0x2FFFF;
	_ =	strace $0x9FFFFFFF  }
0x40: {  	(tm) =	ssettm $0x7FFFFFFF  }
0x41: {  	_ =	shalt  }
tec
execute0_lowered:
.L_overlay_start_1:
0x0: {  	(tag) =	ssettag $0x1  }
0x1: {  	s0 =	srdreg.scid  }
0x2: {  	s1 =	sshll.u32 s0, $0x4  }
0x3: {  	s0 =	stileid.u32;
	s1 =	sand.u32 $0x10, s1  }
0x4: {  	s1 =	sor.u32 s0, s1  }
0x5: {  	s6 =	rddreg [dreg:$0x0];
	s4 =	simm.s32 $0x1;
	s2 =	sshll.u32 s1, $0x7  }
0x6: {  	s7 =	simm.s32 $0x2;
	s12 =	simm.s32 $0x0;
	s1 =	ssub.s32 $0x1000, s2  }
0x7: {  	s8 =	simm.s32 $0x8000;
	s13 =	simm.s32 $0x0;
	s3 =	sand.u32 $0xF80, s1  }
0x8: {  	s9 =	simm.s32 $0x0;
	s5 =	sshrl.u32 s1, $0xC;
	p0 =	sne.s32 s3, $0x0  }
.Ltmp0:
0x9: {  	s1 =	rddreg [dreg:$0x2];
	s4 =	simm.s32 @!p0 $0x0;
	(pc) =	sbr.rel .LBB1_1-.Ltmp0, $4  }
0xa: {  	s11 =	simm.s32 $0x0;
	s3 =	rddreg [dreg:$0x1];
	s5 =	sadd.s32 s4, s5  }
0xb: {  	_ =	strace $0x8000004A;
	s4 =	simm.s32 $0x1;
	s5 =	smul.u32 $0xC8, s5  }
0xc: {  	s6 =	sadd.s32 $0x1400, s6;
	s10 =	smov.u32 s2;
	[sflag:s4] =	ssyncpa.u1 $0x0  }
0xd: {  	p0 =	por $0x0, $0x0;
	[sflag:s7] =	ssyncpa.u1 $0x0;
	s7 =	sor.u32 $0x1, s5  }
.LBB1_4:
0xe: {  	s16 =	sshll.u32 s13, $0x3;
	s17 =	sand.u32 $0x78, s13  }
0xf: {  	s30 =	sand.u32 $0x3E00, s13;
	s12 =	sshll.u32 s12, $0xE;
	s16 =	sand.u32 $0xC00, s16  }
0x10: {  	s31 =	sand.u32 $0x7, s13;
	s16 =	sor.u32 s17, s16;
	s17 =	sadd.s32 s3, s30  }
0x11: {  	s13 =	sshll.u32 s31, $0x12;
	s16 =	sshrl.u32 s16, $0x3;
	s12 =	sadd.s32 s12, s17  }
0x12: {  	[tilespmem:s15+$0x0 ss:$0x81] =	vst.msk $0xffff, v0;
	s13 =	sor.u32 $0x400, s13;
	s12 =	sadd.s32 s16, s12  }
0x13: {  	[hbm4b:s12+s13] =	stream.strided.scatter [tilespmem:s14], [sflag:$0x2], $0x1000, s8, s13, $0x20;
	[tilespmem:$0x4040] =	vst v63  }
.LBB1_5:
0x14: {  	s14 =	sadd.s32 $0x1, s9  }
0x15: {  	s12 =	sadd.s32 $0x1000, s10;
	s16 =	smov.u32 s10;
	p2 =	sgt.s32 s14, $0xC7  }
0x16: {  	s16 =	smov.u32 @p2 s12  }
0x17: {  	s14 =	simm.s32 @p2 $0x0;
	p2 =	sgt.s32 s16, $0xFFF  }
0x18: {  	s16 =	smov.u32 @p2 s2;
	p2 =	sne.s32 s11, s7  }
.Ltmp1:
0x19: {  	p1 =	slt.u32 s11, $0x2;
	(pc) =	sbr.rel @!p2 .LBB1_6-.Ltmp1, $4  }
0x1a: {  	s15 =	simm.s32 @!p1 $0x2  }
0x1b: {  	s13 =	smov.u32 s10;
	p0 =	por !p0, !p0;
	_ =	swait.ge @!p1 [sflag:s15], $0x1000  }
0x1c: {  	s12 =	smov.u32 s9;
	[sflag:s15] =	ssyncset.done @!p1 $0x0;
	s9 =	smov.u32 s14  }
0x1d: {  	s11 =	sadd.s32 $0x1, s11;
	[sflag:s15] =	ssyncadd.s32 @!p1 $0xFFFFF000;
	s10 =	smov.u32 s16  }
.LBB1_1:
0x1e: {  	p1 =	sge.u32 s11, s5  }
0x1f: {  	s14 =	sand.u32 @!p1 $0x1FFFFFF, s9  }
0x20: {  	s15 =	smulhi.u32 @!p1 $0x147AE15, s14;
	_ =	sdelay $0x1  }
0x21: {  	s15 =	smul.u32 @!p1 $0xC8, s15  }
0x22: {  	s16 =	sxor.u32 @!p1 $0xFFFFFFFF, s11;
	s17 =	smul.u32 @!p1 $0xC80, s10  }
0x23: {  	s31 =	sadd.s32 $0xFFFFFFFF, s11;
	s16 =	sshll.u32 @!p1 s16, $0xC;
	s14 =	ssub.s32 @!p1 s14, s15  }
0x24: {  	s15 =	sand.u32 @!p1 $0x1000, s16;
	s16 =	sadd.s32 @!p1 s6, s17;
	s14 =	sshll.u32 @!p1 s14, $0x4  }
0x25: {  	s17 =	simm.s32 @!p1 $0x6400;
	s14 =	sadd.s32 @!p1 s14, s16;
	s16 =	simm.s32 @!p1 $0x20  }
0x26: {  	[tilespmem:s15], [sflag:$0x1] =	stream.strided.gather @!p1 [hbm4b:s14+s16], $0x1000, s17, s16, $0x38;
	[tilespmem:$0x4040] =	vst v63  }
0x27: {  	p1 =	sge.u32 s31, s5  }
.Ltmp2:
0x28: {  	_ = 	snop;
	(pc) =	sbr.rel @p1 .LBB1_5-.Ltmp2, $1  }
0x29: {  	_ =	sdelay $0x3  }
0x2a: {  	s14 =	simm.s32 $0x1  }
0x2b: {  	_ =	swait.ge [sflag:s4], $0x1000;
	s14 =	simm.s32 @!p0 $0x0  }
0x2c: {  	[sflag:s4] =	ssyncset.done $0x0;
	s15 =	sshll.u32 s14, $0xC  }
0x2d: {  	[sflag:s4] =	ssyncadd.s32 $0xFFFFF000;
	s18 =	sor.u32 $0x10, s15  }
0x2e: {  	s14 =	smul.u32 $0x4080, s14;
	v1 =	vld [tilespmem:s18+$0x0]  }
0x2f: {  	s30 =	sand.u32 $0x1, s11;
	v0 =	vld [tilespmem:s18+$0xFFFFFFF0]  }
0x30: {  	s15 =	smul.u32 $0x4080, s30;
	s14 =	sshrl.u32 s14, $0x2  }
0x31: {  	s16 =	sor.u32 $0x2000, s14  }
0x32: {  	s31 =	sshrl.u32 s15, $0x2;
	s15 =	sadd.s32 $0x0, s16  }
0x33: {  	s17 =	simm.s32 $0x4;
	s18 =	sadd.s32 $0x20, s18;
	s14 =	sor.u32 $0x2000, s31;
	[tilespmem:s15+$0x810 ss:$0x81] =	vst.msk $0xffff, v1  }
.LBB1_3:
0x34: {  	v1 =	vld [tilespmem:s18+$0x0];
	p1 =	sne.s32 s17, $0x1FC;
	[tilespmem:s15+$0x0 ss:$0x81] =	vst.msk $0xffff, v0;
	s15 =	smov.u32 s17;
	s17 =	sadd.s32 $0x4, s17  }
.Ltmp3:
0x35: {  	v0 =	vld [tilespmem:s18+$0xFFFFFFF0];
	(pc) =	sbr.rel @p1 .LBB1_3-.Ltmp3, $4  }
0x36: {  	_ = 	snop  }
0x37: {  	s15 =	sshra.s32 s15, $0x2  }
0x38: {  	s15 =	sadd.s32 s15, s16  }
0x39: {  	s18 =	sadd.s32 $0x20, s18;
	[tilespmem:s15+$0x810 ss:$0x81] =	vst.msk $0xffff, v1  }
.Ltmp4:
0x3a: {  	_ = 	snop;
	(pc) =	sbr.rel .LBB1_4-.Ltmp4, $1  }
0x3b: {  	_ =	sdelay $0x3  }
.LBB1_6:
0x3c: {  	_ =	sfence.sel $0x180000  }
0x3d: {  	s2 =	simm.s32 $0x1;
	[bflag:$0x0] =	sbarrier.arrive $0xFFFF  }
0x3e: {  	s31 =	simm.s32 $0x2;
	[sflag:s2] =	ssyncpa.u1 $0x1  }
0x3f: {  	[sflag:s31] =	ssyncpa.u1 $0x1  }
0x40: {  	p0 =	sne.s32 s0, $0x0;
	_ =	strace $0x9000004A  }
0x41: {  	s0 =	sadd.s32 @!p0 $0x100000, s1;
	[bflag:$0x2] =	sbarrier.arrive $0xFFFF  }
0x42: {  	[sflag:s0] =	ssyncadd.tile.s32 @!p0 $0x1;
	_ =	shalt  }
.Lfunc_end1:
_tile_overlayer_lowered:
.L_overlay_start_2:
0x43: {  	(tag) =	ssettag $0x2  }
0x44: {  	s0 =	rddreg [dreg:$0x0];
	s2 =	stileid.u32  }
0x45: {  	s1 =	rddreg [dreg:$0x1];
	p0 =	sne.s32 s2, $0x0  }
0x46: {  	s3 =	rddreg [dreg:$0x2];
	[bflag:$0x3] =	sbarrier.arrive $0xFFFF;
	s2 =	simm.s32 @!p0 $0x1C01  }
0x47: {  	[timem:s3], [sflag:s2] =	dma.local @!p0 [hbm:s0], s1  }
0x48: {  	s0 =	simm.s32 @!p0 $0x1  }
0x49: {  	_ =	swait.ge @!p0 [sflag:s0], s1  }
0x4a: {  	s1 =	ssub.s32 @!p0 $0x0, s1;
	[sflag:s0] =	ssyncset.done @!p0 $0x0  }
0x4b: {  	[sflag:s0] =	ssyncadd.s32 @!p0 s1  }
0x4c: {  	[bflag:$0x3] =	sbarrier.arrive $0xFFFF  }
0x4d: {  	_ =	shalt  }

// kernel: sparse-core-data-format-call.2.cloned.1.call-start
scs
called_computation.2_lowered:
.L_overlay_start_0:
0x0: {  	s2 =	sld [smem:$0x3FD9]  }
0x1: {  	s3 =	sld [smem:$0x3FFE];
	_ =	sdelay $0x1  }
0x2: {  	s1 =	srdreg.scid  }
0x3: {  	s0 =	sand.u32 $0x1, s1  }
0x4: {  	s16 =	sshll.u32 s0, $0xA;
	s2 =	sadd.s32 s3, s2  }
0x5: {  	s2 =	sadd.s32 s2, s16  }
0x6: {  	[smem:$0x3FC2] =	sst s2  }
0x7: {  	_ = 	snop  }
0x8: {  	s2 =	sld [smem:$0x3FD0];
	_ =	sdelay $0x2  }
0x9: {  	s17 =	simm.s32 $0xC;
	s4 =	simm.s32 $0x10  }
0xa: {  	[smem:s4], [sflag:s17] =	dma.local [hbm:s2], $0x1  }
0xb: {  	_ =	swait.eq [sflag:s17], $0x1  }
0xc: {  	[sflag:s17] =	ssyncset.done $0x0  }
0xd: {  	[sflag:s17] =	ssyncadd.s32 $0xFFFFFFFF  }
0xe: {  	s18 =	sld [smem:$0x10];
	(tm) =	ssettm $0x1  }
0xf: {  	s19 =	sld [smem:$0x3FFB];
	_ =	sdelay $0x3  }
0x10: {  	_ =	strace s19  }
0x11: {  	s2 =	sld [smem:$0x3FFC];
	_ =	sdelay $0x3  }
0x12: {  	_ =	strace s2  }
0x13: {  	s2 =	sld [smem:$0x3FFD];
	_ =	sdelay $0x3  }
0x14: {  	_ =	strace s2  }
0x15: {  	_ =	strace $0x8FFFFFFF  }
0x16: {  	s20 =	sld [smem:$0x3FDB];
	_ =	sdelay $0x1  }
0x17: {  	s21 =	simm.s32 $_scs_section_size  }
0x18: {  	s5 =	simm.s32 $_size__tile_overlayer_lowered;
	s6 =	simm.s32 $_tile_overlayer_lowered  }
0x19: {  	s7 =	simm.s32 $0x1BFF;
	s22 =	sshll.u32 s6, $0x1;
	s4 =	sadd.s32 s21, s20  }
0x1a: {  	s23 =	simm.s32 $0x0;
	s5 =	sshll.u32 s5, $0x1;
	s6 =	sadd.s32 s22, s4  }
0x1b: {  	[timem:s23], [sflag:s7] =	dma.local [hbm:s6], s5  }
0x1c: {  	_ =	swait.ge [sflag:s7], s5  }
0x1d: {  	s5 =	ssub.s32 $0x0, s5;
	[sflag:s7] =	ssyncset.done $0x0  }
0x1e: {  	[sflag:s7] =	ssyncadd.s32 s5;
	_ =	sdelay $0x1  }
0x1f: {  	s24 =	simm.s32 $0x1B8B  }
0x20: {  	_ =	swait.ge [sflag:s24], $0x1  }
0x21: {  	[sflag:s24] =	ssyncset.done $0x0  }
0x22: {  	[sflag:s24] =	ssyncadd.s32 $0xFFFFFFFF  }
0x23: {  	s5 =	sld [smem:$0x0]  }
0x24: {  	s6 =	sand.u32 $0xFFFFFFFE, s1  }
0x25: {  	p0 =	sne.s32 s1, s6  }
0x26: {  	s6 =	sshll.u32 @p0 s6, $0xE  }
0x27: {  	s6 =	sadd.s32 @p0 $0x11B8D, s6;
	s7 =	sshll.u32 @p0 s5, $0x11  }
0x28: {  	s6 =	sor.u32 @p0 s7, s6  }
0x29: {  	[sflag:s6] =	ssyncadd.remote.s32 @p0 $0x1;
	_ =	sdelay $0x1  }
0x2a: {  	s6 =	simm.s32 @p0 $0x1B8D  }
0x2b: {  	_ =	swait.eq @p0 [sflag:s6], $0x1  }
0x2c: {  	[sflag:s6] =	ssyncadd.s32 @p0 $0xFFFFFFFF  }
0x2d: {  	s7 =	sshll.u32 @!p0 s1, $0xE  }
0x2e: {  	s7 =	sor.u32 @!p0 $0x4000, s7;
	s6 =	simm.s32 @!p0 $0x1B8D  }
0x2f: {  	s5 =	sshll.u32 @!p0 s5, $0x11;
	s7 =	sadd.s32 @!p0 $0x11B8D, s7;
	_ =	swait.eq @!p0 [sflag:s6], $0x1  }
0x30: {  	s5 =	sor.u32 @!p0 s5, s7;
	[sflag:s6] =	ssyncadd.s32 @!p0 $0xFFFFFFFF  }
0x31: {  	s26 =	simm.s32 $0x1B8E;
	s25 =	sld [smem:$0x3FFE];
	[sflag:s5] =	ssyncadd.remote.s32 @!p0 $0x1  }
0x32: {  	s27 =	simm.s32 $execute0_lowered;
	[smem:$0x3FD2] =	sst s26  }
0x33: {  	s6 =	sshll.u32 s27, $0x1;
	_ =	strace $0x8000004C;
	[dreg:$0x1] =	wrdreg $0xFFFFFFFF  }
0x34: {  	s28 =	simm.s32 $_size_execute0_lowered;
	s4 =	sadd.s32 s4, s6;
	[dreg:$0x0] =	wrdreg $0x0  }
0x35: {  	s6 =	sshll.u32 s28, $0x1;
	[dreg:$0x2] =	wrdreg s4  }
0x36: {  	[dreg:$0x3] =	wrdreg s6  }
0x37: {  	[dreg:$0x4] =	wrdreg $0xC0  }
0x38: {  	_ =	task [dreg:s23], $0x5FFFF  }
0x39: {  	[dreg:$0x1] =	wrdreg $0xFFFFFFFF  }
0x3a: {  	[dreg:$0x0] =	wrdreg $0x60  }
0x3b: {  	[dreg:$0x2] =	wrdreg s25  }
0x3c: {  	[dreg:$0x3] =	wrdreg s18  }
0x3d: {  	[dreg:$0x4] =	wrdreg $0xB  }
0x3e: {  	_ =	task.clear_ibuf [dreg:s23], $0x5FFFF;
	_ =	strace $0x9000004C  }
0x3f: {  	s29 =	simm.s32 $0xB;
	_ =	strace $0x8000004E  }
0x40: {  	_ =	swait.ge [sflag:s29], $0x1  }
0x41: {  	[sflag:s29] =	ssyncadd.s32 $0xFFFFFFFF  }
0x42: {  	_ =	strace $0x9000004E  }
0x43: {  	_ =	sfence  }
0x44: {  	s30 =	sld [smem:$0x0];
	_ =	sdelay $0x2  }
0x45: {  	s31 =	sshll.u32 s1, $0xD;
	s1 =	sshrl.u32 s1, $0x2  }
0x46: {  	s4 =	sand.u32 $0x4000, s31;
	s1 =	sadd.s32 s1, s30  }
0x47: {  	s0 =	sor.u32 s4, s0;
	s1 =	sshll.u32 s1, $0x11  }
0x48: {  	s0 =	sor.u32 s1, s0  }
0x49: {  	s0 =	sadd.s32 $0x8F2B, s0  }
0x4a: {  	[sflag:s0] =	ssyncadd.remote.s32 $0x1  }
0x4b: {  	_ =	sfence.sel $0xFFFF  }
0x4c: {  	[dreg:$0x0] =	wrdreg $0xFFFFFFFF;
	(pc) =	sbr.abs _section_cstart, $3  }
0x4d: {  	[dreg:$0x1] =	wrdreg $0xFFFFFFFF  }
0x4e: {  	_ =	task.clear_ibuf [dreg:s23], $0x2FFFF;
	_ =	strace $0x9FFFFFFF  }
0x4f: {  	(tm) =	ssettm $0x7FFFFFFF  }
tec
execute0_lowered:
.L_overlay_start_1:
0x0: {  	(tag) =	ssettag $0x1  }
0x1: {  	s0 =	srdreg.scid  }
0x2: {  	s1 =	sshll.u32 s0, $0x4  }
0x3: {  	s0 =	stileid.u32;
	s1 =	sand.u32 $0x10, s1  }
0x4: {  	s1 =	sor.u32 s0, s1  }
0x5: {  	s6 =	rddreg [dreg:$0x0];
	s4 =	simm.s32 $0x1;
	s2 =	sshll.u32 s1, $0x7  }
0x6: {  	s7 =	simm.s32 $0x2;
	s12 =	simm.s32 $0x0;
	s1 =	ssub.s32 $0x1000, s2  }
0x7: {  	s8 =	simm.s32 $0x8000;
	s13 =	simm.s32 $0x0;
	s3 =	sand.u32 $0xF80, s1  }
0x8: {  	s9 =	simm.s32 $0x0;
	s5 =	sshrl.u32 s1, $0xC;
	p0 =	sne.s32 s3, $0x0  }
.Ltmp0:
0x9: {  	s1 =	rddreg [dreg:$0x2];
	s4 =	simm.s32 @!p0 $0x0;
	(pc) =	sbr.rel .LBB1_1-.Ltmp0, $4  }
0xa: {  	s11 =	simm.s32 $0x0;
	s3 =	rddreg [dreg:$0x1];
	s5 =	sadd.s32 s4, s5  }
0xb: {  	_ =	strace $0x8000004D;
	s4 =	simm.s32 $0x1;
	s5 =	smul.u32 $0xC8, s5  }
0xc: {  	s6 =	sadd.s32 $0xC81400, s6;
	s10 =	smov.u32 s2;
	[sflag:s4] =	ssyncpa.u1 $0x0  }
0xd: {  	p0 =	por $0x0, $0x0;
	[sflag:s7] =	ssyncpa.u1 $0x0;
	s7 =	sor.u32 $0x1, s5  }
.LBB1_4:
0xe: {  	s16 =	sshll.u32 s13, $0x3;
	s17 =	sand.u32 $0x78, s13  }
0xf: {  	s30 =	sand.u32 $0x3E00, s13;
	s12 =	sshll.u32 s12, $0xE;
	s16 =	sand.u32 $0xC00, s16  }
0x10: {  	s31 =	sand.u32 $0x7, s13;
	s16 =	sor.u32 s17, s16;
	s17 =	sadd.s32 s3, s30  }
0x11: {  	s13 =	sshll.u32 s31, $0x12;
	s16 =	sshrl.u32 s16, $0x3;
	s12 =	sadd.s32 s12, s17  }
0x12: {  	[tilespmem:s15+$0x0 ss:$0x81] =	vst.msk $0xffff, v0;
	s13 =	sor.u32 $0x400, s13;
	s12 =	sadd.s32 s16, s12  }
0x13: {  	[hbm4b:s12+s13] =	stream.strided.scatter [tilespmem:s14], [sflag:$0x2], $0x1000, s8, s13, $0x20;
	[tilespmem:$0x4040] =	vst v63  }
.LBB1_5:
0x14: {  	s14 =	sadd.s32 $0x1, s9  }
0x15: {  	s12 =	sadd.s32 $0x1000, s10;
	s16 =	smov.u32 s10;
	p2 =	sgt.s32 s14, $0xC7  }
0x16: {  	s16 =	smov.u32 @p2 s12  }
0x17: {  	s14 =	simm.s32 @p2 $0x0;
	p2 =	sgt.s32 s16, $0xFFF  }
0x18: {  	s16 =	smov.u32 @p2 s2;
	p2 =	sne.s32 s11, s7  }
.Ltmp1:
0x19: {  	p1 =	slt.u32 s11, $0x2;
	(pc) =	sbr.rel @!p2 .LBB1_6-.Ltmp1, $4  }
0x1a: {  	s15 =	simm.s32 @!p1 $0x2  }
0x1b: {  	s13 =	smov.u32 s10;
	p0 =	por !p0, !p0;
	_ =	swait.ge @!p1 [sflag:s15], $0x1000  }
0x1c: {  	s12 =	smov.u32 s9;
	[sflag:s15] =	ssyncset.done @!p1 $0x0;
	s9 =	smov.u32 s14  }
0x1d: {  	s11 =	sadd.s32 $0x1, s11;
	[sflag:s15] =	ssyncadd.s32 @!p1 $0xFFFFF000;
	s10 =	smov.u32 s16  }
.LBB1_1:
0x1e: {  	p1 =	sge.u32 s11, s5  }
0x1f: {  	s14 =	sand.u32 @!p1 $0x1FFFFFF, s9  }
0x20: {  	s15 =	smulhi.u32 @!p1 $0x147AE15, s14;
	_ =	sdelay $0x1  }
0x21: {  	s15 =	smul.u32 @!p1 $0xC8, s15  }
0x22: {  	s16 =	sxor.u32 @!p1 $0xFFFFFFFF, s11;
	s17 =	smul.u32 @!p1 $0xC80, s10  }
0x23: {  	s31 =	sadd.s32 $0xFFFFFFFF, s11;
	s16 =	sshll.u32 @!p1 s16, $0xC;
	s14 =	ssub.s32 @!p1 s14, s15  }
0x24: {  	s15 =	sand.u32 @!p1 $0x1000, s16;
	s16 =	sadd.s32 @!p1 s6, s17;
	s14 =	sshll.u32 @!p1 s14, $0x4  }
0x25: {  	s17 =	simm.s32 @!p1 $0x6400;
	s14 =	sadd.s32 @!p1 s14, s16;
	s16 =	simm.s32 @!p1 $0x20  }
0x26: {  	[tilespmem:s15], [sflag:$0x1] =	stream.strided.gather @!p1 [hbm4b:s14+s16], $0x1000, s17, s16, $0x38;
	[tilespmem:$0x4040] =	vst v63  }
0x27: {  	p1 =	sge.u32 s31, s5  }
.Ltmp2:
0x28: {  	_ = 	snop;
	(pc) =	sbr.rel @p1 .LBB1_5-.Ltmp2, $1  }
0x29: {  	_ =	sdelay $0x3  }
0x2a: {  	s14 =	simm.s32 $0x1  }
0x2b: {  	_ =	swait.ge [sflag:s4], $0x1000;
	s14 =	simm.s32 @!p0 $0x0  }
0x2c: {  	[sflag:s4] =	ssyncset.done $0x0;
	s15 =	sshll.u32 s14, $0xC  }
0x2d: {  	[sflag:s4] =	ssyncadd.s32 $0xFFFFF000;
	s18 =	sor.u32 $0x10, s15  }
0x2e: {  	s14 =	smul.u32 $0x4080, s14;
	v1 =	vld [tilespmem:s18+$0x0]  }
0x2f: {  	s30 =	sand.u32 $0x1, s11;
	v0 =	vld [tilespmem:s18+$0xFFFFFFF0]  }
0x30: {  	s15 =	smul.u32 $0x4080, s30;
	s14 =	sshrl.u32 s14, $0x2  }
0x31: {  	s16 =	sor.u32 $0x2000, s14  }
0x32: {  	s31 =	sshrl.u32 s15, $0x2;
	s15 =	sadd.s32 $0x0, s16  }
0x33: {  	s17 =	simm.s32 $0x4;
	s18 =	sadd.s32 $0x20, s18;
	s14 =	sor.u32 $0x2000, s31;
	[tilespmem:s15+$0x810 ss:$0x81] =	vst.msk $0xffff, v1  }
.LBB1_3:
0x34: {  	v1 =	vld [tilespmem:s18+$0x0];
	p1 =	sne.s32 s17, $0x1FC;
	[tilespmem:s15+$0x0 ss:$0x81] =	vst.msk $0xffff, v0;
	s15 =	smov.u32 s17;
	s17 =	sadd.s32 $0x4, s17  }
.Ltmp3:
0x35: {  	v0 =	vld [tilespmem:s18+$0xFFFFFFF0];
	(pc) =	sbr.rel @p1 .LBB1_3-.Ltmp3, $4  }
0x36: {  	_ = 	snop  }
0x37: {  	s15 =	sshra.s32 s15, $0x2  }
0x38: {  	s15 =	sadd.s32 s15, s16  }
0x39: {  	s18 =	sadd.s32 $0x20, s18;
	[tilespmem:s15+$0x810 ss:$0x81] =	vst.msk $0xffff, v1  }
.Ltmp4:
0x3a: {  	_ = 	snop;
	(pc) =	sbr.rel .LBB1_4-.Ltmp4, $1  }
0x3b: {  	_ =	sdelay $0x3  }
.LBB1_6:
0x3c: {  	_ =	sfence.sel $0x180000  }
0x3d: {  	s2 =	simm.s32 $0x1;
	[bflag:$0x0] =	sbarrier.arrive $0xFFFF  }
0x3e: {  	s31 =	simm.s32 $0x2;
	[sflag:s2] =	ssyncpa.u1 $0x1  }
0x3f: {  	[sflag:s31] =	ssyncpa.u1 $0x1  }
0x40: {  	p0 =	sne.s32 s0, $0x0;
	_ =	strace $0x9000004D  }
0x41: {  	s0 =	sadd.s32 @!p0 $0x100000, s1;
	[bflag:$0x2] =	sbarrier.arrive $0xFFFF  }
0x42: {  	[sflag:s0] =	ssyncadd.tile.s32 @!p0 $0x1;
	_ =	shalt  }
.Lfunc_end1:
_tile_overlayer_lowered:
.L_overlay_start_2:
0x43: {  	(tag) =	ssettag $0x2  }
0x44: {  	s0 =	rddreg [dreg:$0x0];
	s2 =	stileid.u32  }
0x45: {  	s1 =	rddreg [dreg:$0x1];
	p0 =	sne.s32 s2, $0x0  }
0x46: {  	s3 =	rddreg [dreg:$0x2];
	[bflag:$0x3] =	sbarrier.arrive $0xFFFF;
	s2 =	simm.s32 @!p0 $0x1C01  }
0x47: {  	[timem:s3], [sflag:s2] =	dma.local @!p0 [hbm:s0], s1  }
0x48: {  	s0 =	simm.s32 @!p0 $0x1  }
0x49: {  	_ =	swait.ge @!p0 [sflag:s0], s1  }
0x4a: {  	s1 =	ssub.s32 @!p0 $0x0, s1;
	[sflag:s0] =	ssyncset.done @!p0 $0x0  }
0x4b: {  	[sflag:s0] =	ssyncadd.s32 @!p0 s1  }
0x4c: {  	[bflag:$0x3] =	sbarrier.arrive $0xFFFF  }
0x4d: {  	_ =	shalt  }

// kernel: sparse-core-data-format-call.cloned.1.call-start
scs
called_computation_lowered:
.L_overlay_start_0:
0x0: {  	s2 =	sld [smem:$0x3FD9]  }
0x1: {  	s3 =	sld [smem:$0x3FFE];
	_ =	sdelay $0x1  }
0x2: {  	s1 =	srdreg.scid  }
0x3: {  	s0 =	sand.u32 $0x1, s1  }
0x4: {  	s16 =	sshll.u32 s0, $0xA;
	s2 =	sadd.s32 s3, s2  }
0x5: {  	s2 =	sadd.s32 s2, s16  }
0x6: {  	[smem:$0x3FC2] =	sst s2  }
0x7: {  	_ = 	snop  }
0x8: {  	s2 =	sld [smem:$0x3FD0];
	_ =	sdelay $0x2  }
0x9: {  	s17 =	simm.s32 $0xC;
	s4 =	simm.s32 $0x10  }
0xa: {  	[smem:s4], [sflag:s17] =	dma.local [hbm:s2], $0x1  }
0xb: {  	_ =	swait.eq [sflag:s17], $0x1  }
0xc: {  	[sflag:s17] =	ssyncset.done $0x0  }
0xd: {  	[sflag:s17] =	ssyncadd.s32 $0xFFFFFFFF  }
0xe: {  	s18 =	sld [smem:$0x12];
	(tm) =	ssettm $0x1  }
0xf: {  	s19 =	sld [smem:$0x3FFB];
	_ =	sdelay $0x3  }
0x10: {  	_ =	strace s19  }
0x11: {  	s2 =	sld [smem:$0x3FFC];
	_ =	sdelay $0x3  }
0x12: {  	_ =	strace s2  }
0x13: {  	s2 =	sld [smem:$0x3FFD];
	_ =	sdelay $0x3  }
0x14: {  	_ =	strace s2  }
0x15: {  	_ =	strace $0x8FFFFFFF  }
0x16: {  	s20 =	sld [smem:$0x3FDB];
	_ =	sdelay $0x1  }
0x17: {  	s21 =	simm.s32 $_scs_section_size  }
0x18: {  	s5 =	simm.s32 $_size__tile_overlayer_lowered;
	s6 =	simm.s32 $_tile_overlayer_lowered  }
0x19: {  	s7 =	simm.s32 $0x1BFF;
	s22 =	sshll.u32 s6, $0x1;
	s4 =	sadd.s32 s21, s20  }
0x1a: {  	s23 =	simm.s32 $0x0;
	s5 =	sshll.u32 s5, $0x1;
	s6 =	sadd.s32 s22, s4  }
0x1b: {  	[timem:s23], [sflag:s7] =	dma.local [hbm:s6], s5  }
0x1c: {  	_ =	swait.ge [sflag:s7], s5  }
0x1d: {  	s5 =	ssub.s32 $0x0, s5;
	[sflag:s7] =	ssyncset.done $0x0  }
0x1e: {  	[sflag:s7] =	ssyncadd.s32 s5;
	_ =	sdelay $0x1  }
0x1f: {  	s24 =	simm.s32 $0x1B8B  }
0x20: {  	_ =	swait.ge [sflag:s24], $0x1  }
0x21: {  	[sflag:s24] =	ssyncset.done $0x0  }
0x22: {  	[sflag:s24] =	ssyncadd.s32 $0xFFFFFFFF  }
0x23: {  	s5 =	sld [smem:$0x0]  }
0x24: {  	s6 =	sand.u32 $0xFFFFFFFE, s1  }
0x25: {  	p0 =	sne.s32 s1, s6  }
0x26: {  	s6 =	sshll.u32 @p0 s6, $0xE  }
0x27: {  	s6 =	sadd.s32 @p0 $0x11B8D, s6;
	s7 =	sshll.u32 @p0 s5, $0x11  }
0x28: {  	s6 =	sor.u32 @p0 s7, s6  }
0x29: {  	[sflag:s6] =	ssyncadd.remote.s32 @p0 $0x1;
	_ =	sdelay $0x1  }
0x2a: {  	s6 =	simm.s32 @p0 $0x1B8D  }
0x2b: {  	_ =	swait.eq @p0 [sflag:s6], $0x1  }
0x2c: {  	[sflag:s6] =	ssyncadd.s32 @p0 $0xFFFFFFFF  }
0x2d: {  	s7 =	sshll.u32 @!p0 s1, $0xE  }
0x2e: {  	s7 =	sor.u32 @!p0 $0x4000, s7;
	s6 =	simm.s32 @!p0 $0x1B8D  }
0x2f: {  	s5 =	sshll.u32 @!p0 s5, $0x11;
	s7 =	sadd.s32 @!p0 $0x11B8D, s7;
	_ =	swait.eq @!p0 [sflag:s6], $0x1  }
0x30: {  	s5 =	sor.u32 @!p0 s5, s7;
	[sflag:s6] =	ssyncadd.s32 @!p0 $0xFFFFFFFF  }
0x31: {  	s26 =	simm.s32 $0x1B8E;
	s25 =	sld [smem:$0x3FFE];
	[sflag:s5] =	ssyncadd.remote.s32 @!p0 $0x1  }
0x32: {  	s27 =	simm.s32 $execute0_lowered;
	[smem:$0x3FD2] =	sst s26  }
0x33: {  	s6 =	sshll.u32 s27, $0x1;
	_ =	strace $0x8000004F;
	[dreg:$0x1] =	wrdreg $0xFFFFFFFF  }
0x34: {  	s28 =	simm.s32 $_size_execute0_lowered;
	s4 =	sadd.s32 s4, s6;
	[dreg:$0x0] =	wrdreg $0x0  }
0x35: {  	s6 =	sshll.u32 s28, $0x1;
	[dreg:$0x2] =	wrdreg s4  }
0x36: {  	[dreg:$0x3] =	wrdreg s6  }
0x37: {  	[dreg:$0x4] =	wrdreg $0xC0  }
0x38: {  	_ =	task [dreg:s23], $0x5FFFF  }
0x39: {  	[dreg:$0x1] =	wrdreg $0xFFFFFFFF  }
0x3a: {  	[dreg:$0x0] =	wrdreg $0x60  }
0x3b: {  	[dreg:$0x2] =	wrdreg s25  }
0x3c: {  	[dreg:$0x3] =	wrdreg s18  }
0x3d: {  	[dreg:$0x4] =	wrdreg $0x9  }
0x3e: {  	_ =	task.clear_ibuf [dreg:s23], $0x5FFFF;
	_ =	strace $0x9000004F  }
0x3f: {  	s29 =	simm.s32 $0x9;
	_ =	strace $0x80000051  }
0x40: {  	_ =	swait.ge [sflag:s29], $0x1  }
0x41: {  	[sflag:s29] =	ssyncadd.s32 $0xFFFFFFFF  }
0x42: {  	_ =	strace $0x90000051  }
0x43: {  	_ =	sfence  }
0x44: {  	s30 =	sld [smem:$0x0];
	_ =	sdelay $0x2  }
0x45: {  	s31 =	sshll.u32 s1, $0xD;
	s1 =	sshrl.u32 s1, $0x2  }
0x46: {  	s4 =	sand.u32 $0x4000, s31;
	s1 =	sadd.s32 s1, s30  }
0x47: {  	s0 =	sor.u32 s4, s0;
	s1 =	sshll.u32 s1, $0x11  }
0x48: {  	s0 =	sor.u32 s1, s0  }
0x49: {  	s0 =	sadd.s32 $0x8F2B, s0  }
0x4a: {  	[sflag:s0] =	ssyncadd.remote.s32 $0x1  }
0x4b: {  	_ =	sfence.sel $0xFFFF  }
0x4c: {  	[dreg:$0x0] =	wrdreg $0xFFFFFFFF;
	(pc) =	sbr.abs _section_cstart, $3  }
0x4d: {  	[dreg:$0x1] =	wrdreg $0xFFFFFFFF  }
0x4e: {  	_ =	task.clear_ibuf [dreg:s23], $0x2FFFF;
	_ =	strace $0x9FFFFFFF  }
0x4f: {  	(tm) =	ssettm $0x7FFFFFFF  }
tec
execute0_lowered:
.L_overlay_start_1:
0x0: {  	(tag) =	ssettag $0x1  }
0x1: {  	s0 =	srdreg.scid  }
0x2: {  	s1 =	sshll.u32 s0, $0x4  }
0x3: {  	s0 =	stileid.u32;
	s1 =	sand.u32 $0x10, s1  }
0x4: {  	s1 =	sor.u32 s0, s1  }
0x5: {  	s6 =	rddreg [dreg:$0x0];
	s4 =	simm.s32 $0x1;
	s2 =	sshll.u32 s1, $0x7  }
0x6: {  	s7 =	simm.s32 $0x2;
	s12 =	simm.s32 $0x0;
	s1 =	ssub.s32 $0x1000, s2  }
0x7: {  	s8 =	simm.s32 $0x8000;
	s13 =	simm.s32 $0x0;
	s3 =	sand.u32 $0xF80, s1  }
0x8: {  	s9 =	simm.s32 $0x0;
	s5 =	sshrl.u32 s1, $0xC;
	p0 =	sne.s32 s3, $0x0  }
.Ltmp0:
0x9: {  	s1 =	rddreg [dreg:$0x2];
	s4 =	simm.s32 @!p0 $0x0;
	(pc) =	sbr.rel .LBB1_1-.Ltmp0, $4  }
0xa: {  	s11 =	simm.s32 $0x0;
	s3 =	rddreg [dreg:$0x1];
	s5 =	sadd.s32 s4, s5  }
0xb: {  	_ =	strace $0x80000050;
	s4 =	simm.s32 $0x1;
	s5 =	smul.u32 $0xC8, s5  }
0xc: {  	s6 =	sadd.s32 $0x1901400, s6;
	s10 =	smov.u32 s2;
	[sflag:s4] =	ssyncpa.u1 $0x0  }
0xd: {  	p0 =	por $0x0, $0x0;
	[sflag:s7] =	ssyncpa.u1 $0x0;
	s7 =	sor.u32 $0x1, s5  }
.LBB1_4:
0xe: {  	s16 =	sshll.u32 s13, $0x3;
	s17 =	sand.u32 $0x78, s13  }
0xf: {  	s30 =	sand.u32 $0x7E00, s13;
	s12 =	sshll.u32 s12, $0xF;
	s16 =	sand.u32 $0xC00, s16  }
0x10: {  	[tilespmem:s15+$0x810 ss:$0x81] =	vst.msk $0xffff, v2;
	s31 =	sand.u32 $0x7, s13;
	s16 =	sor.u32 s17, s16;
	s17 =	sadd.s32 s3, s30  }
0x11: {  	[tilespmem:s15+$0x1020 ss:$0x81] =	vst.msk $0xffff, v0;
	s13 =	sshll.u32 s31, $0x12;
	s12 =	sadd.s32 s12, s17;
	s16 =	sshrl.u32 s16, $0x3  }
0x12: {  	[tilespmem:s15+$0x0 ss:$0x81] =	vst.msk $0xffff, v1;
	s13 =	sor.u32 $0x400, s13;
	s12 =	sadd.s32 s16, s12  }
0x13: {  	[hbm4b:s12+s13] =	stream.strided.scatter [tilespmem:s14], [sflag:$0x2], $0x2000, s8, s13, $0x20;
	[tilespmem:$0x8080] =	vst v63  }
.LBB1_5:
0x14: {  	s14 =	sadd.s32 $0x1, s9  }
0x15: {  	s12 =	sadd.s32 $0x1000, s10;
	s16 =	smov.u32 s10;
	p2 =	sgt.s32 s14, $0xC7  }
0x16: {  	s16 =	smov.u32 @p2 s12  }
0x17: {  	s14 =	simm.s32 @p2 $0x0;
	p2 =	sgt.s32 s16, $0xFFF  }
0x18: {  	s16 =	smov.u32 @p2 s2;
	p2 =	sne.s32 s11, s7  }
.Ltmp1:
0x19: {  	p1 =	slt.u32 s11, $0x2;
	(pc) =	sbr.rel @!p2 .LBB1_6-.Ltmp1, $4  }
0x1a: {  	s15 =	simm.s32 @!p1 $0x2  }
0x1b: {  	s13 =	smov.u32 s10;
	p0 =	por !p0, !p0;
	_ =	swait.ge @!p1 [sflag:s15], $0x2000  }
0x1c: {  	s12 =	smov.u32 s9;
	[sflag:s15] =	ssyncset.done @!p1 $0x0;
	s9 =	smov.u32 s14  }
0x1d: {  	s11 =	sadd.s32 $0x1, s11;
	[sflag:s15] =	ssyncadd.s32 @!p1 $0xFFFFE000;
	s10 =	smov.u32 s16  }
.LBB1_1:
0x1e: {  	p1 =	sge.u32 s11, s5  }
0x1f: {  	s14 =	sand.u32 @!p1 $0x1FFFFFF, s9  }
0x20: {  	s15 =	smulhi.u32 @!p1 $0x147AE15, s14;
	_ =	sdelay $0x1  }
0x21: {  	s15 =	smul.u32 @!p1 $0xC8, s15  }
0x22: {  	s16 =	sxor.u32 @!p1 $0xFFFFFFFF, s11;
	s17 =	smul.u32 @!p1 $0xC80, s10  }
0x23: {  	s31 =	sadd.s32 $0xFFFFFFFF, s11;
	s16 =	sshll.u32 @!p1 s16, $0xD;
	s14 =	ssub.s32 @!p1 s14, s15  }
0x24: {  	s15 =	sand.u32 @!p1 $0x2000, s16;
	s16 =	sadd.s32 @!p1 s6, s17;
	s14 =	sshll.u32 @!p1 s14, $0x4  }
0x25: {  	s17 =	simm.s32 @!p1 $0x6400;
	s14 =	sadd.s32 @!p1 s14, s16;
	s16 =	simm.s32 @!p1 $0x40  }
0x26: {  	[tilespmem:s15], [sflag:$0x1] =	stream.strided.gather @!p1 [hbm4b:s14+s16], $0x2000, s17, s16, $0x38;
	[tilespmem:$0x8080] =	vst v63  }
0x27: {  	p1 =	sge.u32 s31, s5  }
.Ltmp2:
0x28: {  	_ = 	snop;
	(pc) =	sbr.rel @p1 .LBB1_5-.Ltmp2, $1  }
0x29: {  	_ =	sdelay $0x3  }
0x2a: {  	s14 =	simm.s32 $0x1  }
0x2b: {  	_ =	swait.ge [sflag:s4], $0x2000;
	s14 =	simm.s32 @!p0 $0x0  }
0x2c: {  	[sflag:s4] =	ssyncset.done $0x0;
	s15 =	sshll.u32 s14, $0xD  }
0x2d: {  	[sflag:s4] =	ssyncadd.s32 $0xFFFFE000;
	s18 =	sor.u32 $0x20, s15  }
0x2e: {  	s14 =	smul.u32 $0x8100, s14;
	v3 =	vld [tilespmem:s18+$0x10]  }
0x2f: {  	s30 =	sand.u32 $0x1, s11;
	v2 =	vld [tilespmem:s18+$0xFFFFFFF0]  }
0x30: {  	s15 =	smul.u32 $0x8100, s30;
	s14 =	sshrl.u32 s14, $0x2;
	v0 =	vld [tilespmem:s18+$0x0]  }
0x31: {  	v1 =	vld [tilespmem:s18+$0xFFFFFFE0];
	s16 =	sor.u32 $0x4000, s14  }
0x32: {  	s31 =	sshrl.u32 s15, $0x2;
	s15 =	sadd.s32 $0x0, s16  }
0x33: {  	s17 =	simm.s32 $0x4;
	s18 =	sadd.s32 $0x40, s18;
	s14 =	sor.u32 $0x4000, s31;
	[tilespmem:s15+$0x1830 ss:$0x81] =	vst.msk $0xffff, v3  }
.LBB1_3:
0x34: {  	v3 =	vld [tilespmem:s18+$0x10];
	p1 =	sne.s32 s17, $0x1FC;
	[tilespmem:s15+$0x810 ss:$0x81] =	vst.msk $0xffff, v2;
	s19 =	smov.u32 s17;
	s17 =	sadd.s32 $0x4, s17  }
.Ltmp3:
0x35: {  	v2 =	vld [tilespmem:s18+$0xFFFFFFF0];
	[tilespmem:s15+$0x1020 ss:$0x81] =	vst.msk $0xffff, v0;
	(pc) =	sbr.rel @p1 .LBB1_3-.Ltmp3, $4  }
0x36: {  	v0 =	vld [tilespmem:s18+$0x0];
	[tilespmem:s15+$0x0 ss:$0x81] =	vst.msk $0xffff, v1  }
0x37: {  	s15 =	sshra.s32 s19, $0x2;
	v1 =	vld [tilespmem:s18+$0xFFFFFFE0]  }
0x38: {  	s15 =	sadd.s32 s15, s16  }
0x39: {  	s18 =	sadd.s32 $0x40, s18;
	[tilespmem:s15+$0x1830 ss:$0x81] =	vst.msk $0xffff, v3  }
.Ltmp4:
0x3a: {  	_ = 	snop;
	(pc) =	sbr.rel .LBB1_4-.Ltmp4, $1  }
0x3b: {  	_ =	sdelay $0x3  }
.LBB1_6:
0x3c: {  	_ =	sfence.sel $0x180000  }
0x3d: {  	s2 =	simm.s32 $0x1;
	[bflag:$0x0] =	sbarrier.arrive $0xFFFF  }
0x3e: {  	s31 =	simm.s32 $0x2;
	[sflag:s2] =	ssyncpa.u1 $0x1  }
0x3f: {  	[sflag:s31] =	ssyncpa.u1 $0x1  }
0x40: {  	p0 =	sne.s32 s0, $0x0;
	_ =	strace $0x90000050  }
0x41: {  	s0 =	sadd.s32 @!p0 $0x100000, s1;
	[bflag:$0x2] =	sbarrier.arrive $0xFFFF  }
0x42: {  	[sflag:s0] =	ssyncadd.tile.s32 @!p0 $0x1;
	_ =	shalt  }
.Lfunc_end1:
_tile_overlayer_lowered:
.L_overlay_start_2:
0x43: {  	(tag) =	ssettag $0x2  }
0x44: {  	s0 =	rddreg [dreg:$0x0];
	s2 =	stileid.u32  }
0x45: {  	s1 =	rddreg [dreg:$0x1];
	p0 =	sne.s32 s2, $0x0  }
0x46: {  	s3 =	rddreg [dreg:$0x2];
	[bflag:$0x3] =	sbarrier.arrive $0xFFFF;
	s2 =	simm.s32 @!p0 $0x1C01  }
0x47: {  	[timem:s3], [sflag:s2] =	dma.local @!p0 [hbm:s0], s1  }
0x48: {  	s0 =	simm.s32 @!p0 $0x1  }
0x49: {  	_ =	swait.ge @!p0 [sflag:s0], s1  }
0x4a: {  	s1 =	ssub.s32 @!p0 $0x0, s1;
	[sflag:s0] =	ssyncset.done @!p0 $0x0  }
0x4b: {  	[sflag:s0] =	ssyncadd.s32 @!p0 s1  }
0x4c: {  	[bflag:$0x3] =	sbarrier.arrive $0xFFFF  }
0x4d: {  	_ =	shalt  }

</sc_bundles>
